<compile_context>
chip_gen: v7x
topology: tpu7x:2x2x1
jax: 0.10.2.dev20260603
libtpu: 0.0.44.dev20260713+nightly
codegen_flags: <defaults>
</compile_context>

<pallas_src>
import functools

import jax
import jax.numpy as jnp
from jax import lax
from jax.experimental import pallas as pl
from jax.experimental.pallas import tpu as pltpu, tpu_sc as plsc

D = 64
IDX_BLK = 128
KB = 2
B = KB * IDX_BLK
BP = B + 1
NC = 2
NS = 16
NW = NC * NS
L = 16
NG = 4


def _make_gather(n_batch: int, n_tok: int):
    nblk = n_batch // B
    ntasks = n_tok * nblk
    tasks_per_w = ntasks // NW
    nquads = tasks_per_w // NG

    mesh = plsc.VectorSubcoreMesh(core_axis_name="c", subcore_axis_name="s")

    @functools.partial(
        pl.kernel,
        mesh=mesh,
        out_type=jax.ShapeDtypeStruct((n_tok, D, n_batch), jnp.float32),
        scratch_types=[
            pltpu.VMEM((NG, B), jnp.int32),
            pltpu.VMEM((NG, B, D), jnp.float32),
            pltpu.VMEM((D, BP), jnp.float32),
            pltpu.VMEM((D, BP), jnp.float32),
            [pltpu.SemaphoreType.DMA] * NG,
            [pltpu.SemaphoreType.DMA] * NG,
            [pltpu.SemaphoreType.DMA] * 2,
        ],
        compiler_params=pltpu.CompilerParams(use_tc_tiling_on_sc=False,
                                             needs_layout_passes=False),
    )
    def gather_kernel(table_hbm, idx_hbm, out_hbm,
                      idx_v, rows_v, tr0, tr1, isem, gsem, wsem):
        wid = lax.axis_index("s") * NC + lax.axis_index("c")
        trows = (tr0, tr1)
        lane = lax.iota(jnp.int32, L)

        def task_id(i_local):
            return i_local * NW + wid

        def fire_i(i_local, kb):
            task = task_id(i_local)
            t = task // nblk
            blk = task % nblk
            pltpu.async_copy(idx_hbm.at[t, pl.ds(blk * B, B)],
                             idx_v.at[kb], isem[kb])

        def wait_i(kb):
            pltpu.make_async_copy(idx_hbm.at[0, pl.ds(0, B)], idx_v.at[kb],
                                  isem[kb]).wait()

        def fire_g(kb):
            for j in range(KB):
                pltpu.async_copy(
                    table_hbm.at[idx_v.at[kb].at[pl.ds(j * IDX_BLK,
                                                       IDX_BLK)]],
                    rows_v.at[kb].at[pl.ds(j * IDX_BLK, IDX_BLK)],
                    gsem[kb],
                )

        def drain_g(kb):
            pltpu.make_async_copy(table_hbm.at[pl.ds(0, B)], rows_v.at[kb],
                                  gsem[kb]).wait()

        def transpose(kb, tb):
            src = rows_v.at[kb]
            dst = trows[tb]

            @plsc.parallel_loop(0, B, unroll=8)
            def _(r):
                rv = jnp.full((L,), r, jnp.int32)
                for cb in range(D // L):
                    v = src[r, pl.ds(cb * L, L)]
                    plsc.store_scatter(dst, [cb * L + lane, rv], v)

        def fire_w(i_local, tb):
            task = task_id(i_local)
            t = task // nblk
            blk = task % nblk
            pltpu.async_copy(
                trows[tb].at[:, pl.ds(0, B)],
                out_hbm.at[t].at[:, pl.ds(blk * B, B)],
                wsem[tb],
            )

        def drain_w(tb):
            pltpu.make_async_copy(trows[tb].at[:, pl.ds(0, B)],
                                  out_hbm.at[0].at[:, pl.ds(0, B)],
                                  wsem[tb]).wait()

        for k in range(NG):
            fire_i(k, k)
        for k in range(NG - 1):
            wait_i(k)
            fire_g(k)

        def quad(q, carry):
            i = NG * q
            for k in range(NG):
                ik = i + k

                @pl.when(ik + NG - 1 <= tasks_per_w - 1)
                def _():
                    wait_i((k + NG - 1) % NG)
                    fire_g((k + NG - 1) % NG)

                drain_g(k)

                @pl.when(ik + NG <= tasks_per_w - 1)
                def _():
                    fire_i(ik + NG, k)

                @pl.when(ik >= 2)
                def _():
                    drain_w(k % 2)
                transpose(k, k % 2)
                fire_w(ik, k % 2)
            return carry

        lax.fori_loop(0, nquads, quad, 0)
        drain_w(0)
        drain_w(1)

    return gather_kernel


def kernel(inputs, weight):
    nb, nt = inputs.shape
    idx_t = inputs.T.astype(jnp.int32)
    w2 = lax.optimization_barrier(weight.reshape(weight.shape[0] // 2,
                                                 2 * D))
    out_t = _make_gather(nb, nt)(w2.reshape(weight.shape), idx_t)
    return jnp.transpose(out_t, (2, 0, 1))

# --- scband reference (transcript-rebuilt; emitter-appended) ---
"""Pipeline reference for scband-shared-token-embedding-5892695130164 (READ-ONLY COPY).

The authoritative reference and input builder live on the scoring server;
editing this copy changes nothing except your own understanding.
"""

import jax, jax.numpy as jnp
import numpy as np

VOCAB_SIZE = 1000000
HIDDEN_SIZE = 64

def setup_inputs(seed: int = 0) -> dict:
    key = jax.random.key(seed)
    k_idx, k_w = jax.random.split(key)
    inputs = jax.random.randint(k_idx, (4096, 200), 0, VOCAB_SIZE, dtype=jnp.int64 if jax.config.jax_enable_x64 else jnp.int32)
    # TruncatedNormal(mean=0, stddev=hidden_size**-0.5)
    stddev = HIDDEN_SIZE ** (-0.5)
    weight = jax.random.truncated_normal(k_w, -2.0, 2.0, (VOCAB_SIZE, HIDDEN_SIZE), dtype=jnp.float32) * stddev
    return {"inputs": inputs, "weight": weight}

def reference(inputs, weight):
    # mode='embedding': tf.gather(self.weight, inputs)
    return jnp.take(weight, inputs, axis=0)

if __name__ == "__main__":
    import jax
    _d = setup_inputs()
    print(jax.jit(kernel)(*tuple(_d.values())))

</pallas_src>

<mosaic_0001>
#map = affine_map<(d0, d1) -> (0, 0)>
#map1 = affine_map<(d0, d1) -> (0, 0, 0)>
module attributes {stable_mosaic.version = 14 : i64} {
  func.func @gather_kernel(%arg0: i32, %arg1: i32, %arg2: memref<1000000x64xf32, #tpu.memory_space<hbm>>, %arg3: memref<200x4096xi32, #tpu.memory_space<hbm>>, %arg4: memref<200x64x4096xf32, #tpu.memory_space<hbm>>, %arg5: memref<4x256xi32, #tpu.memory_space<vmem>>, %arg6: memref<4x256x64xf32, #tpu.memory_space<vmem>>, %arg7: memref<64x257xf32, #tpu.memory_space<vmem>>, %arg8: memref<64x257xf32, #tpu.memory_space<vmem>>, %arg9: memref<!tpu.dma_semaphore, #tpu.memory_space<semaphore_mem>>, %arg10: memref<!tpu.dma_semaphore, #tpu.memory_space<semaphore_mem>>, %arg11: memref<!tpu.dma_semaphore, #tpu.memory_space<semaphore_mem>>, %arg12: memref<!tpu.dma_semaphore, #tpu.memory_space<semaphore_mem>>, %arg13: memref<!tpu.dma_semaphore, #tpu.memory_space<semaphore_mem>>, %arg14: memref<!tpu.dma_semaphore, #tpu.memory_space<semaphore_mem>>, %arg15: memref<!tpu.dma_semaphore, #tpu.memory_space<semaphore_mem>>, %arg16: memref<!tpu.dma_semaphore, #tpu.memory_space<semaphore_mem>>, %arg17: memref<!tpu.dma_semaphore, #tpu.memory_space<semaphore_mem>>, %arg18: memref<!tpu.dma_semaphore, #tpu.memory_space<semaphore_mem>>) attributes {dimension_semantics = [#tpu.dimension_semantics<core_parallel>, #tpu.dimension_semantics<subcore_parallel>], iteration_bounds = array<i64: 2, 16>, scalar_prefetch = 0 : i64, scratch_operands = 14 : i64, tpu.core_type = #tpu.core_type<sc_vector_subcore>, window_params = [{transform_indices = #map}, {transform_indices = #map}, {transform_indices = #map1}]} {
    %mul3A = arith.constant 2 : i32
    %mul3A_0 = arith.muli %arg1, %mul3A : i32
    %add3A = arith.addi %mul3A_0, %arg0 : i32
    %iota3A = tpu.iota {dimensions = array<i32: 0>} : vector<16xi32>
    %add3A_1 = arith.constant 0 : i32
    %add3A_2 = arith.addi %add3A_1, %add3A : i32
    %jit3A = arith.constant 16 : i32
    %div3A = arith.divsi %add3A_2, %jit3A : i32
    %sign3A = arith.constant 0 : i32
    %sign3A_3 = arith.cmpi sgt, %add3A_2, %sign3A : i32
    %sign3A_4 = arith.extui %sign3A_3 : i1 to i32
    %sign3A_5 = arith.constant 0 : i32
    %sign3A_6 = arith.cmpi slt, %add3A_2, %sign3A_5 : i32
    %sign3A_7 = arith.extui %sign3A_6 : i1 to i32
    %sign3A_8 = arith.subi %sign3A_4, %sign3A_7 : i32
    %sign3A_9 = arith.constant 0 : i32
    %sign3A_10 = arith.cmpi sgt, %jit3A, %sign3A_9 : i32
    %sign3A_11 = arith.extui %sign3A_10 : i1 to i32
    %sign3A_12 = arith.constant 0 : i32
    %sign3A_13 = arith.cmpi slt, %jit3A, %sign3A_12 : i32
    %sign3A_14 = arith.extui %sign3A_13 : i1 to i32
    %sign3A_15 = arith.subi %sign3A_11, %sign3A_14 : i32
    %ne3A = arith.cmpi ne, %sign3A_8, %sign3A_15 : i32
    %rem3A = arith.remsi %add3A_2, %jit3A : i32
    %ne3A_16 = arith.constant 0 : i32
    %ne3A_17 = arith.cmpi ne, %rem3A, %ne3A_16 : i32
    %and3A = arith.andi %ne3A, %ne3A_17 : i1
    %sub3A = arith.constant 1 : i32
    %sub3A_18 = arith.subi %div3A, %sub3A : i32
    %select_n3A = arith.select %and3A, %sub3A_18, %div3A : i32
    %jit3A_19 = arith.constant 16 : i32
    %eq3A = arith.constant 0 : i32
    %eq3A_20 = arith.cmpi eq, %jit3A_19, %eq3A : i32
    %jit3A_21 = arith.constant 1 : i32
    %select_n3A_22 = arith.select %eq3A_20, %jit3A_21, %jit3A_19 : i32
    %rem3A_23 = arith.remsi %add3A_2, %select_n3A_22 : i32
    %ne3A_24 = arith.constant 0 : i32
    %ne3A_25 = arith.cmpi ne, %rem3A_23, %ne3A_24 : i32
    %lt3A = arith.constant 0 : i32
    %lt3A_26 = arith.cmpi slt, %rem3A_23, %lt3A : i32
    %lt3A_27 = arith.constant 0 : i32
    %lt3A_28 = arith.cmpi slt, %select_n3A_22, %lt3A_27 : i32
    %ne3A_29 = arith.xori %lt3A_26, %lt3A_28 : i1
    %and3A_30 = arith.andi %ne3A_29, %ne3A_25 : i1
    %add3A_31 = arith.addi %rem3A_23, %select_n3A_22 : i32
    %select_n3A_32 = arith.select %and3A_30, %add3A_31, %rem3A_23 : i32
    %mul3A_33 = arith.constant 256 : i32
    %mul3A_34 = arith.muli %select_n3A_32, %mul3A_33 : i32
    %dma_start3A = arith.constant 0 : i32
    %dma_start3A_35 = arith.constant 0 : i32
    %dma_start3A_36 = tpu.memref_slice %arg5[%dma_start3A, %dma_start3A_35] : memref<4x256xi32, #tpu.memory_space<vmem>> -> memref<1x256xi32, #tpu.memory_space<vmem>>
    %dma_start3A_37 = tpu.memref_squeeze %dma_start3A_36 : memref<1x256xi32, #tpu.memory_space<vmem>> -> memref<256xi32, #tpu.memory_space<vmem>>
    %dma_start3A_38 = tpu.memref_slice %arg3[%select_n3A, %mul3A_34] : memref<200x4096xi32, #tpu.memory_space<hbm>> -> memref<1x256xi32, #tpu.memory_space<hbm>>
    %dma_start3A_39 = tpu.memref_squeeze %dma_start3A_38 : memref<1x256xi32, #tpu.memory_space<hbm>> -> memref<256xi32, #tpu.memory_space<hbm>>
    %dma_start3A_40 = arith.constant 0 : i32
    %dma_start3A_41 = tpu.memref_slice %arg5[%dma_start3A, %dma_start3A_40] : memref<4x256xi32, #tpu.memory_space<vmem>> -> memref<1x256xi32, #tpu.memory_space<vmem>>
    %dma_start3A_42 = tpu.memref_squeeze %dma_start3A_41 : memref<1x256xi32, #tpu.memory_space<vmem>> -> memref<256xi32, #tpu.memory_space<vmem>>
    %dma_start3A_43 = tpu.memref_slice %arg3[%select_n3A, %mul3A_34] : memref<200x4096xi32, #tpu.memory_space<hbm>> -> memref<1x256xi32, #tpu.memory_space<hbm>>
    %dma_start3A_44 = tpu.memref_squeeze %dma_start3A_43 : memref<1x256xi32, #tpu.memory_space<hbm>> -> memref<256xi32, #tpu.memory_space<hbm>>
    tpu.enqueue_dma source(%dma_start3A_44 : memref<256xi32, #tpu.memory_space<hbm>>) target(%dma_start3A_42 : memref<256xi32, #tpu.memory_space<vmem>>) target_semaphore(%arg9 : memref<!tpu.dma_semaphore, #tpu.memory_space<semaphore_mem>>)
    %add3A_45 = arith.constant 32 : i32
    %add3A_46 = arith.addi %add3A_45, %add3A : i32
    %jit3A_47 = arith.constant 16 : i32
    %div3A_48 = arith.divsi %add3A_46, %jit3A_47 : i32
    %sign3A_49 = arith.constant 0 : i32
    %sign3A_50 = arith.cmpi sgt, %add3A_46, %sign3A_49 : i32
    %sign3A_51 = arith.extui %sign3A_50 : i1 to i32
    %sign3A_52 = arith.constant 0 : i32
    %sign3A_53 = arith.cmpi slt, %add3A_46, %sign3A_52 : i32
    %sign3A_54 = arith.extui %sign3A_53 : i1 to i32
    %sign3A_55 = arith.subi %sign3A_51, %sign3A_54 : i32
    %sign3A_56 = arith.constant 0 : i32
    %sign3A_57 = arith.cmpi sgt, %jit3A_47, %sign3A_56 : i32
    %sign3A_58 = arith.extui %sign3A_57 : i1 to i32
    %sign3A_59 = arith.constant 0 : i32
    %sign3A_60 = arith.cmpi slt, %jit3A_47, %sign3A_59 : i32
    %sign3A_61 = arith.extui %sign3A_60 : i1 to i32
    %sign3A_62 = arith.subi %sign3A_58, %sign3A_61 : i32
    %ne3A_63 = arith.cmpi ne, %sign3A_55, %sign3A_62 : i32
    %rem3A_64 = arith.remsi %add3A_46, %jit3A_47 : i32
    %ne3A_65 = arith.constant 0 : i32
    %ne3A_66 = arith.cmpi ne, %rem3A_64, %ne3A_65 : i32
    %and3A_67 = arith.andi %ne3A_63, %ne3A_66 : i1
    %sub3A_68 = arith.constant 1 : i32
    %sub3A_69 = arith.subi %div3A_48, %sub3A_68 : i32
    %select_n3A_70 = arith.select %and3A_67, %sub3A_69, %div3A_48 : i32
    %jit3A_71 = arith.constant 16 : i32
    %eq3A_72 = arith.constant 0 : i32
    %eq3A_73 = arith.cmpi eq, %jit3A_71, %eq3A_72 : i32
    %jit3A_74 = arith.constant 1 : i32
    %select_n3A_75 = arith.select %eq3A_73, %jit3A_74, %jit3A_71 : i32
    %rem3A_76 = arith.remsi %add3A_46, %select_n3A_75 : i32
    %ne3A_77 = arith.constant 0 : i32
    %ne3A_78 = arith.cmpi ne, %rem3A_76, %ne3A_77 : i32
    %lt3A_79 = arith.constant 0 : i32
    %lt3A_80 = arith.cmpi slt, %rem3A_76, %lt3A_79 : i32
    %lt3A_81 = arith.constant 0 : i32
    %lt3A_82 = arith.cmpi slt, %select_n3A_75, %lt3A_81 : i32
    %ne3A_83 = arith.xori %lt3A_80, %lt3A_82 : i1
    %and3A_84 = arith.andi %ne3A_83, %ne3A_78 : i1
    %add3A_85 = arith.addi %rem3A_76, %select_n3A_75 : i32
    %select_n3A_86 = arith.select %and3A_84, %add3A_85, %rem3A_76 : i32
    %mul3A_87 = arith.constant 256 : i32
    %mul3A_88 = arith.muli %select_n3A_86, %mul3A_87 : i32
    %dma_start3A_89 = arith.constant 1 : i32
    %dma_start3A_90 = arith.constant 0 : i32
    %dma_start3A_91 = tpu.memref_slice %arg5[%dma_start3A_89, %dma_start3A_90] : memref<4x256xi32, #tpu.memory_space<vmem>> -> memref<1x256xi32, #tpu.memory_space<vmem>>
    %dma_start3A_92 = tpu.memref_squeeze %dma_start3A_91 : memref<1x256xi32, #tpu.memory_space<vmem>> -> memref<256xi32, #tpu.memory_space<vmem>>
    %dma_start3A_93 = tpu.memref_slice %arg3[%select_n3A_70, %mul3A_88] : memref<200x4096xi32, #tpu.memory_space<hbm>> -> memref<1x256xi32, #tpu.memory_space<hbm>>
    %dma_start3A_94 = tpu.memref_squeeze %dma_start3A_93 : memref<1x256xi32, #tpu.memory_space<hbm>> -> memref<256xi32, #tpu.memory_space<hbm>>
    %dma_start3A_95 = arith.constant 0 : i32
    %dma_start3A_96 = tpu.memref_slice %arg5[%dma_start3A_89, %dma_start3A_95] : memref<4x256xi32, #tpu.memory_space<vmem>> -> memref<1x256xi32, #tpu.memory_space<vmem>>
    %dma_start3A_97 = tpu.memref_squeeze %dma_start3A_96 : memref<1x256xi32, #tpu.memory_space<vmem>> -> memref<256xi32, #tpu.memory_space<vmem>>
    %dma_start3A_98 = tpu.memref_slice %arg3[%select_n3A_70, %mul3A_88] : memref<200x4096xi32, #tpu.memory_space<hbm>> -> memref<1x256xi32, #tpu.memory_space<hbm>>
    %dma_start3A_99 = tpu.memref_squeeze %dma_start3A_98 : memref<1x256xi32, #tpu.memory_space<hbm>> -> memref<256xi32, #tpu.memory_space<hbm>>
    tpu.enqueue_dma source(%dma_start3A_99 : memref<256xi32, #tpu.memory_space<hbm>>) target(%dma_start3A_97 : memref<256xi32, #tpu.memory_space<vmem>>) target_semaphore(%arg10 : memref<!tpu.dma_semaphore, #tpu.memory_space<semaphore_mem>>)
    %add3A_100 = arith.constant 64 : i32
    %add3A_101 = arith.addi %add3A_100, %add3A : i32
    %jit3A_102 = arith.constant 16 : i32
    %div3A_103 = arith.divsi %add3A_101, %jit3A_102 : i32
    %sign3A_104 = arith.constant 0 : i32
    %sign3A_105 = arith.cmpi sgt, %add3A_101, %sign3A_104 : i32
    %sign3A_106 = arith.extui %sign3A_105 : i1 to i32
    %sign3A_107 = arith.constant 0 : i32
    %sign3A_108 = arith.cmpi slt, %add3A_101, %sign3A_107 : i32
    %sign3A_109 = arith.extui %sign3A_108 : i1 to i32
    %sign3A_110 = arith.subi %sign3A_106, %sign3A_109 : i32
    %sign3A_111 = arith.constant 0 : i32
    %sign3A_112 = arith.cmpi sgt, %jit3A_102, %sign3A_111 : i32
    %sign3A_113 = arith.extui %sign3A_112 : i1 to i32
    %sign3A_114 = arith.constant 0 : i32
    %sign3A_115 = arith.cmpi slt, %jit3A_102, %sign3A_114 : i32
    %sign3A_116 = arith.extui %sign3A_115 : i1 to i32
    %sign3A_117 = arith.subi %sign3A_113, %sign3A_116 : i32
    %ne3A_118 = arith.cmpi ne, %sign3A_110, %sign3A_117 : i32
    %rem3A_119 = arith.remsi %add3A_101, %jit3A_102 : i32
    %ne3A_120 = arith.constant 0 : i32
    %ne3A_121 = arith.cmpi ne, %rem3A_119, %ne3A_120 : i32
    %and3A_122 = arith.andi %ne3A_118, %ne3A_121 : i1
    %sub3A_123 = arith.constant 1 : i32
    %sub3A_124 = arith.subi %div3A_103, %sub3A_123 : i32
    %select_n3A_125 = arith.select %and3A_122, %sub3A_124, %div3A_103 : i32
    %jit3A_126 = arith.constant 16 : i32
    %eq3A_127 = arith.constant 0 : i32
    %eq3A_128 = arith.cmpi eq, %jit3A_126, %eq3A_127 : i32
    %jit3A_129 = arith.constant 1 : i32
    %select_n3A_130 = arith.select %eq3A_128, %jit3A_129, %jit3A_126 : i32
    %rem3A_131 = arith.remsi %add3A_101, %select_n3A_130 : i32
    %ne3A_132 = arith.constant 0 : i32
    %ne3A_133 = arith.cmpi ne, %rem3A_131, %ne3A_132 : i32
    %lt3A_134 = arith.constant 0 : i32
    %lt3A_135 = arith.cmpi slt, %rem3A_131, %lt3A_134 : i32
    %lt3A_136 = arith.constant 0 : i32
    %lt3A_137 = arith.cmpi slt, %select_n3A_130, %lt3A_136 : i32
    %ne3A_138 = arith.xori %lt3A_135, %lt3A_137 : i1
    %and3A_139 = arith.andi %ne3A_138, %ne3A_133 : i1
    %add3A_140 = arith.addi %rem3A_131, %select_n3A_130 : i32
    %select_n3A_141 = arith.select %and3A_139, %add3A_140, %rem3A_131 : i32
    %mul3A_142 = arith.constant 256 : i32
    %mul3A_143 = arith.muli %select_n3A_141, %mul3A_142 : i32
    %dma_start3A_144 = arith.constant 2 : i32
    %dma_start3A_145 = arith.constant 0 : i32
    %dma_start3A_146 = tpu.memref_slice %arg5[%dma_start3A_144, %dma_start3A_145] : memref<4x256xi32, #tpu.memory_space<vmem>> -> memref<1x256xi32, #tpu.memory_space<vmem>>
    %dma_start3A_147 = tpu.memref_squeeze %dma_start3A_146 : memref<1x256xi32, #tpu.memory_space<vmem>> -> memref<256xi32, #tpu.memory_space<vmem>>
    %dma_start3A_148 = tpu.memref_slice %arg3[%select_n3A_125, %mul3A_143] : memref<200x4096xi32, #tpu.memory_space<hbm>> -> memref<1x256xi32, #tpu.memory_space<hbm>>
    %dma_start3A_149 = tpu.memref_squeeze %dma_start3A_148 : memref<1x256xi32, #tpu.memory_space<hbm>> -> memref<256xi32, #tpu.memory_space<hbm>>
    %dma_start3A_150 = arith.constant 0 : i32
    %dma_start3A_151 = tpu.memref_slice %arg5[%dma_start3A_144, %dma_start3A_150] : memref<4x256xi32, #tpu.memory_space<vmem>> -> memref<1x256xi32, #tpu.memory_space<vmem>>
    %dma_start3A_152 = tpu.memref_squeeze %dma_start3A_151 : memref<1x256xi32, #tpu.memory_space<vmem>> -> memref<256xi32, #tpu.memory_space<vmem>>
    %dma_start3A_153 = tpu.memref_slice %arg3[%select_n3A_125, %mul3A_143] : memref<200x4096xi32, #tpu.memory_space<hbm>> -> memref<1x256xi32, #tpu.memory_space<hbm>>
    %dma_start3A_154 = tpu.memref_squeeze %dma_start3A_153 : memref<1x256xi32, #tpu.memory_space<hbm>> -> memref<256xi32, #tpu.memory_space<hbm>>
    tpu.enqueue_dma source(%dma_start3A_154 : memref<256xi32, #tpu.memory_space<hbm>>) target(%dma_start3A_152 : memref<256xi32, #tpu.memory_space<vmem>>) target_semaphore(%arg11 : memref<!tpu.dma_semaphore, #tpu.memory_space<semaphore_mem>>)
    %add3A_155 = arith.constant 96 : i32
    %add3A_156 = arith.addi %add3A_155, %add3A : i32
    %jit3A_157 = arith.constant 16 : i32
    %div3A_158 = arith.divsi %add3A_156, %jit3A_157 : i32
    %sign3A_159 = arith.constant 0 : i32
    %sign3A_160 = arith.cmpi sgt, %add3A_156, %sign3A_159 : i32
    %sign3A_161 = arith.extui %sign3A_160 : i1 to i32
    %sign3A_162 = arith.constant 0 : i32
    %sign3A_163 = arith.cmpi slt, %add3A_156, %sign3A_162 : i32
    %sign3A_164 = arith.extui %sign3A_163 : i1 to i32
    %sign3A_165 = arith.subi %sign3A_161, %sign3A_164 : i32
    %sign3A_166 = arith.constant 0 : i32
    %sign3A_167 = arith.cmpi sgt, %jit3A_157, %sign3A_166 : i32
    %sign3A_168 = arith.extui %sign3A_167 : i1 to i32
    %sign3A_169 = arith.constant 0 : i32
    %sign3A_170 = arith.cmpi slt, %jit3A_157, %sign3A_169 : i32
    %sign3A_171 = arith.extui %sign3A_170 : i1 to i32
    %sign3A_172 = arith.subi %sign3A_168, %sign3A_171 : i32
    %ne3A_173 = arith.cmpi ne, %sign3A_165, %sign3A_172 : i32
    %rem3A_174 = arith.remsi %add3A_156, %jit3A_157 : i32
    %ne3A_175 = arith.constant 0 : i32
    %ne3A_176 = arith.cmpi ne, %rem3A_174, %ne3A_175 : i32
    %and3A_177 = arith.andi %ne3A_173, %ne3A_176 : i1
    %sub3A_178 = arith.constant 1 : i32
    %sub3A_179 = arith.subi %div3A_158, %sub3A_178 : i32
    %select_n3A_180 = arith.select %and3A_177, %sub3A_179, %div3A_158 : i32
    %jit3A_181 = arith.constant 16 : i32
    %eq3A_182 = arith.constant 0 : i32
    %eq3A_183 = arith.cmpi eq, %jit3A_181, %eq3A_182 : i32
    %jit3A_184 = arith.constant 1 : i32
    %select_n3A_185 = arith.select %eq3A_183, %jit3A_184, %jit3A_181 : i32
    %rem3A_186 = arith.remsi %add3A_156, %select_n3A_185 : i32
    %ne3A_187 = arith.constant 0 : i32
    %ne3A_188 = arith.cmpi ne, %rem3A_186, %ne3A_187 : i32
    %lt3A_189 = arith.constant 0 : i32
    %lt3A_190 = arith.cmpi slt, %rem3A_186, %lt3A_189 : i32
    %lt3A_191 = arith.constant 0 : i32
    %lt3A_192 = arith.cmpi slt, %select_n3A_185, %lt3A_191 : i32
    %ne3A_193 = arith.xori %lt3A_190, %lt3A_192 : i1
    %and3A_194 = arith.andi %ne3A_193, %ne3A_188 : i1
    %add3A_195 = arith.addi %rem3A_186, %select_n3A_185 : i32
    %select_n3A_196 = arith.select %and3A_194, %add3A_195, %rem3A_186 : i32
    %mul3A_197 = arith.constant 256 : i32
    %mul3A_198 = arith.muli %select_n3A_196, %mul3A_197 : i32
    %dma_start3A_199 = arith.constant 3 : i32
    %dma_start3A_200 = arith.constant 0 : i32
    %dma_start3A_201 = tpu.memref_slice %arg5[%dma_start3A_199, %dma_start3A_200] : memref<4x256xi32, #tpu.memory_space<vmem>> -> memref<1x256xi32, #tpu.memory_space<vmem>>
    %dma_start3A_202 = tpu.memref_squeeze %dma_start3A_201 : memref<1x256xi32, #tpu.memory_space<vmem>> -> memref<256xi32, #tpu.memory_space<vmem>>
    %dma_start3A_203 = tpu.memref_slice %arg3[%select_n3A_180, %mul3A_198] : memref<200x4096xi32, #tpu.memory_space<hbm>> -> memref<1x256xi32, #tpu.memory_space<hbm>>
    %dma_start3A_204 = tpu.memref_squeeze %dma_start3A_203 : memref<1x256xi32, #tpu.memory_space<hbm>> -> memref<256xi32, #tpu.memory_space<hbm>>
    %dma_start3A_205 = arith.constant 0 : i32
    %dma_start3A_206 = tpu.memref_slice %arg5[%dma_start3A_199, %dma_start3A_205] : memref<4x256xi32, #tpu.memory_space<vmem>> -> memref<1x256xi32, #tpu.memory_space<vmem>>
    %dma_start3A_207 = tpu.memref_squeeze %dma_start3A_206 : memref<1x256xi32, #tpu.memory_space<vmem>> -> memref<256xi32, #tpu.memory_space<vmem>>
    %dma_start3A_208 = tpu.memref_slice %arg3[%select_n3A_180, %mul3A_198] : memref<200x4096xi32, #tpu.memory_space<hbm>> -> memref<1x256xi32, #tpu.memory_space<hbm>>
    %dma_start3A_209 = tpu.memref_squeeze %dma_start3A_208 : memref<1x256xi32, #tpu.memory_space<hbm>> -> memref<256xi32, #tpu.memory_space<hbm>>
    tpu.enqueue_dma source(%dma_start3A_209 : memref<256xi32, #tpu.memory_space<hbm>>) target(%dma_start3A_207 : memref<256xi32, #tpu.memory_space<vmem>>) target_semaphore(%arg12 : memref<!tpu.dma_semaphore, #tpu.memory_space<semaphore_mem>>)
    %dma_wait3A = arith.constant 0 : i32
    %dma_wait3A_210 = arith.constant 0 : i32
    %dma_wait3A_211 = arith.constant 0 : i32
    %dma_wait3A_212 = tpu.memref_slice %arg5[%dma_wait3A_210, %dma_wait3A_211] : memref<4x256xi32, #tpu.memory_space<vmem>> -> memref<1x256xi32, #tpu.memory_space<vmem>>
    %dma_wait3A_213 = tpu.memref_squeeze %dma_wait3A_212 : memref<1x256xi32, #tpu.memory_space<vmem>> -> memref<256xi32, #tpu.memory_space<vmem>>
    %dma_wait3A_214 = arith.constant 0 : i32
    %dma_wait3A_215 = tpu.memref_slice %arg3[%dma_wait3A, %dma_wait3A_214] : memref<200x4096xi32, #tpu.memory_space<hbm>> -> memref<1x256xi32, #tpu.memory_space<hbm>>
    %dma_wait3A_216 = tpu.memref_squeeze %dma_wait3A_215 : memref<1x256xi32, #tpu.memory_space<hbm>> -> memref<256xi32, #tpu.memory_space<hbm>>
    %dma_wait3A_217 = arith.constant 0 : i32
    %dma_wait3A_218 = tpu.memref_slice %arg5[%dma_wait3A_210, %dma_wait3A_217] : memref<4x256xi32, #tpu.memory_space<vmem>> -> memref<1x256xi32, #tpu.memory_space<vmem>>
    %dma_wait3A_219 = tpu.memref_squeeze %dma_wait3A_218 : memref<1x256xi32, #tpu.memory_space<vmem>> -> memref<256xi32, #tpu.memory_space<vmem>>
    %dma_wait3A_220 = arith.constant 0 : i32
    %dma_wait3A_221 = tpu.memref_slice %arg3[%dma_wait3A, %dma_wait3A_220] : memref<200x4096xi32, #tpu.memory_space<hbm>> -> memref<1x256xi32, #tpu.memory_space<hbm>>
    %dma_wait3A_222 = tpu.memref_squeeze %dma_wait3A_221 : memref<1x256xi32, #tpu.memory_space<hbm>> -> memref<256xi32, #tpu.memory_space<hbm>>
    tpu.wait_dma2 semaphore(%arg9 : memref<!tpu.dma_semaphore, #tpu.memory_space<semaphore_mem>>) src(%dma_wait3A_222 : memref<256xi32, #tpu.memory_space<hbm>>) dst(%dma_wait3A_219 : memref<256xi32, #tpu.memory_space<vmem>>)
    %dma_start3A_223 = arith.constant 0 : i32
    %dma_start3A_224 = arith.constant 0 : i32
    %dma_start3A_225 = arith.constant 0 : i32
    %dma_start3A_226 = arith.constant 0 : i32
    %dma_start3A_227 = tpu.memref_slice %arg6[%dma_start3A_224, %dma_start3A_225, %dma_start3A_226] : memref<4x256x64xf32, #tpu.memory_space<vmem>> -> memref<1x256x64xf32, #tpu.memory_space<vmem>>
    %dma_start3A_228 = tpu.memref_squeeze %dma_start3A_227 : memref<1x256x64xf32, #tpu.memory_space<vmem>> -> memref<256x64xf32, #tpu.memory_space<vmem>>
    %dma_start3A_229 = arith.constant 0 : i32
    %dma_start3A_230 = arith.constant 0 : i32
    %dma_start3A_231 = tpu.memref_slice %dma_start3A_228[%dma_start3A_229, %dma_start3A_230] : memref<256x64xf32, #tpu.memory_space<vmem>> -> memref<128x64xf32, #tpu.memory_space<vmem>>
    %dma_start3A_232 = arith.constant 0 : i32
    %dma_start3A_233 = tpu.memref_slice %arg5[%dma_start3A_223, %dma_start3A_232] : memref<4x256xi32, #tpu.memory_space<vmem>> -> memref<1x256xi32, #tpu.memory_space<vmem>>
    %dma_start3A_234 = tpu.memref_squeeze %dma_start3A_233 : memref<1x256xi32, #tpu.memory_space<vmem>> -> memref<256xi32, #tpu.memory_space<vmem>>
    %dma_start3A_235 = arith.constant 0 : i32
    %dma_start3A_236 = tpu.memref_slice %dma_start3A_234[%dma_start3A_235] : memref<256xi32, #tpu.memory_space<vmem>> -> memref<128xi32, #tpu.memory_space<vmem>>
    %dma_start3A_237 = arith.constant 0 : i32
    %dma_start3A_238 = arith.constant 0 : i32
    %dma_start3A_239 = tpu.memref_slice %arg2[%dma_start3A_237, %dma_start3A_238] : memref<1000000x64xf32, #tpu.memory_space<hbm>> -> memref<1000000x64xf32, #tpu.memory_space<hbm>>
    tpu.enqueue_indirect_dma source(%dma_start3A_239 : memref<1000000x64xf32, #tpu.memory_space<hbm>>) target(%dma_start3A_231 : memref<128x64xf32, #tpu.memory_space<vmem>>) offsets(%dma_start3A_236 : memref<128xi32, #tpu.memory_space<vmem>>) semaphore(%arg13 : memref<!tpu.dma_semaphore, #tpu.memory_space<semaphore_mem>>)
    %dma_start3A_240 = arith.constant 0 : i32
    %dma_start3A_241 = arith.constant 0 : i32
    %dma_start3A_242 = arith.constant 0 : i32
    %dma_start3A_243 = arith.constant 0 : i32
    %dma_start3A_244 = tpu.memref_slice %arg6[%dma_start3A_241, %dma_start3A_242, %dma_start3A_243] : memref<4x256x64xf32, #tpu.memory_space<vmem>> -> memref<1x256x64xf32, #tpu.memory_space<vmem>>
    %dma_start3A_245 = tpu.memref_squeeze %dma_start3A_244 : memref<1x256x64xf32, #tpu.memory_space<vmem>> -> memref<256x64xf32, #tpu.memory_space<vmem>>
    %dma_start3A_246 = arith.constant 128 : i32
    %dma_start3A_247 = arith.constant 0 : i32
    %dma_start3A_248 = tpu.memref_slice %dma_start3A_245[%dma_start3A_246, %dma_start3A_247] : memref<256x64xf32, #tpu.memory_space<vmem>> -> memref<128x64xf32, #tpu.memory_space<vmem>>
    %dma_start3A_249 = arith.constant 0 : i32
    %dma_start3A_250 = tpu.memref_slice %arg5[%dma_start3A_240, %dma_start3A_249] : memref<4x256xi32, #tpu.memory_space<vmem>> -> memref<1x256xi32, #tpu.memory_space<vmem>>
    %dma_start3A_251 = tpu.memref_squeeze %dma_start3A_250 : memref<1x256xi32, #tpu.memory_space<vmem>> -> memref<256xi32, #tpu.memory_space<vmem>>
    %dma_start3A_252 = arith.constant 128 : i32
    %dma_start3A_253 = tpu.memref_slice %dma_start3A_251[%dma_start3A_252] : memref<256xi32, #tpu.memory_space<vmem>> -> memref<128xi32, #tpu.memory_space<vmem>>
    %dma_start3A_254 = arith.constant 0 : i32
    %dma_start3A_255 = arith.constant 0 : i32
    %dma_start3A_256 = tpu.memref_slice %arg2[%dma_start3A_254, %dma_start3A_255] : memref<1000000x64xf32, #tpu.memory_space<hbm>> -> memref<1000000x64xf32, #tpu.memory_space<hbm>>
    tpu.enqueue_indirect_dma source(%dma_start3A_256 : memref<1000000x64xf32, #tpu.memory_space<hbm>>) target(%dma_start3A_248 : memref<128x64xf32, #tpu.memory_space<vmem>>) offsets(%dma_start3A_253 : memref<128xi32, #tpu.memory_space<vmem>>) semaphore(%arg13 : memref<!tpu.dma_semaphore, #tpu.memory_space<semaphore_mem>>)
    %dma_wait3A_257 = arith.constant 0 : i32
    %dma_wait3A_258 = arith.constant 1 : i32
    %dma_wait3A_259 = arith.constant 0 : i32
    %dma_wait3A_260 = tpu.memref_slice %arg5[%dma_wait3A_258, %dma_wait3A_259] : memref<4x256xi32, #tpu.memory_space<vmem>> -> memref<1x256xi32, #tpu.memory_space<vmem>>
    %dma_wait3A_261 = tpu.memref_squeeze %dma_wait3A_260 : memref<1x256xi32, #tpu.memory_space<vmem>> -> memref<256xi32, #tpu.memory_space<vmem>>
    %dma_wait3A_262 = arith.constant 0 : i32
    %dma_wait3A_263 = tpu.memref_slice %arg3[%dma_wait3A_257, %dma_wait3A_262] : memref<200x4096xi32, #tpu.memory_space<hbm>> -> memref<1x256xi32, #tpu.memory_space<hbm>>
    %dma_wait3A_264 = tpu.memref_squeeze %dma_wait3A_263 : memref<1x256xi32, #tpu.memory_space<hbm>> -> memref<256xi32, #tpu.memory_space<hbm>>
    %dma_wait3A_265 = arith.constant 0 : i32
    %dma_wait3A_266 = tpu.memref_slice %arg5[%dma_wait3A_258, %dma_wait3A_265] : memref<4x256xi32, #tpu.memory_space<vmem>> -> memref<1x256xi32, #tpu.memory_space<vmem>>
    %dma_wait3A_267 = tpu.memref_squeeze %dma_wait3A_266 : memref<1x256xi32, #tpu.memory_space<vmem>> -> memref<256xi32, #tpu.memory_space<vmem>>
    %dma_wait3A_268 = arith.constant 0 : i32
    %dma_wait3A_269 = tpu.memref_slice %arg3[%dma_wait3A_257, %dma_wait3A_268] : memref<200x4096xi32, #tpu.memory_space<hbm>> -> memref<1x256xi32, #tpu.memory_space<hbm>>
    %dma_wait3A_270 = tpu.memref_squeeze %dma_wait3A_269 : memref<1x256xi32, #tpu.memory_space<hbm>> -> memref<256xi32, #tpu.memory_space<hbm>>
    tpu.wait_dma2 semaphore(%arg10 : memref<!tpu.dma_semaphore, #tpu.memory_space<semaphore_mem>>) src(%dma_wait3A_270 : memref<256xi32, #tpu.memory_space<hbm>>) dst(%dma_wait3A_267 : memref<256xi32, #tpu.memory_space<vmem>>)
    %dma_start3A_271 = arith.constant 1 : i32
    %dma_start3A_272 = arith.constant 1 : i32
    %dma_start3A_273 = arith.constant 0 : i32
    %dma_start3A_274 = arith.constant 0 : i32
    %dma_start3A_275 = tpu.memref_slice %arg6[%dma_start3A_272, %dma_start3A_273, %dma_start3A_274] : memref<4x256x64xf32, #tpu.memory_space<vmem>> -> memref<1x256x64xf32, #tpu.memory_space<vmem>>
    %dma_start3A_276 = tpu.memref_squeeze %dma_start3A_275 : memref<1x256x64xf32, #tpu.memory_space<vmem>> -> memref<256x64xf32, #tpu.memory_space<vmem>>
    %dma_start3A_277 = arith.constant 0 : i32
    %dma_start3A_278 = arith.constant 0 : i32
    %dma_start3A_279 = tpu.memref_slice %dma_start3A_276[%dma_start3A_277, %dma_start3A_278] : memref<256x64xf32, #tpu.memory_space<vmem>> -> memref<128x64xf32, #tpu.memory_space<vmem>>
    %dma_start3A_280 = arith.constant 0 : i32
    %dma_start3A_281 = tpu.memref_slice %arg5[%dma_start3A_271, %dma_start3A_280] : memref<4x256xi32, #tpu.memory_space<vmem>> -> memref<1x256xi32, #tpu.memory_space<vmem>>
    %dma_start3A_282 = tpu.memref_squeeze %dma_start3A_281 : memref<1x256xi32, #tpu.memory_space<vmem>> -> memref<256xi32, #tpu.memory_space<vmem>>
    %dma_start3A_283 = arith.constant 0 : i32
    %dma_start3A_284 = tpu.memref_slice %dma_start3A_282[%dma_start3A_283] : memref<256xi32, #tpu.memory_space<vmem>> -> memref<128xi32, #tpu.memory_space<vmem>>
    %dma_start3A_285 = arith.constant 0 : i32
    %dma_start3A_286 = arith.constant 0 : i32
    %dma_start3A_287 = tpu.memref_slice %arg2[%dma_start3A_285, %dma_start3A_286] : memref<1000000x64xf32, #tpu.memory_space<hbm>> -> memref<1000000x64xf32, #tpu.memory_space<hbm>>
    tpu.enqueue_indirect_dma source(%dma_start3A_287 : memref<1000000x64xf32, #tpu.memory_space<hbm>>) target(%dma_start3A_279 : memref<128x64xf32, #tpu.memory_space<vmem>>) offsets(%dma_start3A_284 : memref<128xi32, #tpu.memory_space<vmem>>) semaphore(%arg14 : memref<!tpu.dma_semaphore, #tpu.memory_space<semaphore_mem>>)
    %dma_start3A_288 = arith.constant 1 : i32
    %dma_start3A_289 = arith.constant 1 : i32
    %dma_start3A_290 = arith.constant 0 : i32
    %dma_start3A_291 = arith.constant 0 : i32
    %dma_start3A_292 = tpu.memref_slice %arg6[%dma_start3A_289, %dma_start3A_290, %dma_start3A_291] : memref<4x256x64xf32, #tpu.memory_space<vmem>> -> memref<1x256x64xf32, #tpu.memory_space<vmem>>
    %dma_start3A_293 = tpu.memref_squeeze %dma_start3A_292 : memref<1x256x64xf32, #tpu.memory_space<vmem>> -> memref<256x64xf32, #tpu.memory_space<vmem>>
    %dma_start3A_294 = arith.constant 128 : i32
    %dma_start3A_295 = arith.constant 0 : i32
    %dma_start3A_296 = tpu.memref_slice %dma_start3A_293[%dma_start3A_294, %dma_start3A_295] : memref<256x64xf32, #tpu.memory_space<vmem>> -> memref<128x64xf32, #tpu.memory_space<vmem>>
    %dma_start3A_297 = arith.constant 0 : i32
    %dma_start3A_298 = tpu.memref_slice %arg5[%dma_start3A_288, %dma_start3A_297] : memref<4x256xi32, #tpu.memory_space<vmem>> -> memref<1x256xi32, #tpu.memory_space<vmem>>
    %dma_start3A_299 = tpu.memref_squeeze %dma_start3A_298 : memref<1x256xi32, #tpu.memory_space<vmem>> -> memref<256xi32, #tpu.memory_space<vmem>>
    %dma_start3A_300 = arith.constant 128 : i32
    %dma_start3A_301 = tpu.memref_slice %dma_start3A_299[%dma_start3A_300] : memref<256xi32, #tpu.memory_space<vmem>> -> memref<128xi32, #tpu.memory_space<vmem>>
    %dma_start3A_302 = arith.constant 0 : i32
    %dma_start3A_303 = arith.constant 0 : i32
    %dma_start3A_304 = tpu.memref_slice %arg2[%dma_start3A_302, %dma_start3A_303] : memref<1000000x64xf32, #tpu.memory_space<hbm>> -> memref<1000000x64xf32, #tpu.memory_space<hbm>>
    tpu.enqueue_indirect_dma source(%dma_start3A_304 : memref<1000000x64xf32, #tpu.memory_space<hbm>>) target(%dma_start3A_296 : memref<128x64xf32, #tpu.memory_space<vmem>>) offsets(%dma_start3A_301 : memref<128xi32, #tpu.memory_space<vmem>>) semaphore(%arg14 : memref<!tpu.dma_semaphore, #tpu.memory_space<semaphore_mem>>)
    %dma_wait3A_305 = arith.constant 0 : i32
    %dma_wait3A_306 = arith.constant 2 : i32
    %dma_wait3A_307 = arith.constant 0 : i32
    %dma_wait3A_308 = tpu.memref_slice %arg5[%dma_wait3A_306, %dma_wait3A_307] : memref<4x256xi32, #tpu.memory_space<vmem>> -> memref<1x256xi32, #tpu.memory_space<vmem>>
    %dma_wait3A_309 = tpu.memref_squeeze %dma_wait3A_308 : memref<1x256xi32, #tpu.memory_space<vmem>> -> memref<256xi32, #tpu.memory_space<vmem>>
    %dma_wait3A_310 = arith.constant 0 : i32
    %dma_wait3A_311 = tpu.memref_slice %arg3[%dma_wait3A_305, %dma_wait3A_310] : memref<200x4096xi32, #tpu.memory_space<hbm>> -> memref<1x256xi32, #tpu.memory_space<hbm>>
    %dma_wait3A_312 = tpu.memref_squeeze %dma_wait3A_311 : memref<1x256xi32, #tpu.memory_space<hbm>> -> memref<256xi32, #tpu.memory_space<hbm>>
    %dma_wait3A_313 = arith.constant 0 : i32
    %dma_wait3A_314 = tpu.memref_slice %arg5[%dma_wait3A_306, %dma_wait3A_313] : memref<4x256xi32, #tpu.memory_space<vmem>> -> memref<1x256xi32, #tpu.memory_space<vmem>>
    %dma_wait3A_315 = tpu.memref_squeeze %dma_wait3A_314 : memref<1x256xi32, #tpu.memory_space<vmem>> -> memref<256xi32, #tpu.memory_space<vmem>>
    %dma_wait3A_316 = arith.constant 0 : i32
    %dma_wait3A_317 = tpu.memref_slice %arg3[%dma_wait3A_305, %dma_wait3A_316] : memref<200x4096xi32, #tpu.memory_space<hbm>> -> memref<1x256xi32, #tpu.memory_space<hbm>>
    %dma_wait3A_318 = tpu.memref_squeeze %dma_wait3A_317 : memref<1x256xi32, #tpu.memory_space<hbm>> -> memref<256xi32, #tpu.memory_space<hbm>>
    tpu.wait_dma2 semaphore(%arg11 : memref<!tpu.dma_semaphore, #tpu.memory_space<semaphore_mem>>) src(%dma_wait3A_318 : memref<256xi32, #tpu.memory_space<hbm>>) dst(%dma_wait3A_315 : memref<256xi32, #tpu.memory_space<vmem>>)
    %dma_start3A_319 = arith.constant 2 : i32
    %dma_start3A_320 = arith.constant 2 : i32
    %dma_start3A_321 = arith.constant 0 : i32
    %dma_start3A_322 = arith.constant 0 : i32
    %dma_start3A_323 = tpu.memref_slice %arg6[%dma_start3A_320, %dma_start3A_321, %dma_start3A_322] : memref<4x256x64xf32, #tpu.memory_space<vmem>> -> memref<1x256x64xf32, #tpu.memory_space<vmem>>
    %dma_start3A_324 = tpu.memref_squeeze %dma_start3A_323 : memref<1x256x64xf32, #tpu.memory_space<vmem>> -> memref<256x64xf32, #tpu.memory_space<vmem>>
    %dma_start3A_325 = arith.constant 0 : i32
    %dma_start3A_326 = arith.constant 0 : i32
    %dma_start3A_327 = tpu.memref_slice %dma_start3A_324[%dma_start3A_325, %dma_start3A_326] : memref<256x64xf32, #tpu.memory_space<vmem>> -> memref<128x64xf32, #tpu.memory_space<vmem>>
    %dma_start3A_328 = arith.constant 0 : i32
    %dma_start3A_329 = tpu.memref_slice %arg5[%dma_start3A_319, %dma_start3A_328] : memref<4x256xi32, #tpu.memory_space<vmem>> -> memref<1x256xi32, #tpu.memory_space<vmem>>
    %dma_start3A_330 = tpu.memref_squeeze %dma_start3A_329 : memref<1x256xi32, #tpu.memory_space<vmem>> -> memref<256xi32, #tpu.memory_space<vmem>>
    %dma_start3A_331 = arith.constant 0 : i32
    %dma_start3A_332 = tpu.memref_slice %dma_start3A_330[%dma_start3A_331] : memref<256xi32, #tpu.memory_space<vmem>> -> memref<128xi32, #tpu.memory_space<vmem>>
    %dma_start3A_333 = arith.constant 0 : i32
    %dma_start3A_334 = arith.constant 0 : i32
    %dma_start3A_335 = tpu.memref_slice %arg2[%dma_start3A_333, %dma_start3A_334] : memref<1000000x64xf32, #tpu.memory_space<hbm>> -> memref<1000000x64xf32, #tpu.memory_space<hbm>>
    tpu.enqueue_indirect_dma source(%dma_start3A_335 : memref<1000000x64xf32, #tpu.memory_space<hbm>>) target(%dma_start3A_327 : memref<128x64xf32, #tpu.memory_space<vmem>>) offsets(%dma_start3A_332 : memref<128xi32, #tpu.memory_space<vmem>>) semaphore(%arg15 : memref<!tpu.dma_semaphore, #tpu.memory_space<semaphore_mem>>)
    %dma_start3A_336 = arith.constant 2 : i32
    %dma_start3A_337 = arith.constant 2 : i32
    %dma_start3A_338 = arith.constant 0 : i32
    %dma_start3A_339 = arith.constant 0 : i32
    %dma_start3A_340 = tpu.memref_slice %arg6[%dma_start3A_337, %dma_start3A_338, %dma_start3A_339] : memref<4x256x64xf32, #tpu.memory_space<vmem>> -> memref<1x256x64xf32, #tpu.memory_space<vmem>>
    %dma_start3A_341 = tpu.memref_squeeze %dma_start3A_340 : memref<1x256x64xf32, #tpu.memory_space<vmem>> -> memref<256x64xf32, #tpu.memory_space<vmem>>
    %dma_start3A_342 = arith.constant 128 : i32
    %dma_start3A_343 = arith.constant 0 : i32
    %dma_start3A_344 = tpu.memref_slice %dma_start3A_341[%dma_start3A_342, %dma_start3A_343] : memref<256x64xf32, #tpu.memory_space<vmem>> -> memref<128x64xf32, #tpu.memory_space<vmem>>
    %dma_start3A_345 = arith.constant 0 : i32
    %dma_start3A_346 = tpu.memref_slice %arg5[%dma_start3A_336, %dma_start3A_345] : memref<4x256xi32, #tpu.memory_space<vmem>> -> memref<1x256xi32, #tpu.memory_space<vmem>>
    %dma_start3A_347 = tpu.memref_squeeze %dma_start3A_346 : memref<1x256xi32, #tpu.memory_space<vmem>> -> memref<256xi32, #tpu.memory_space<vmem>>
    %dma_start3A_348 = arith.constant 128 : i32
    %dma_start3A_349 = tpu.memref_slice %dma_start3A_347[%dma_start3A_348] : memref<256xi32, #tpu.memory_space<vmem>> -> memref<128xi32, #tpu.memory_space<vmem>>
    %dma_start3A_350 = arith.constant 0 : i32
    %dma_start3A_351 = arith.constant 0 : i32
    %dma_start3A_352 = tpu.memref_slice %arg2[%dma_start3A_350, %dma_start3A_351] : memref<1000000x64xf32, #tpu.memory_space<hbm>> -> memref<1000000x64xf32, #tpu.memory_space<hbm>>
    tpu.enqueue_indirect_dma source(%dma_start3A_352 : memref<1000000x64xf32, #tpu.memory_space<hbm>>) target(%dma_start3A_344 : memref<128x64xf32, #tpu.memory_space<vmem>>) offsets(%dma_start3A_349 : memref<128xi32, #tpu.memory_space<vmem>>) semaphore(%arg15 : memref<!tpu.dma_semaphore, #tpu.memory_space<semaphore_mem>>)
    %scan3A = arith.constant 0 : i32
    %scan3A_353 = arith.constant 0 : i32
    %scan3A_354 = arith.constant 25 : i32
    %scan3A_355 = arith.addi %scan3A_353, %scan3A_354 : i32
    %scan3A_356 = arith.constant 1 : i32
    scf.for %scan3A_400 = %scan3A_353 to %scan3A_355 step %scan3A_356  : i32 {
      %mul3A_401 = arith.constant 4 : i32
      %mul3A_402 = arith.muli %mul3A_401, %scan3A_400 : i32
      %add3A_403 = arith.constant 0 : i32
      %add3A_404 = arith.addi %mul3A_402, %add3A_403 : i32
      %add3A_405 = arith.constant 4 : i32
      %add3A_406 = arith.addi %add3A_404, %add3A_405 : i32
      %sub3A_407 = arith.constant 1 : i32
      %sub3A_408 = arith.subi %add3A_406, %sub3A_407 : i32
      %le3A = arith.constant 99 : i32
      %le3A_409 = arith.cmpi sle, %sub3A_408, %le3A : i32
      %convert_element_type3A = arith.extui %le3A_409 : i1 to i32
      %cond3A = arith.constant 0 : i32
      %cond3A_410 = arith.cmpi ne, %convert_element_type3A, %cond3A : i32
      scf.if %cond3A_410 {
        %dma_wait3A_818 = arith.constant 0 : i32
        %dma_wait3A_819 = arith.constant 3 : i32
        %dma_wait3A_820 = arith.constant 0 : i32
        %dma_wait3A_821 = tpu.memref_slice %arg5[%dma_wait3A_819, %dma_wait3A_820] : memref<4x256xi32, #tpu.memory_space<vmem>> -> memref<1x256xi32, #tpu.memory_space<vmem>>
        %dma_wait3A_822 = tpu.memref_squeeze %dma_wait3A_821 : memref<1x256xi32, #tpu.memory_space<vmem>> -> memref<256xi32, #tpu.memory_space<vmem>>
        %dma_wait3A_823 = arith.constant 0 : i32
        %dma_wait3A_824 = tpu.memref_slice %arg3[%dma_wait3A_818, %dma_wait3A_823] : memref<200x4096xi32, #tpu.memory_space<hbm>> -> memref<1x256xi32, #tpu.memory_space<hbm>>
        %dma_wait3A_825 = tpu.memref_squeeze %dma_wait3A_824 : memref<1x256xi32, #tpu.memory_space<hbm>> -> memref<256xi32, #tpu.memory_space<hbm>>
        %dma_wait3A_826 = arith.constant 0 : i32
        %dma_wait3A_827 = tpu.memref_slice %arg5[%dma_wait3A_819, %dma_wait3A_826] : memref<4x256xi32, #tpu.memory_space<vmem>> -> memref<1x256xi32, #tpu.memory_space<vmem>>
        %dma_wait3A_828 = tpu.memref_squeeze %dma_wait3A_827 : memref<1x256xi32, #tpu.memory_space<vmem>> -> memref<256xi32, #tpu.memory_space<vmem>>
        %dma_wait3A_829 = arith.constant 0 : i32
        %dma_wait3A_830 = tpu.memref_slice %arg3[%dma_wait3A_818, %dma_wait3A_829] : memref<200x4096xi32, #tpu.memory_space<hbm>> -> memref<1x256xi32, #tpu.memory_space<hbm>>
        %dma_wait3A_831 = tpu.memref_squeeze %dma_wait3A_830 : memref<1x256xi32, #tpu.memory_space<hbm>> -> memref<256xi32, #tpu.memory_space<hbm>>
        tpu.wait_dma2 semaphore(%arg12 : memref<!tpu.dma_semaphore, #tpu.memory_space<semaphore_mem>>) src(%dma_wait3A_831 : memref<256xi32, #tpu.memory_space<hbm>>) dst(%dma_wait3A_828 : memref<256xi32, #tpu.memory_space<vmem>>)
        %dma_start3A_832 = arith.constant 3 : i32
        %dma_start3A_833 = arith.constant 3 : i32
        %dma_start3A_834 = arith.constant 0 : i32
        %dma_start3A_835 = arith.constant 0 : i32
        %dma_start3A_836 = tpu.memref_slice %arg6[%dma_start3A_833, %dma_start3A_834, %dma_start3A_835] : memref<4x256x64xf32, #tpu.memory_space<vmem>> -> memref<1x256x64xf32, #tpu.memory_space<vmem>>
        %dma_start3A_837 = tpu.memref_squeeze %dma_start3A_836 : memref<1x256x64xf32, #tpu.memory_space<vmem>> -> memref<256x64xf32, #tpu.memory_space<vmem>>
        %dma_start3A_838 = arith.constant 0 : i32
        %dma_start3A_839 = arith.constant 0 : i32
        %dma_start3A_840 = tpu.memref_slice %dma_start3A_837[%dma_start3A_838, %dma_start3A_839] : memref<256x64xf32, #tpu.memory_space<vmem>> -> memref<128x64xf32, #tpu.memory_space<vmem>>
        %dma_start3A_841 = arith.constant 0 : i32
        %dma_start3A_842 = tpu.memref_slice %arg5[%dma_start3A_832, %dma_start3A_841] : memref<4x256xi32, #tpu.memory_space<vmem>> -> memref<1x256xi32, #tpu.memory_space<vmem>>
        %dma_start3A_843 = tpu.memref_squeeze %dma_start3A_842 : memref<1x256xi32, #tpu.memory_space<vmem>> -> memref<256xi32, #tpu.memory_space<vmem>>
        %dma_start3A_844 = arith.constant 0 : i32
        %dma_start3A_845 = tpu.memref_slice %dma_start3A_843[%dma_start3A_844] : memref<256xi32, #tpu.memory_space<vmem>> -> memref<128xi32, #tpu.memory_space<vmem>>
        %dma_start3A_846 = arith.constant 0 : i32
        %dma_start3A_847 = arith.constant 0 : i32
        %dma_start3A_848 = tpu.memref_slice %arg2[%dma_start3A_846, %dma_start3A_847] : memref<1000000x64xf32, #tpu.memory_space<hbm>> -> memref<1000000x64xf32, #tpu.memory_space<hbm>>
        tpu.enqueue_indirect_dma source(%dma_start3A_848 : memref<1000000x64xf32, #tpu.memory_space<hbm>>) target(%dma_start3A_840 : memref<128x64xf32, #tpu.memory_space<vmem>>) offsets(%dma_start3A_845 : memref<128xi32, #tpu.memory_space<vmem>>) semaphore(%arg16 : memref<!tpu.dma_semaphore, #tpu.memory_space<semaphore_mem>>)
        %dma_start3A_849 = arith.constant 3 : i32
        %dma_start3A_850 = arith.constant 3 : i32
        %dma_start3A_851 = arith.constant 0 : i32
        %dma_start3A_852 = arith.constant 0 : i32
        %dma_start3A_853 = tpu.memref_slice %arg6[%dma_start3A_850, %dma_start3A_851, %dma_start3A_852] : memref<4x256x64xf32, #tpu.memory_space<vmem>> -> memref<1x256x64xf32, #tpu.memory_space<vmem>>
        %dma_start3A_854 = tpu.memref_squeeze %dma_start3A_853 : memref<1x256x64xf32, #tpu.memory_space<vmem>> -> memref<256x64xf32, #tpu.memory_space<vmem>>
        %dma_start3A_855 = arith.constant 128 : i32
        %dma_start3A_856 = arith.constant 0 : i32
        %dma_start3A_857 = tpu.memref_slice %dma_start3A_854[%dma_start3A_855, %dma_start3A_856] : memref<256x64xf32, #tpu.memory_space<vmem>> -> memref<128x64xf32, #tpu.memory_space<vmem>>
        %dma_start3A_858 = arith.constant 0 : i32
        %dma_start3A_859 = tpu.memref_slice %arg5[%dma_start3A_849, %dma_start3A_858] : memref<4x256xi32, #tpu.memory_space<vmem>> -> memref<1x256xi32, #tpu.memory_space<vmem>>
        %dma_start3A_860 = tpu.memref_squeeze %dma_start3A_859 : memref<1x256xi32, #tpu.memory_space<vmem>> -> memref<256xi32, #tpu.memory_space<vmem>>
        %dma_start3A_861 = arith.constant 128 : i32
        %dma_start3A_862 = tpu.memref_slice %dma_start3A_860[%dma_start3A_861] : memref<256xi32, #tpu.memory_space<vmem>> -> memref<128xi32, #tpu.memory_space<vmem>>
        %dma_start3A_863 = arith.constant 0 : i32
        %dma_start3A_864 = arith.constant 0 : i32
        %dma_start3A_865 = tpu.memref_slice %arg2[%dma_start3A_863, %dma_start3A_864] : memref<1000000x64xf32, #tpu.memory_space<hbm>> -> memref<1000000x64xf32, #tpu.memory_space<hbm>>
        tpu.enqueue_indirect_dma source(%dma_start3A_865 : memref<1000000x64xf32, #tpu.memory_space<hbm>>) target(%dma_start3A_857 : memref<128x64xf32, #tpu.memory_space<vmem>>) offsets(%dma_start3A_862 : memref<128xi32, #tpu.memory_space<vmem>>) semaphore(%arg16 : memref<!tpu.dma_semaphore, #tpu.memory_space<semaphore_mem>>)
      } else {
      }
      %dma_wait3A_411 = arith.constant 0 : i32
      %dma_wait3A_412 = arith.constant 0 : i32
      %dma_wait3A_413 = arith.constant 0 : i32
      %dma_wait3A_414 = tpu.memref_slice %arg6[%dma_wait3A_411, %dma_wait3A_412, %dma_wait3A_413] : memref<4x256x64xf32, #tpu.memory_space<vmem>> -> memref<1x256x64xf32, #tpu.memory_space<vmem>>
      %dma_wait3A_415 = tpu.memref_squeeze %dma_wait3A_414 : memref<1x256x64xf32, #tpu.memory_space<vmem>> -> memref<256x64xf32, #tpu.memory_space<vmem>>
      %dma_wait3A_416 = arith.constant 0 : i32
      %dma_wait3A_417 = arith.constant 0 : i32
      %dma_wait3A_418 = tpu.memref_slice %arg2[%dma_wait3A_416, %dma_wait3A_417] : memref<1000000x64xf32, #tpu.memory_space<hbm>> -> memref<256x64xf32, #tpu.memory_space<hbm>>
      %dma_wait3A_419 = arith.constant 0 : i32
      %dma_wait3A_420 = arith.constant 0 : i32
      %dma_wait3A_421 = tpu.memref_slice %arg6[%dma_wait3A_411, %dma_wait3A_419, %dma_wait3A_420] : memref<4x256x64xf32, #tpu.memory_space<vmem>> -> memref<1x256x64xf32, #tpu.memory_space<vmem>>
      %dma_wait3A_422 = tpu.memref_squeeze %dma_wait3A_421 : memref<1x256x64xf32, #tpu.memory_space<vmem>> -> memref<256x64xf32, #tpu.memory_space<vmem>>
      %dma_wait3A_423 = arith.constant 0 : i32
      %dma_wait3A_424 = arith.constant 0 : i32
      %dma_wait3A_425 = tpu.memref_slice %arg2[%dma_wait3A_423, %dma_wait3A_424] : memref<1000000x64xf32, #tpu.memory_space<hbm>> -> memref<256x64xf32, #tpu.memory_space<hbm>>
      tpu.wait_dma2 semaphore(%arg13 : memref<!tpu.dma_semaphore, #tpu.memory_space<semaphore_mem>>) src(%dma_wait3A_425 : memref<256x64xf32, #tpu.memory_space<hbm>>) dst(%dma_wait3A_422 : memref<256x64xf32, #tpu.memory_space<vmem>>)
      %add3A_426 = arith.constant 4 : i32
      %add3A_427 = arith.addi %add3A_404, %add3A_426 : i32
      %le3A_428 = arith.constant 99 : i32
      %le3A_429 = arith.cmpi sle, %add3A_427, %le3A_428 : i32
      %convert_element_type3A_430 = arith.extui %le3A_429 : i1 to i32
      %cond3A_431 = arith.constant 0 : i32
      %cond3A_432 = arith.cmpi ne, %convert_element_type3A_430, %cond3A_431 : i32
      scf.if %cond3A_432 {
        %add3A_818 = arith.constant 4 : i32
        %add3A_819 = arith.addi %add3A_404, %add3A_818 : i32
        %mul3A_820 = arith.constant 32 : i32
        %mul3A_821 = arith.muli %add3A_819, %mul3A_820 : i32
        %add3A_822 = arith.addi %mul3A_821, %add3A : i32
        %jit3A_823 = arith.constant 16 : i32
        %div3A_824 = arith.divsi %add3A_822, %jit3A_823 : i32
        %sign3A_825 = arith.constant 0 : i32
        %sign3A_826 = arith.cmpi sgt, %add3A_822, %sign3A_825 : i32
        %sign3A_827 = arith.extui %sign3A_826 : i1 to i32
        %sign3A_828 = arith.constant 0 : i32
        %sign3A_829 = arith.cmpi slt, %add3A_822, %sign3A_828 : i32
        %sign3A_830 = arith.extui %sign3A_829 : i1 to i32
        %sign3A_831 = arith.subi %sign3A_827, %sign3A_830 : i32
        %sign3A_832 = arith.constant 0 : i32
        %sign3A_833 = arith.cmpi sgt, %jit3A_823, %sign3A_832 : i32
        %sign3A_834 = arith.extui %sign3A_833 : i1 to i32
        %sign3A_835 = arith.constant 0 : i32
        %sign3A_836 = arith.cmpi slt, %jit3A_823, %sign3A_835 : i32
        %sign3A_837 = arith.extui %sign3A_836 : i1 to i32
        %sign3A_838 = arith.subi %sign3A_834, %sign3A_837 : i32
        %ne3A_839 = arith.cmpi ne, %sign3A_831, %sign3A_838 : i32
        %rem3A_840 = arith.remsi %add3A_822, %jit3A_823 : i32
        %ne3A_841 = arith.constant 0 : i32
        %ne3A_842 = arith.cmpi ne, %rem3A_840, %ne3A_841 : i32
        %and3A_843 = arith.andi %ne3A_839, %ne3A_842 : i1
        %sub3A_844 = arith.constant 1 : i32
        %sub3A_845 = arith.subi %div3A_824, %sub3A_844 : i32
        %select_n3A_846 = arith.select %and3A_843, %sub3A_845, %div3A_824 : i32
        %jit3A_847 = arith.constant 16 : i32
        %eq3A_848 = arith.constant 0 : i32
        %eq3A_849 = arith.cmpi eq, %jit3A_847, %eq3A_848 : i32
        %jit3A_850 = arith.constant 1 : i32
        %select_n3A_851 = arith.select %eq3A_849, %jit3A_850, %jit3A_847 : i32
        %rem3A_852 = arith.remsi %add3A_822, %select_n3A_851 : i32
        %ne3A_853 = arith.constant 0 : i32
        %ne3A_854 = arith.cmpi ne, %rem3A_852, %ne3A_853 : i32
        %lt3A_855 = arith.constant 0 : i32
        %lt3A_856 = arith.cmpi slt, %rem3A_852, %lt3A_855 : i32
        %lt3A_857 = arith.constant 0 : i32
        %lt3A_858 = arith.cmpi slt, %select_n3A_851, %lt3A_857 : i32
        %ne3A_859 = arith.xori %lt3A_856, %lt3A_858 : i1
        %and3A_860 = arith.andi %ne3A_859, %ne3A_854 : i1
        %add3A_861 = arith.addi %rem3A_852, %select_n3A_851 : i32
        %select_n3A_862 = arith.select %and3A_860, %add3A_861, %rem3A_852 : i32
        %mul3A_863 = arith.constant 256 : i32
        %mul3A_864 = arith.muli %select_n3A_862, %mul3A_863 : i32
        %dma_start3A_865 = arith.constant 0 : i32
        %dma_start3A_866 = arith.constant 0 : i32
        %dma_start3A_867 = tpu.memref_slice %arg5[%dma_start3A_865, %dma_start3A_866] : memref<4x256xi32, #tpu.memory_space<vmem>> -> memref<1x256xi32, #tpu.memory_space<vmem>>
        %dma_start3A_868 = tpu.memref_squeeze %dma_start3A_867 : memref<1x256xi32, #tpu.memory_space<vmem>> -> memref<256xi32, #tpu.memory_space<vmem>>
        %dma_start3A_869 = tpu.memref_slice %arg3[%select_n3A_846, %mul3A_864] : memref<200x4096xi32, #tpu.memory_space<hbm>> -> memref<1x256xi32, #tpu.memory_space<hbm>>
        %dma_start3A_870 = tpu.memref_squeeze %dma_start3A_869 : memref<1x256xi32, #tpu.memory_space<hbm>> -> memref<256xi32, #tpu.memory_space<hbm>>
        %dma_start3A_871 = arith.constant 0 : i32
        %dma_start3A_872 = tpu.memref_slice %arg5[%dma_start3A_865, %dma_start3A_871] : memref<4x256xi32, #tpu.memory_space<vmem>> -> memref<1x256xi32, #tpu.memory_space<vmem>>
        %dma_start3A_873 = tpu.memref_squeeze %dma_start3A_872 : memref<1x256xi32, #tpu.memory_space<vmem>> -> memref<256xi32, #tpu.memory_space<vmem>>
        %dma_start3A_874 = tpu.memref_slice %arg3[%select_n3A_846, %mul3A_864] : memref<200x4096xi32, #tpu.memory_space<hbm>> -> memref<1x256xi32, #tpu.memory_space<hbm>>
        %dma_start3A_875 = tpu.memref_squeeze %dma_start3A_874 : memref<1x256xi32, #tpu.memory_space<hbm>> -> memref<256xi32, #tpu.memory_space<hbm>>
        tpu.enqueue_dma source(%dma_start3A_875 : memref<256xi32, #tpu.memory_space<hbm>>) target(%dma_start3A_873 : memref<256xi32, #tpu.memory_space<vmem>>) target_semaphore(%arg9 : memref<!tpu.dma_semaphore, #tpu.memory_space<semaphore_mem>>)
      } else {
      }
      %ge3A = arith.constant 2 : i32
      %ge3A_433 = arith.cmpi sge, %add3A_404, %ge3A : i32
      %convert_element_type3A_434 = arith.extui %ge3A_433 : i1 to i32
      %cond3A_435 = arith.constant 0 : i32
      %cond3A_436 = arith.cmpi ne, %convert_element_type3A_434, %cond3A_435 : i32
      scf.if %cond3A_436 {
        %dma_wait3A_818 = arith.constant 0 : i32
        %dma_wait3A_819 = arith.constant 0 : i32
        %dma_wait3A_820 = arith.constant 0 : i32
        %dma_wait3A_821 = tpu.memref_slice %arg7[%dma_wait3A_819, %dma_wait3A_820] : memref<64x257xf32, #tpu.memory_space<vmem>> -> memref<64x256xf32, #tpu.memory_space<vmem>>
        %dma_wait3A_822 = arith.constant 0 : i32
        %dma_wait3A_823 = arith.constant 0 : i32
        %dma_wait3A_824 = tpu.memref_slice %arg4[%dma_wait3A_818, %dma_wait3A_822, %dma_wait3A_823] : memref<200x64x4096xf32, #tpu.memory_space<hbm>> -> memref<1x64x4096xf32, #tpu.memory_space<hbm>>
        %dma_wait3A_825 = tpu.memref_squeeze %dma_wait3A_824 : memref<1x64x4096xf32, #tpu.memory_space<hbm>> -> memref<64x4096xf32, #tpu.memory_space<hbm>>
        %dma_wait3A_826 = arith.constant 0 : i32
        %dma_wait3A_827 = arith.constant 0 : i32
        %dma_wait3A_828 = tpu.memref_slice %dma_wait3A_825[%dma_wait3A_826, %dma_wait3A_827] : memref<64x4096xf32, #tpu.memory_space<hbm>> -> memref<64x256xf32, #tpu.memory_space<hbm>>
        %dma_wait3A_829 = arith.constant 0 : i32
        %dma_wait3A_830 = arith.constant 0 : i32
        %dma_wait3A_831 = tpu.memref_slice %arg4[%dma_wait3A_818, %dma_wait3A_829, %dma_wait3A_830] : memref<200x64x4096xf32, #tpu.memory_space<hbm>> -> memref<1x64x4096xf32, #tpu.memory_space<hbm>>
        %dma_wait3A_832 = tpu.memref_squeeze %dma_wait3A_831 : memref<1x64x4096xf32, #tpu.memory_space<hbm>> -> memref<64x4096xf32, #tpu.memory_space<hbm>>
        %dma_wait3A_833 = arith.constant 0 : i32
        %dma_wait3A_834 = arith.constant 0 : i32
        %dma_wait3A_835 = tpu.memref_slice %dma_wait3A_832[%dma_wait3A_833, %dma_wait3A_834] : memref<64x4096xf32, #tpu.memory_space<hbm>> -> memref<64x256xf32, #tpu.memory_space<hbm>>
        %dma_wait3A_836 = arith.constant 0 : i32
        %dma_wait3A_837 = arith.constant 0 : i32
        %dma_wait3A_838 = tpu.memref_slice %arg7[%dma_wait3A_836, %dma_wait3A_837] : memref<64x257xf32, #tpu.memory_space<vmem>> -> memref<64x256xf32, #tpu.memory_space<vmem>>
        tpu.wait_dma2 semaphore(%arg17 : memref<!tpu.dma_semaphore, #tpu.memory_space<semaphore_mem>>) src(%dma_wait3A_838 : memref<64x256xf32, #tpu.memory_space<vmem>>) dst(%dma_wait3A_835 : memref<64x256xf32, #tpu.memory_space<hbm>>)
      } else {
      }
      %parallel_loop3A = arith.constant 0 : i32
      %parallel_loop3A_437 = arith.constant 256 : i32
      %parallel_loop3A_438 = arith.constant 1 : i32
      %parallel_loop3A_439 = arith.constant 0 : i32
      scf.for %parallel_loop3A_818 = %parallel_loop3A to %parallel_loop3A_437 step %parallel_loop3A_438  : i32 {
        %parallel_loop3A_819 = vector.broadcast %parallel_loop3A_818 : i32 to vector<16xi32>
        %parallel_loop3A_820 = arith.constant 0 : i32
        %parallel_loop3A_821 = arith.constant 0 : i32
        %parallel_loop3A_822 = tpu.memref_slice %arg6[%parallel_loop3A_439, %parallel_loop3A_820, %parallel_loop3A_821] : memref<4x256x64xf32, #tpu.memory_space<vmem>> -> memref<1x256x64xf32, #tpu.memory_space<vmem>>
        %parallel_loop3A_823 = tpu.memref_squeeze %parallel_loop3A_822 : memref<1x256x64xf32, #tpu.memory_space<vmem>> -> memref<256x64xf32, #tpu.memory_space<vmem>>
        %parallel_loop3A_824 = arith.index_cast %parallel_loop3A_818 : i32 to index
        %parallel_loop3A_825 = arith.constant 0 : index
        %parallel_loop3A_826 = tpu.vector_load %parallel_loop3A_823[%parallel_loop3A_824, %parallel_loop3A_825] {strides = array<i32>} : memref<256x64xf32, #tpu.memory_space<vmem>>, vector<16xf32>,
        %parallel_loop3A_827 = arith.constant 0 : i32
        %parallel_loop3A_828 = vector.broadcast %parallel_loop3A_827 : i32 to vector<16xi32>
        %parallel_loop3A_829 = arith.addi %parallel_loop3A_828, %iota3A : vector<16xi32>
        tpu.vector_store_idx %arg7[%parallel_loop3A_829, %parallel_loop3A_819], %parallel_loop3A_826 : memref<64x257xf32, #tpu.memory_space<vmem>>[vector<16xi32>, vector<16xi32>], vector<16xf32>,
        %parallel_loop3A_830 = arith.constant 0 : i32
        %parallel_loop3A_831 = arith.constant 0 : i32
        %parallel_loop3A_832 = tpu.memref_slice %arg6[%parallel_loop3A_439, %parallel_loop3A_830, %parallel_loop3A_831] : memref<4x256x64xf32, #tpu.memory_space<vmem>> -> memref<1x256x64xf32, #tpu.memory_space<vmem>>
        %parallel_loop3A_833 = tpu.memref_squeeze %parallel_loop3A_832 : memref<1x256x64xf32, #tpu.memory_space<vmem>> -> memref<256x64xf32, #tpu.memory_space<vmem>>
        %parallel_loop3A_834 = arith.index_cast %parallel_loop3A_818 : i32 to index
        %parallel_loop3A_835 = arith.constant 16 : index
        %parallel_loop3A_836 = tpu.vector_load %parallel_loop3A_833[%parallel_loop3A_834, %parallel_loop3A_835] {strides = array<i32>} : memref<256x64xf32, #tpu.memory_space<vmem>>, vector<16xf32>,
        %parallel_loop3A_837 = arith.constant 16 : i32
        %parallel_loop3A_838 = vector.broadcast %parallel_loop3A_837 : i32 to vector<16xi32>
        %parallel_loop3A_839 = arith.addi %parallel_loop3A_838, %iota3A : vector<16xi32>
        tpu.vector_store_idx %arg7[%parallel_loop3A_839, %parallel_loop3A_819], %parallel_loop3A_836 : memref<64x257xf32, #tpu.memory_space<vmem>>[vector<16xi32>, vector<16xi32>], vector<16xf32>,
        %parallel_loop3A_840 = arith.constant 0 : i32
        %parallel_loop3A_841 = arith.constant 0 : i32
        %parallel_loop3A_842 = tpu.memref_slice %arg6[%parallel_loop3A_439, %parallel_loop3A_840, %parallel_loop3A_841] : memref<4x256x64xf32, #tpu.memory_space<vmem>> -> memref<1x256x64xf32, #tpu.memory_space<vmem>>
        %parallel_loop3A_843 = tpu.memref_squeeze %parallel_loop3A_842 : memref<1x256x64xf32, #tpu.memory_space<vmem>> -> memref<256x64xf32, #tpu.memory_space<vmem>>
        %parallel_loop3A_844 = arith.index_cast %parallel_loop3A_818 : i32 to index
        %parallel_loop3A_845 = arith.constant 32 : index
        %parallel_loop3A_846 = tpu.vector_load %parallel_loop3A_843[%parallel_loop3A_844, %parallel_loop3A_845] {strides = array<i32>} : memref<256x64xf32, #tpu.memory_space<vmem>>, vector<16xf32>,
        %parallel_loop3A_847 = arith.constant 32 : i32
        %parallel_loop3A_848 = vector.broadcast %parallel_loop3A_847 : i32 to vector<16xi32>
        %parallel_loop3A_849 = arith.addi %parallel_loop3A_848, %iota3A : vector<16xi32>
        tpu.vector_store_idx %arg7[%parallel_loop3A_849, %parallel_loop3A_819], %parallel_loop3A_846 : memref<64x257xf32, #tpu.memory_space<vmem>>[vector<16xi32>, vector<16xi32>], vector<16xf32>,
        %parallel_loop3A_850 = arith.constant 0 : i32
        %parallel_loop3A_851 = arith.constant 0 : i32
        %parallel_loop3A_852 = tpu.memref_slice %arg6[%parallel_loop3A_439, %parallel_loop3A_850, %parallel_loop3A_851] : memref<4x256x64xf32, #tpu.memory_space<vmem>> -> memref<1x256x64xf32, #tpu.memory_space<vmem>>
        %parallel_loop3A_853 = tpu.memref_squeeze %parallel_loop3A_852 : memref<1x256x64xf32, #tpu.memory_space<vmem>> -> memref<256x64xf32, #tpu.memory_space<vmem>>
        %parallel_loop3A_854 = arith.index_cast %parallel_loop3A_818 : i32 to index
        %parallel_loop3A_855 = arith.constant 48 : index
        %parallel_loop3A_856 = tpu.vector_load %parallel_loop3A_853[%parallel_loop3A_854, %parallel_loop3A_855] {strides = array<i32>} : memref<256x64xf32, #tpu.memory_space<vmem>>, vector<16xf32>,
        %parallel_loop3A_857 = arith.constant 48 : i32
        %parallel_loop3A_858 = vector.broadcast %parallel_loop3A_857 : i32 to vector<16xi32>
        %parallel_loop3A_859 = arith.addi %parallel_loop3A_858, %iota3A : vector<16xi32>
        tpu.vector_store_idx %arg7[%parallel_loop3A_859, %parallel_loop3A_819], %parallel_loop3A_856 : memref<64x257xf32, #tpu.memory_space<vmem>>[vector<16xi32>, vector<16xi32>], vector<16xf32>,
      } {sc.loop_unroll_factor = 8 : i64, sc.parallel_access}
      %mul3A_440 = arith.constant 32 : i32
      %mul3A_441 = arith.muli %add3A_404, %mul3A_440 : i32
      %add3A_442 = arith.addi %mul3A_441, %add3A : i32
      %jit3A_443 = arith.constant 16 : i32
      %div3A_444 = arith.divsi %add3A_442, %jit3A_443 : i32
      %sign3A_445 = arith.constant 0 : i32
      %sign3A_446 = arith.cmpi sgt, %add3A_442, %sign3A_445 : i32
      %sign3A_447 = arith.extui %sign3A_446 : i1 to i32
      %sign3A_448 = arith.constant 0 : i32
      %sign3A_449 = arith.cmpi slt, %add3A_442, %sign3A_448 : i32
      %sign3A_450 = arith.extui %sign3A_449 : i1 to i32
      %sign3A_451 = arith.subi %sign3A_447, %sign3A_450 : i32
      %sign3A_452 = arith.constant 0 : i32
      %sign3A_453 = arith.cmpi sgt, %jit3A_443, %sign3A_452 : i32
      %sign3A_454 = arith.extui %sign3A_453 : i1 to i32
      %sign3A_455 = arith.constant 0 : i32
      %sign3A_456 = arith.cmpi slt, %jit3A_443, %sign3A_455 : i32
      %sign3A_457 = arith.extui %sign3A_456 : i1 to i32
      %sign3A_458 = arith.subi %sign3A_454, %sign3A_457 : i32
      %ne3A_459 = arith.cmpi ne, %sign3A_451, %sign3A_458 : i32
      %rem3A_460 = arith.remsi %add3A_442, %jit3A_443 : i32
      %ne3A_461 = arith.constant 0 : i32
      %ne3A_462 = arith.cmpi ne, %rem3A_460, %ne3A_461 : i32
      %and3A_463 = arith.andi %ne3A_459, %ne3A_462 : i1
      %sub3A_464 = arith.constant 1 : i32
      %sub3A_465 = arith.subi %div3A_444, %sub3A_464 : i32
      %select_n3A_466 = arith.select %and3A_463, %sub3A_465, %div3A_444 : i32
      %jit3A_467 = arith.constant 16 : i32
      %eq3A_468 = arith.constant 0 : i32
      %eq3A_469 = arith.cmpi eq, %jit3A_467, %eq3A_468 : i32
      %jit3A_470 = arith.constant 1 : i32
      %select_n3A_471 = arith.select %eq3A_469, %jit3A_470, %jit3A_467 : i32
      %rem3A_472 = arith.remsi %add3A_442, %select_n3A_471 : i32
      %ne3A_473 = arith.constant 0 : i32
      %ne3A_474 = arith.cmpi ne, %rem3A_472, %ne3A_473 : i32
      %lt3A_475 = arith.constant 0 : i32
      %lt3A_476 = arith.cmpi slt, %rem3A_472, %lt3A_475 : i32
      %lt3A_477 = arith.constant 0 : i32
      %lt3A_478 = arith.cmpi slt, %select_n3A_471, %lt3A_477 : i32
      %ne3A_479 = arith.xori %lt3A_476, %lt3A_478 : i1
      %and3A_480 = arith.andi %ne3A_479, %ne3A_474 : i1
      %add3A_481 = arith.addi %rem3A_472, %select_n3A_471 : i32
      %select_n3A_482 = arith.select %and3A_480, %add3A_481, %rem3A_472 : i32
      %mul3A_483 = arith.constant 256 : i32
      %mul3A_484 = arith.muli %select_n3A_482, %mul3A_483 : i32
      %dma_start3A_485 = arith.constant 0 : i32
      %dma_start3A_486 = arith.constant 0 : i32
      %dma_start3A_487 = tpu.memref_slice %arg7[%dma_start3A_485, %dma_start3A_486] : memref<64x257xf32, #tpu.memory_space<vmem>> -> memref<64x256xf32, #tpu.memory_space<vmem>>
      %dma_start3A_488 = arith.constant 0 : i32
      %dma_start3A_489 = arith.constant 0 : i32
      %dma_start3A_490 = tpu.memref_slice %arg4[%select_n3A_466, %dma_start3A_488, %dma_start3A_489] : memref<200x64x4096xf32, #tpu.memory_space<hbm>> -> memref<1x64x4096xf32, #tpu.memory_space<hbm>>
      %dma_start3A_491 = tpu.memref_squeeze %dma_start3A_490 : memref<1x64x4096xf32, #tpu.memory_space<hbm>> -> memref<64x4096xf32, #tpu.memory_space<hbm>>
      %dma_start3A_492 = arith.constant 0 : i32
      %dma_start3A_493 = tpu.memref_slice %dma_start3A_491[%dma_start3A_492, %mul3A_484] : memref<64x4096xf32, #tpu.memory_space<hbm>> -> memref<64x256xf32, #tpu.memory_space<hbm>>
      %dma_start3A_494 = arith.constant 0 : i32
      %dma_start3A_495 = arith.constant 0 : i32
      %dma_start3A_496 = tpu.memref_slice %arg4[%select_n3A_466, %dma_start3A_494, %dma_start3A_495] : memref<200x64x4096xf32, #tpu.memory_space<hbm>> -> memref<1x64x4096xf32, #tpu.memory_space<hbm>>
      %dma_start3A_497 = tpu.memref_squeeze %dma_start3A_496 : memref<1x64x4096xf32, #tpu.memory_space<hbm>> -> memref<64x4096xf32, #tpu.memory_space<hbm>>
      %dma_start3A_498 = arith.constant 0 : i32
      %dma_start3A_499 = tpu.memref_slice %dma_start3A_497[%dma_start3A_498, %mul3A_484] : memref<64x4096xf32, #tpu.memory_space<hbm>> -> memref<64x256xf32, #tpu.memory_space<hbm>>
      %dma_start3A_500 = arith.constant 0 : i32
      %dma_start3A_501 = arith.constant 0 : i32
      %dma_start3A_502 = tpu.memref_slice %arg7[%dma_start3A_500, %dma_start3A_501] : memref<64x257xf32, #tpu.memory_space<vmem>> -> memref<64x256xf32, #tpu.memory_space<vmem>>
      tpu.enqueue_dma source(%dma_start3A_502 : memref<64x256xf32, #tpu.memory_space<vmem>>) target(%dma_start3A_499 : memref<64x256xf32, #tpu.memory_space<hbm>>) target_semaphore(%arg17 : memref<!tpu.dma_semaphore, #tpu.memory_space<semaphore_mem>>)
      %add3A_503 = arith.constant 1 : i32
      %add3A_504 = arith.addi %mul3A_402, %add3A_503 : i32
      %add3A_505 = arith.constant 4 : i32
      %add3A_506 = arith.addi %add3A_504, %add3A_505 : i32
      %sub3A_507 = arith.constant 1 : i32
      %sub3A_508 = arith.subi %add3A_506, %sub3A_507 : i32
      %le3A_509 = arith.constant 99 : i32
      %le3A_510 = arith.cmpi sle, %sub3A_508, %le3A_509 : i32
      %convert_element_type3A_511 = arith.extui %le3A_510 : i1 to i32
      %cond3A_512 = arith.constant 0 : i32
      %cond3A_513 = arith.cmpi ne, %convert_element_type3A_511, %cond3A_512 : i32
      scf.if %cond3A_513 {
        %dma_wait3A_818 = arith.constant 0 : i32
        %dma_wait3A_819 = arith.constant 0 : i32
        %dma_wait3A_820 = arith.constant 0 : i32
        %dma_wait3A_821 = tpu.memref_slice %arg5[%dma_wait3A_819, %dma_wait3A_820] : memref<4x256xi32, #tpu.memory_space<vmem>> -> memref<1x256xi32, #tpu.memory_space<vmem>>
        %dma_wait3A_822 = tpu.memref_squeeze %dma_wait3A_821 : memref<1x256xi32, #tpu.memory_space<vmem>> -> memref<256xi32, #tpu.memory_space<vmem>>
        %dma_wait3A_823 = arith.constant 0 : i32
        %dma_wait3A_824 = tpu.memref_slice %arg3[%dma_wait3A_818, %dma_wait3A_823] : memref<200x4096xi32, #tpu.memory_space<hbm>> -> memref<1x256xi32, #tpu.memory_space<hbm>>
        %dma_wait3A_825 = tpu.memref_squeeze %dma_wait3A_824 : memref<1x256xi32, #tpu.memory_space<hbm>> -> memref<256xi32, #tpu.memory_space<hbm>>
        %dma_wait3A_826 = arith.constant 0 : i32
        %dma_wait3A_827 = tpu.memref_slice %arg5[%dma_wait3A_819, %dma_wait3A_826] : memref<4x256xi32, #tpu.memory_space<vmem>> -> memref<1x256xi32, #tpu.memory_space<vmem>>
        %dma_wait3A_828 = tpu.memref_squeeze %dma_wait3A_827 : memref<1x256xi32, #tpu.memory_space<vmem>> -> memref<256xi32, #tpu.memory_space<vmem>>
        %dma_wait3A_829 = arith.constant 0 : i32
        %dma_wait3A_830 = tpu.memref_slice %arg3[%dma_wait3A_818, %dma_wait3A_829] : memref<200x4096xi32, #tpu.memory_space<hbm>> -> memref<1x256xi32, #tpu.memory_space<hbm>>
        %dma_wait3A_831 = tpu.memref_squeeze %dma_wait3A_830 : memref<1x256xi32, #tpu.memory_space<hbm>> -> memref<256xi32, #tpu.memory_space<hbm>>
        tpu.wait_dma2 semaphore(%arg9 : memref<!tpu.dma_semaphore, #tpu.memory_space<semaphore_mem>>) src(%dma_wait3A_831 : memref<256xi32, #tpu.memory_space<hbm>>) dst(%dma_wait3A_828 : memref<256xi32, #tpu.memory_space<vmem>>)
        %dma_start3A_832 = arith.constant 0 : i32
        %dma_start3A_833 = arith.constant 0 : i32
        %dma_start3A_834 = arith.constant 0 : i32
        %dma_start3A_835 = arith.constant 0 : i32
        %dma_start3A_836 = tpu.memref_slice %arg6[%dma_start3A_833, %dma_start3A_834, %dma_start3A_835] : memref<4x256x64xf32, #tpu.memory_space<vmem>> -> memref<1x256x64xf32, #tpu.memory_space<vmem>>
        %dma_start3A_837 = tpu.memref_squeeze %dma_start3A_836 : memref<1x256x64xf32, #tpu.memory_space<vmem>> -> memref<256x64xf32, #tpu.memory_space<vmem>>
        %dma_start3A_838 = arith.constant 0 : i32
        %dma_start3A_839 = arith.constant 0 : i32
        %dma_start3A_840 = tpu.memref_slice %dma_start3A_837[%dma_start3A_838, %dma_start3A_839] : memref<256x64xf32, #tpu.memory_space<vmem>> -> memref<128x64xf32, #tpu.memory_space<vmem>>
        %dma_start3A_841 = arith.constant 0 : i32
        %dma_start3A_842 = tpu.memref_slice %arg5[%dma_start3A_832, %dma_start3A_841] : memref<4x256xi32, #tpu.memory_space<vmem>> -> memref<1x256xi32, #tpu.memory_space<vmem>>
        %dma_start3A_843 = tpu.memref_squeeze %dma_start3A_842 : memref<1x256xi32, #tpu.memory_space<vmem>> -> memref<256xi32, #tpu.memory_space<vmem>>
        %dma_start3A_844 = arith.constant 0 : i32
        %dma_start3A_845 = tpu.memref_slice %dma_start3A_843[%dma_start3A_844] : memref<256xi32, #tpu.memory_space<vmem>> -> memref<128xi32, #tpu.memory_space<vmem>>
        %dma_start3A_846 = arith.constant 0 : i32
        %dma_start3A_847 = arith.constant 0 : i32
        %dma_start3A_848 = tpu.memref_slice %arg2[%dma_start3A_846, %dma_start3A_847] : memref<1000000x64xf32, #tpu.memory_space<hbm>> -> memref<1000000x64xf32, #tpu.memory_space<hbm>>
        tpu.enqueue_indirect_dma source(%dma_start3A_848 : memref<1000000x64xf32, #tpu.memory_space<hbm>>) target(%dma_start3A_840 : memref<128x64xf32, #tpu.memory_space<vmem>>) offsets(%dma_start3A_845 : memref<128xi32, #tpu.memory_space<vmem>>) semaphore(%arg13 : memref<!tpu.dma_semaphore, #tpu.memory_space<semaphore_mem>>)
        %dma_start3A_849 = arith.constant 0 : i32
        %dma_start3A_850 = arith.constant 0 : i32
        %dma_start3A_851 = arith.constant 0 : i32
        %dma_start3A_852 = arith.constant 0 : i32
        %dma_start3A_853 = tpu.memref_slice %arg6[%dma_start3A_850, %dma_start3A_851, %dma_start3A_852] : memref<4x256x64xf32, #tpu.memory_space<vmem>> -> memref<1x256x64xf32, #tpu.memory_space<vmem>>
        %dma_start3A_854 = tpu.memref_squeeze %dma_start3A_853 : memref<1x256x64xf32, #tpu.memory_space<vmem>> -> memref<256x64xf32, #tpu.memory_space<vmem>>
        %dma_start3A_855 = arith.constant 128 : i32
        %dma_start3A_856 = arith.constant 0 : i32
        %dma_start3A_857 = tpu.memref_slice %dma_start3A_854[%dma_start3A_855, %dma_start3A_856] : memref<256x64xf32, #tpu.memory_space<vmem>> -> memref<128x64xf32, #tpu.memory_space<vmem>>
        %dma_start3A_858 = arith.constant 0 : i32
        %dma_start3A_859 = tpu.memref_slice %arg5[%dma_start3A_849, %dma_start3A_858] : memref<4x256xi32, #tpu.memory_space<vmem>> -> memref<1x256xi32, #tpu.memory_space<vmem>>
        %dma_start3A_860 = tpu.memref_squeeze %dma_start3A_859 : memref<1x256xi32, #tpu.memory_space<vmem>> -> memref<256xi32, #tpu.memory_space<vmem>>
        %dma_start3A_861 = arith.constant 128 : i32
        %dma_start3A_862 = tpu.memref_slice %dma_start3A_860[%dma_start3A_861] : memref<256xi32, #tpu.memory_space<vmem>> -> memref<128xi32, #tpu.memory_space<vmem>>
        %dma_start3A_863 = arith.constant 0 : i32
        %dma_start3A_864 = arith.constant 0 : i32
        %dma_start3A_865 = tpu.memref_slice %arg2[%dma_start3A_863, %dma_start3A_864] : memref<1000000x64xf32, #tpu.memory_space<hbm>> -> memref<1000000x64xf32, #tpu.memory_space<hbm>>
        tpu.enqueue_indirect_dma source(%dma_start3A_865 : memref<1000000x64xf32, #tpu.memory_space<hbm>>) target(%dma_start3A_857 : memref<128x64xf32, #tpu.memory_space<vmem>>) offsets(%dma_start3A_862 : memref<128xi32, #tpu.memory_space<vmem>>) semaphore(%arg13 : memref<!tpu.dma_semaphore, #tpu.memory_space<semaphore_mem>>)
      } else {
      }
      %dma_wait3A_514 = arith.constant 1 : i32
      %dma_wait3A_515 = arith.constant 0 : i32
      %dma_wait3A_516 = arith.constant 0 : i32
      %dma_wait3A_517 = tpu.memref_slice %arg6[%dma_wait3A_514, %dma_wait3A_515, %dma_wait3A_516] : memref<4x256x64xf32, #tpu.memory_space<vmem>> -> memref<1x256x64xf32, #tpu.memory_space<vmem>>
      %dma_wait3A_518 = tpu.memref_squeeze %dma_wait3A_517 : memref<1x256x64xf32, #tpu.memory_space<vmem>> -> memref<256x64xf32, #tpu.memory_space<vmem>>
      %dma_wait3A_519 = arith.constant 0 : i32
      %dma_wait3A_520 = arith.constant 0 : i32
      %dma_wait3A_521 = tpu.memref_slice %arg2[%dma_wait3A_519, %dma_wait3A_520] : memref<1000000x64xf32, #tpu.memory_space<hbm>> -> memref<256x64xf32, #tpu.memory_space<hbm>>
      %dma_wait3A_522 = arith.constant 0 : i32
      %dma_wait3A_523 = arith.constant 0 : i32
      %dma_wait3A_524 = tpu.memref_slice %arg6[%dma_wait3A_514, %dma_wait3A_522, %dma_wait3A_523] : memref<4x256x64xf32, #tpu.memory_space<vmem>> -> memref<1x256x64xf32, #tpu.memory_space<vmem>>
      %dma_wait3A_525 = tpu.memref_squeeze %dma_wait3A_524 : memref<1x256x64xf32, #tpu.memory_space<vmem>> -> memref<256x64xf32, #tpu.memory_space<vmem>>
      %dma_wait3A_526 = arith.constant 0 : i32
      %dma_wait3A_527 = arith.constant 0 : i32
      %dma_wait3A_528 = tpu.memref_slice %arg2[%dma_wait3A_526, %dma_wait3A_527] : memref<1000000x64xf32, #tpu.memory_space<hbm>> -> memref<256x64xf32, #tpu.memory_space<hbm>>
      tpu.wait_dma2 semaphore(%arg14 : memref<!tpu.dma_semaphore, #tpu.memory_space<semaphore_mem>>) src(%dma_wait3A_528 : memref<256x64xf32, #tpu.memory_space<hbm>>) dst(%dma_wait3A_525 : memref<256x64xf32, #tpu.memory_space<vmem>>)
      %add3A_529 = arith.constant 4 : i32
      %add3A_530 = arith.addi %add3A_504, %add3A_529 : i32
      %le3A_531 = arith.constant 99 : i32
      %le3A_532 = arith.cmpi sle, %add3A_530, %le3A_531 : i32
      %convert_element_type3A_533 = arith.extui %le3A_532 : i1 to i32
      %cond3A_534 = arith.constant 0 : i32
      %cond3A_535 = arith.cmpi ne, %convert_element_type3A_533, %cond3A_534 : i32
      scf.if %cond3A_535 {
        %add3A_818 = arith.constant 4 : i32
        %add3A_819 = arith.addi %add3A_504, %add3A_818 : i32
        %mul3A_820 = arith.constant 32 : i32
        %mul3A_821 = arith.muli %add3A_819, %mul3A_820 : i32
        %add3A_822 = arith.addi %mul3A_821, %add3A : i32
        %jit3A_823 = arith.constant 16 : i32
        %div3A_824 = arith.divsi %add3A_822, %jit3A_823 : i32
        %sign3A_825 = arith.constant 0 : i32
        %sign3A_826 = arith.cmpi sgt, %add3A_822, %sign3A_825 : i32
        %sign3A_827 = arith.extui %sign3A_826 : i1 to i32
        %sign3A_828 = arith.constant 0 : i32
        %sign3A_829 = arith.cmpi slt, %add3A_822, %sign3A_828 : i32
        %sign3A_830 = arith.extui %sign3A_829 : i1 to i32
        %sign3A_831 = arith.subi %sign3A_827, %sign3A_830 : i32
        %sign3A_832 = arith.constant 0 : i32
        %sign3A_833 = arith.cmpi sgt, %jit3A_823, %sign3A_832 : i32
        %sign3A_834 = arith.extui %sign3A_833 : i1 to i32
        %sign3A_835 = arith.constant 0 : i32
        %sign3A_836 = arith.cmpi slt, %jit3A_823, %sign3A_835 : i32
        %sign3A_837 = arith.extui %sign3A_836 : i1 to i32
        %sign3A_838 = arith.subi %sign3A_834, %sign3A_837 : i32
        %ne3A_839 = arith.cmpi ne, %sign3A_831, %sign3A_838 : i32
        %rem3A_840 = arith.remsi %add3A_822, %jit3A_823 : i32
        %ne3A_841 = arith.constant 0 : i32
        %ne3A_842 = arith.cmpi ne, %rem3A_840, %ne3A_841 : i32
        %and3A_843 = arith.andi %ne3A_839, %ne3A_842 : i1
        %sub3A_844 = arith.constant 1 : i32
        %sub3A_845 = arith.subi %div3A_824, %sub3A_844 : i32
        %select_n3A_846 = arith.select %and3A_843, %sub3A_845, %div3A_824 : i32
        %jit3A_847 = arith.constant 16 : i32
        %eq3A_848 = arith.constant 0 : i32
        %eq3A_849 = arith.cmpi eq, %jit3A_847, %eq3A_848 : i32
        %jit3A_850 = arith.constant 1 : i32
        %select_n3A_851 = arith.select %eq3A_849, %jit3A_850, %jit3A_847 : i32
        %rem3A_852 = arith.remsi %add3A_822, %select_n3A_851 : i32
        %ne3A_853 = arith.constant 0 : i32
        %ne3A_854 = arith.cmpi ne, %rem3A_852, %ne3A_853 : i32
        %lt3A_855 = arith.constant 0 : i32
        %lt3A_856 = arith.cmpi slt, %rem3A_852, %lt3A_855 : i32
        %lt3A_857 = arith.constant 0 : i32
        %lt3A_858 = arith.cmpi slt, %select_n3A_851, %lt3A_857 : i32
        %ne3A_859 = arith.xori %lt3A_856, %lt3A_858 : i1
        %and3A_860 = arith.andi %ne3A_859, %ne3A_854 : i1
        %add3A_861 = arith.addi %rem3A_852, %select_n3A_851 : i32
        %select_n3A_862 = arith.select %and3A_860, %add3A_861, %rem3A_852 : i32
        %mul3A_863 = arith.constant 256 : i32
        %mul3A_864 = arith.muli %select_n3A_862, %mul3A_863 : i32
        %dma_start3A_865 = arith.constant 1 : i32
        %dma_start3A_866 = arith.constant 0 : i32
        %dma_start3A_867 = tpu.memref_slice %arg5[%dma_start3A_865, %dma_start3A_866] : memref<4x256xi32, #tpu.memory_space<vmem>> -> memref<1x256xi32, #tpu.memory_space<vmem>>
        %dma_start3A_868 = tpu.memref_squeeze %dma_start3A_867 : memref<1x256xi32, #tpu.memory_space<vmem>> -> memref<256xi32, #tpu.memory_space<vmem>>
        %dma_start3A_869 = tpu.memref_slice %arg3[%select_n3A_846, %mul3A_864] : memref<200x4096xi32, #tpu.memory_space<hbm>> -> memref<1x256xi32, #tpu.memory_space<hbm>>
        %dma_start3A_870 = tpu.memref_squeeze %dma_start3A_869 : memref<1x256xi32, #tpu.memory_space<hbm>> -> memref<256xi32, #tpu.memory_space<hbm>>
        %dma_start3A_871 = arith.constant 0 : i32
        %dma_start3A_872 = tpu.memref_slice %arg5[%dma_start3A_865, %dma_start3A_871] : memref<4x256xi32, #tpu.memory_space<vmem>> -> memref<1x256xi32, #tpu.memory_space<vmem>>
        %dma_start3A_873 = tpu.memref_squeeze %dma_start3A_872 : memref<1x256xi32, #tpu.memory_space<vmem>> -> memref<256xi32, #tpu.memory_space<vmem>>
        %dma_start3A_874 = tpu.memref_slice %arg3[%select_n3A_846, %mul3A_864] : memref<200x4096xi32, #tpu.memory_space<hbm>> -> memref<1x256xi32, #tpu.memory_space<hbm>>
        %dma_start3A_875 = tpu.memref_squeeze %dma_start3A_874 : memref<1x256xi32, #tpu.memory_space<hbm>> -> memref<256xi32, #tpu.memory_space<hbm>>
        tpu.enqueue_dma source(%dma_start3A_875 : memref<256xi32, #tpu.memory_space<hbm>>) target(%dma_start3A_873 : memref<256xi32, #tpu.memory_space<vmem>>) target_semaphore(%arg10 : memref<!tpu.dma_semaphore, #tpu.memory_space<semaphore_mem>>)
      } else {
      }
      %ge3A_536 = arith.constant 2 : i32
      %ge3A_537 = arith.cmpi sge, %add3A_504, %ge3A_536 : i32
      %convert_element_type3A_538 = arith.extui %ge3A_537 : i1 to i32
      %cond3A_539 = arith.constant 0 : i32
      %cond3A_540 = arith.cmpi ne, %convert_element_type3A_538, %cond3A_539 : i32
      scf.if %cond3A_540 {
        %dma_wait3A_818 = arith.constant 0 : i32
        %dma_wait3A_819 = arith.constant 0 : i32
        %dma_wait3A_820 = arith.constant 0 : i32
        %dma_wait3A_821 = tpu.memref_slice %arg8[%dma_wait3A_819, %dma_wait3A_820] : memref<64x257xf32, #tpu.memory_space<vmem>> -> memref<64x256xf32, #tpu.memory_space<vmem>>
        %dma_wait3A_822 = arith.constant 0 : i32
        %dma_wait3A_823 = arith.constant 0 : i32
        %dma_wait3A_824 = tpu.memref_slice %arg4[%dma_wait3A_818, %dma_wait3A_822, %dma_wait3A_823] : memref<200x64x4096xf32, #tpu.memory_space<hbm>> -> memref<1x64x4096xf32, #tpu.memory_space<hbm>>
        %dma_wait3A_825 = tpu.memref_squeeze %dma_wait3A_824 : memref<1x64x4096xf32, #tpu.memory_space<hbm>> -> memref<64x4096xf32, #tpu.memory_space<hbm>>
        %dma_wait3A_826 = arith.constant 0 : i32
        %dma_wait3A_827 = arith.constant 0 : i32
        %dma_wait3A_828 = tpu.memref_slice %dma_wait3A_825[%dma_wait3A_826, %dma_wait3A_827] : memref<64x4096xf32, #tpu.memory_space<hbm>> -> memref<64x256xf32, #tpu.memory_space<hbm>>
        %dma_wait3A_829 = arith.constant 0 : i32
        %dma_wait3A_830 = arith.constant 0 : i32
        %dma_wait3A_831 = tpu.memref_slice %arg4[%dma_wait3A_818, %dma_wait3A_829, %dma_wait3A_830] : memref<200x64x4096xf32, #tpu.memory_space<hbm>> -> memref<1x64x4096xf32, #tpu.memory_space<hbm>>
        %dma_wait3A_832 = tpu.memref_squeeze %dma_wait3A_831 : memref<1x64x4096xf32, #tpu.memory_space<hbm>> -> memref<64x4096xf32, #tpu.memory_space<hbm>>
        %dma_wait3A_833 = arith.constant 0 : i32
        %dma_wait3A_834 = arith.constant 0 : i32
        %dma_wait3A_835 = tpu.memref_slice %dma_wait3A_832[%dma_wait3A_833, %dma_wait3A_834] : memref<64x4096xf32, #tpu.memory_space<hbm>> -> memref<64x256xf32, #tpu.memory_space<hbm>>
        %dma_wait3A_836 = arith.constant 0 : i32
        %dma_wait3A_837 = arith.constant 0 : i32
        %dma_wait3A_838 = tpu.memref_slice %arg8[%dma_wait3A_836, %dma_wait3A_837] : memref<64x257xf32, #tpu.memory_space<vmem>> -> memref<64x256xf32, #tpu.memory_space<vmem>>
        tpu.wait_dma2 semaphore(%arg18 : memref<!tpu.dma_semaphore, #tpu.memory_space<semaphore_mem>>) src(%dma_wait3A_838 : memref<64x256xf32, #tpu.memory_space<vmem>>) dst(%dma_wait3A_835 : memref<64x256xf32, #tpu.memory_space<hbm>>)
      } else {
      }
      %parallel_loop3A_541 = arith.constant 0 : i32
      %parallel_loop3A_542 = arith.constant 256 : i32
      %parallel_loop3A_543 = arith.constant 1 : i32
      %parallel_loop3A_544 = arith.constant 1 : i32
      scf.for %parallel_loop3A_818 = %parallel_loop3A_541 to %parallel_loop3A_542 step %parallel_loop3A_543  : i32 {
        %parallel_loop3A_819 = vector.broadcast %parallel_loop3A_818 : i32 to vector<16xi32>
        %parallel_loop3A_820 = arith.constant 0 : i32
        %parallel_loop3A_821 = arith.constant 0 : i32
        %parallel_loop3A_822 = tpu.memref_slice %arg6[%parallel_loop3A_544, %parallel_loop3A_820, %parallel_loop3A_821] : memref<4x256x64xf32, #tpu.memory_space<vmem>> -> memref<1x256x64xf32, #tpu.memory_space<vmem>>
        %parallel_loop3A_823 = tpu.memref_squeeze %parallel_loop3A_822 : memref<1x256x64xf32, #tpu.memory_space<vmem>> -> memref<256x64xf32, #tpu.memory_space<vmem>>
        %parallel_loop3A_824 = arith.index_cast %parallel_loop3A_818 : i32 to index
        %parallel_loop3A_825 = arith.constant 0 : index
        %parallel_loop3A_826 = tpu.vector_load %parallel_loop3A_823[%parallel_loop3A_824, %parallel_loop3A_825] {strides = array<i32>} : memref<256x64xf32, #tpu.memory_space<vmem>>, vector<16xf32>,
        %parallel_loop3A_827 = arith.constant 0 : i32
        %parallel_loop3A_828 = vector.broadcast %parallel_loop3A_827 : i32 to vector<16xi32>
        %parallel_loop3A_829 = arith.addi %parallel_loop3A_828, %iota3A : vector<16xi32>
        tpu.vector_store_idx %arg8[%parallel_loop3A_829, %parallel_loop3A_819], %parallel_loop3A_826 : memref<64x257xf32, #tpu.memory_space<vmem>>[vector<16xi32>, vector<16xi32>], vector<16xf32>,
        %parallel_loop3A_830 = arith.constant 0 : i32
        %parallel_loop3A_831 = arith.constant 0 : i32
        %parallel_loop3A_832 = tpu.memref_slice %arg6[%parallel_loop3A_544, %parallel_loop3A_830, %parallel_loop3A_831] : memref<4x256x64xf32, #tpu.memory_space<vmem>> -> memref<1x256x64xf32, #tpu.memory_space<vmem>>
        %parallel_loop3A_833 = tpu.memref_squeeze %parallel_loop3A_832 : memref<1x256x64xf32, #tpu.memory_space<vmem>> -> memref<256x64xf32, #tpu.memory_space<vmem>>
        %parallel_loop3A_834 = arith.index_cast %parallel_loop3A_818 : i32 to index
        %parallel_loop3A_835 = arith.constant 16 : index
        %parallel_loop3A_836 = tpu.vector_load %parallel_loop3A_833[%parallel_loop3A_834, %parallel_loop3A_835] {strides = array<i32>} : memref<256x64xf32, #tpu.memory_space<vmem>>, vector<16xf32>,
        %parallel_loop3A_837 = arith.constant 16 : i32
        %parallel_loop3A_838 = vector.broadcast %parallel_loop3A_837 : i32 to vector<16xi32>
        %parallel_loop3A_839 = arith.addi %parallel_loop3A_838, %iota3A : vector<16xi32>
        tpu.vector_store_idx %arg8[%parallel_loop3A_839, %parallel_loop3A_819], %parallel_loop3A_836 : memref<64x257xf32, #tpu.memory_space<vmem>>[vector<16xi32>, vector<16xi32>], vector<16xf32>,
        %parallel_loop3A_840 = arith.constant 0 : i32
        %parallel_loop3A_841 = arith.constant 0 : i32
        %parallel_loop3A_842 = tpu.memref_slice %arg6[%parallel_loop3A_544, %parallel_loop3A_840, %parallel_loop3A_841] : memref<4x256x64xf32, #tpu.memory_space<vmem>> -> memref<1x256x64xf32, #tpu.memory_space<vmem>>
        %parallel_loop3A_843 = tpu.memref_squeeze %parallel_loop3A_842 : memref<1x256x64xf32, #tpu.memory_space<vmem>> -> memref<256x64xf32, #tpu.memory_space<vmem>>
        %parallel_loop3A_844 = arith.index_cast %parallel_loop3A_818 : i32 to index
        %parallel_loop3A_845 = arith.constant 32 : index
        %parallel_loop3A_846 = tpu.vector_load %parallel_loop3A_843[%parallel_loop3A_844, %parallel_loop3A_845] {strides = array<i32>} : memref<256x64xf32, #tpu.memory_space<vmem>>, vector<16xf32>,
        %parallel_loop3A_847 = arith.constant 32 : i32
        %parallel_loop3A_848 = vector.broadcast %parallel_loop3A_847 : i32 to vector<16xi32>
        %parallel_loop3A_849 = arith.addi %parallel_loop3A_848, %iota3A : vector<16xi32>
        tpu.vector_store_idx %arg8[%parallel_loop3A_849, %parallel_loop3A_819], %parallel_loop3A_846 : memref<64x257xf32, #tpu.memory_space<vmem>>[vector<16xi32>, vector<16xi32>], vector<16xf32>,
        %parallel_loop3A_850 = arith.constant 0 : i32
        %parallel_loop3A_851 = arith.constant 0 : i32
        %parallel_loop3A_852 = tpu.memref_slice %arg6[%parallel_loop3A_544, %parallel_loop3A_850, %parallel_loop3A_851] : memref<4x256x64xf32, #tpu.memory_space<vmem>> -> memref<1x256x64xf32, #tpu.memory_space<vmem>>
        %parallel_loop3A_853 = tpu.memref_squeeze %parallel_loop3A_852 : memref<1x256x64xf32, #tpu.memory_space<vmem>> -> memref<256x64xf32, #tpu.memory_space<vmem>>
        %parallel_loop3A_854 = arith.index_cast %parallel_loop3A_818 : i32 to index
        %parallel_loop3A_855 = arith.constant 48 : index
        %parallel_loop3A_856 = tpu.vector_load %parallel_loop3A_853[%parallel_loop3A_854, %parallel_loop3A_855] {strides = array<i32>} : memref<256x64xf32, #tpu.memory_space<vmem>>, vector<16xf32>,
        %parallel_loop3A_857 = arith.constant 48 : i32
        %parallel_loop3A_858 = vector.broadcast %parallel_loop3A_857 : i32 to vector<16xi32>
        %parallel_loop3A_859 = arith.addi %parallel_loop3A_858, %iota3A : vector<16xi32>
        tpu.vector_store_idx %arg8[%parallel_loop3A_859, %parallel_loop3A_819], %parallel_loop3A_856 : memref<64x257xf32, #tpu.memory_space<vmem>>[vector<16xi32>, vector<16xi32>], vector<16xf32>,
      } {sc.loop_unroll_factor = 8 : i64, sc.parallel_access}
      %mul3A_545 = arith.constant 32 : i32
      %mul3A_546 = arith.muli %add3A_504, %mul3A_545 : i32
      %add3A_547 = arith.addi %mul3A_546, %add3A : i32
      %jit3A_548 = arith.constant 16 : i32
      %div3A_549 = arith.divsi %add3A_547, %jit3A_548 : i32
      %sign3A_550 = arith.constant 0 : i32
      %sign3A_551 = arith.cmpi sgt, %add3A_547, %sign3A_550 : i32
      %sign3A_552 = arith.extui %sign3A_551 : i1 to i32
      %sign3A_553 = arith.constant 0 : i32
      %sign3A_554 = arith.cmpi slt, %add3A_547, %sign3A_553 : i32
      %sign3A_555 = arith.extui %sign3A_554 : i1 to i32
      %sign3A_556 = arith.subi %sign3A_552, %sign3A_555 : i32
      %sign3A_557 = arith.constant 0 : i32
      %sign3A_558 = arith.cmpi sgt, %jit3A_548, %sign3A_557 : i32
      %sign3A_559 = arith.extui %sign3A_558 : i1 to i32
      %sign3A_560 = arith.constant 0 : i32
      %sign3A_561 = arith.cmpi slt, %jit3A_548, %sign3A_560 : i32
      %sign3A_562 = arith.extui %sign3A_561 : i1 to i32
      %sign3A_563 = arith.subi %sign3A_559, %sign3A_562 : i32
      %ne3A_564 = arith.cmpi ne, %sign3A_556, %sign3A_563 : i32
      %rem3A_565 = arith.remsi %add3A_547, %jit3A_548 : i32
      %ne3A_566 = arith.constant 0 : i32
      %ne3A_567 = arith.cmpi ne, %rem3A_565, %ne3A_566 : i32
      %and3A_568 = arith.andi %ne3A_564, %ne3A_567 : i1
      %sub3A_569 = arith.constant 1 : i32
      %sub3A_570 = arith.subi %div3A_549, %sub3A_569 : i32
      %select_n3A_571 = arith.select %and3A_568, %sub3A_570, %div3A_549 : i32
      %jit3A_572 = arith.constant 16 : i32
      %eq3A_573 = arith.constant 0 : i32
      %eq3A_574 = arith.cmpi eq, %jit3A_572, %eq3A_573 : i32
      %jit3A_575 = arith.constant 1 : i32
      %select_n3A_576 = arith.select %eq3A_574, %jit3A_575, %jit3A_572 : i32
      %rem3A_577 = arith.remsi %add3A_547, %select_n3A_576 : i32
      %ne3A_578 = arith.constant 0 : i32
      %ne3A_579 = arith.cmpi ne, %rem3A_577, %ne3A_578 : i32
      %lt3A_580 = arith.constant 0 : i32
      %lt3A_581 = arith.cmpi slt, %rem3A_577, %lt3A_580 : i32
      %lt3A_582 = arith.constant 0 : i32
      %lt3A_583 = arith.cmpi slt, %select_n3A_576, %lt3A_582 : i32
      %ne3A_584 = arith.xori %lt3A_581, %lt3A_583 : i1
      %and3A_585 = arith.andi %ne3A_584, %ne3A_579 : i1
      %add3A_586 = arith.addi %rem3A_577, %select_n3A_576 : i32
      %select_n3A_587 = arith.select %and3A_585, %add3A_586, %rem3A_577 : i32
      %mul3A_588 = arith.constant 256 : i32
      %mul3A_589 = arith.muli %select_n3A_587, %mul3A_588 : i32
      %dma_start3A_590 = arith.constant 0 : i32
      %dma_start3A_591 = arith.constant 0 : i32
      %dma_start3A_592 = tpu.memref_slice %arg8[%dma_start3A_590, %dma_start3A_591] : memref<64x257xf32, #tpu.memory_space<vmem>> -> memref<64x256xf32, #tpu.memory_space<vmem>>
      %dma_start3A_593 = arith.constant 0 : i32
      %dma_start3A_594 = arith.constant 0 : i32
      %dma_start3A_595 = tpu.memref_slice %arg4[%select_n3A_571, %dma_start3A_593, %dma_start3A_594] : memref<200x64x4096xf32, #tpu.memory_space<hbm>> -> memref<1x64x4096xf32, #tpu.memory_space<hbm>>
      %dma_start3A_596 = tpu.memref_squeeze %dma_start3A_595 : memref<1x64x4096xf32, #tpu.memory_space<hbm>> -> memref<64x4096xf32, #tpu.memory_space<hbm>>
      %dma_start3A_597 = arith.constant 0 : i32
      %dma_start3A_598 = tpu.memref_slice %dma_start3A_596[%dma_start3A_597, %mul3A_589] : memref<64x4096xf32, #tpu.memory_space<hbm>> -> memref<64x256xf32, #tpu.memory_space<hbm>>
      %dma_start3A_599 = arith.constant 0 : i32
      %dma_start3A_600 = arith.constant 0 : i32
      %dma_start3A_601 = tpu.memref_slice %arg4[%select_n3A_571, %dma_start3A_599, %dma_start3A_600] : memref<200x64x4096xf32, #tpu.memory_space<hbm>> -> memref<1x64x4096xf32, #tpu.memory_space<hbm>>
      %dma_start3A_602 = tpu.memref_squeeze %dma_start3A_601 : memref<1x64x4096xf32, #tpu.memory_space<hbm>> -> memref<64x4096xf32, #tpu.memory_space<hbm>>
      %dma_start3A_603 = arith.constant 0 : i32
      %dma_start3A_604 = tpu.memref_slice %dma_start3A_602[%dma_start3A_603, %mul3A_589] : memref<64x4096xf32, #tpu.memory_space<hbm>> -> memref<64x256xf32, #tpu.memory_space<hbm>>
      %dma_start3A_605 = arith.constant 0 : i32
      %dma_start3A_606 = arith.constant 0 : i32
      %dma_start3A_607 = tpu.memref_slice %arg8[%dma_start3A_605, %dma_start3A_606] : memref<64x257xf32, #tpu.memory_space<vmem>> -> memref<64x256xf32, #tpu.memory_space<vmem>>
      tpu.enqueue_dma source(%dma_start3A_607 : memref<64x256xf32, #tpu.memory_space<vmem>>) target(%dma_start3A_604 : memref<64x256xf32, #tpu.memory_space<hbm>>) target_semaphore(%arg18 : memref<!tpu.dma_semaphore, #tpu.memory_space<semaphore_mem>>)
      %add3A_608 = arith.constant 2 : i32
      %add3A_609 = arith.addi %mul3A_402, %add3A_608 : i32
      %add3A_610 = arith.constant 4 : i32
      %add3A_611 = arith.addi %add3A_609, %add3A_610 : i32
      %sub3A_612 = arith.constant 1 : i32
      %sub3A_613 = arith.subi %add3A_611, %sub3A_612 : i32
      %le3A_614 = arith.constant 99 : i32
      %le3A_615 = arith.cmpi sle, %sub3A_613, %le3A_614 : i32
      %convert_element_type3A_616 = arith.extui %le3A_615 : i1 to i32
      %cond3A_617 = arith.constant 0 : i32
      %cond3A_618 = arith.cmpi ne, %convert_element_type3A_616, %cond3A_617 : i32
      scf.if %cond3A_618 {
        %dma_wait3A_818 = arith.constant 0 : i32
        %dma_wait3A_819 = arith.constant 1 : i32
        %dma_wait3A_820 = arith.constant 0 : i32
        %dma_wait3A_821 = tpu.memref_slice %arg5[%dma_wait3A_819, %dma_wait3A_820] : memref<4x256xi32, #tpu.memory_space<vmem>> -> memref<1x256xi32, #tpu.memory_space<vmem>>
        %dma_wait3A_822 = tpu.memref_squeeze %dma_wait3A_821 : memref<1x256xi32, #tpu.memory_space<vmem>> -> memref<256xi32, #tpu.memory_space<vmem>>
        %dma_wait3A_823 = arith.constant 0 : i32
        %dma_wait3A_824 = tpu.memref_slice %arg3[%dma_wait3A_818, %dma_wait3A_823] : memref<200x4096xi32, #tpu.memory_space<hbm>> -> memref<1x256xi32, #tpu.memory_space<hbm>>
        %dma_wait3A_825 = tpu.memref_squeeze %dma_wait3A_824 : memref<1x256xi32, #tpu.memory_space<hbm>> -> memref<256xi32, #tpu.memory_space<hbm>>
        %dma_wait3A_826 = arith.constant 0 : i32
        %dma_wait3A_827 = tpu.memref_slice %arg5[%dma_wait3A_819, %dma_wait3A_826] : memref<4x256xi32, #tpu.memory_space<vmem>> -> memref<1x256xi32, #tpu.memory_space<vmem>>
        %dma_wait3A_828 = tpu.memref_squeeze %dma_wait3A_827 : memref<1x256xi32, #tpu.memory_space<vmem>> -> memref<256xi32, #tpu.memory_space<vmem>>
        %dma_wait3A_829 = arith.constant 0 : i32
        %dma_wait3A_830 = tpu.memref_slice %arg3[%dma_wait3A_818, %dma_wait3A_829] : memref<200x4096xi32, #tpu.memory_space<hbm>> -> memref<1x256xi32, #tpu.memory_space<hbm>>
        %dma_wait3A_831 = tpu.memref_squeeze %dma_wait3A_830 : memref<1x256xi32, #tpu.memory_space<hbm>> -> memref<256xi32, #tpu.memory_space<hbm>>
        tpu.wait_dma2 semaphore(%arg10 : memref<!tpu.dma_semaphore, #tpu.memory_space<semaphore_mem>>) src(%dma_wait3A_831 : memref<256xi32, #tpu.memory_space<hbm>>) dst(%dma_wait3A_828 : memref<256xi32, #tpu.memory_space<vmem>>)
        %dma_start3A_832 = arith.constant 1 : i32
        %dma_start3A_833 = arith.constant 1 : i32
        %dma_start3A_834 = arith.constant 0 : i32
        %dma_start3A_835 = arith.constant 0 : i32
        %dma_start3A_836 = tpu.memref_slice %arg6[%dma_start3A_833, %dma_start3A_834, %dma_start3A_835] : memref<4x256x64xf32, #tpu.memory_space<vmem>> -> memref<1x256x64xf32, #tpu.memory_space<vmem>>
        %dma_start3A_837 = tpu.memref_squeeze %dma_start3A_836 : memref<1x256x64xf32, #tpu.memory_space<vmem>> -> memref<256x64xf32, #tpu.memory_space<vmem>>
        %dma_start3A_838 = arith.constant 0 : i32
        %dma_start3A_839 = arith.constant 0 : i32
        %dma_start3A_840 = tpu.memref_slice %dma_start3A_837[%dma_start3A_838, %dma_start3A_839] : memref<256x64xf32, #tpu.memory_space<vmem>> -> memref<128x64xf32, #tpu.memory_space<vmem>>
        %dma_start3A_841 = arith.constant 0 : i32
        %dma_start3A_842 = tpu.memref_slice %arg5[%dma_start3A_832, %dma_start3A_841] : memref<4x256xi32, #tpu.memory_space<vmem>> -> memref<1x256xi32, #tpu.memory_space<vmem>>
        %dma_start3A_843 = tpu.memref_squeeze %dma_start3A_842 : memref<1x256xi32, #tpu.memory_space<vmem>> -> memref<256xi32, #tpu.memory_space<vmem>>
        %dma_start3A_844 = arith.constant 0 : i32
        %dma_start3A_845 = tpu.memref_slice %dma_start3A_843[%dma_start3A_844] : memref<256xi32, #tpu.memory_space<vmem>> -> memref<128xi32, #tpu.memory_space<vmem>>
        %dma_start3A_846 = arith.constant 0 : i32
        %dma_start3A_847 = arith.constant 0 : i32
        %dma_start3A_848 = tpu.memref_slice %arg2[%dma_start3A_846, %dma_start3A_847] : memref<1000000x64xf32, #tpu.memory_space<hbm>> -> memref<1000000x64xf32, #tpu.memory_space<hbm>>
        tpu.enqueue_indirect_dma source(%dma_start3A_848 : memref<1000000x64xf32, #tpu.memory_space<hbm>>) target(%dma_start3A_840 : memref<128x64xf32, #tpu.memory_space<vmem>>) offsets(%dma_start3A_845 : memref<128xi32, #tpu.memory_space<vmem>>) semaphore(%arg14 : memref<!tpu.dma_semaphore, #tpu.memory_space<semaphore_mem>>)
        %dma_start3A_849 = arith.constant 1 : i32
        %dma_start3A_850 = arith.constant 1 : i32
        %dma_start3A_851 = arith.constant 0 : i32
        %dma_start3A_852 = arith.constant 0 : i32
        %dma_start3A_853 = tpu.memref_slice %arg6[%dma_start3A_850, %dma_start3A_851, %dma_start3A_852] : memref<4x256x64xf32, #tpu.memory_space<vmem>> -> memref<1x256x64xf32, #tpu.memory_space<vmem>>
        %dma_start3A_854 = tpu.memref_squeeze %dma_start3A_853 : memref<1x256x64xf32, #tpu.memory_space<vmem>> -> memref<256x64xf32, #tpu.memory_space<vmem>>
        %dma_start3A_855 = arith.constant 128 : i32
        %dma_start3A_856 = arith.constant 0 : i32
        %dma_start3A_857 = tpu.memref_slice %dma_start3A_854[%dma_start3A_855, %dma_start3A_856] : memref<256x64xf32, #tpu.memory_space<vmem>> -> memref<128x64xf32, #tpu.memory_space<vmem>>
        %dma_start3A_858 = arith.constant 0 : i32
        %dma_start3A_859 = tpu.memref_slice %arg5[%dma_start3A_849, %dma_start3A_858] : memref<4x256xi32, #tpu.memory_space<vmem>> -> memref<1x256xi32, #tpu.memory_space<vmem>>
        %dma_start3A_860 = tpu.memref_squeeze %dma_start3A_859 : memref<1x256xi32, #tpu.memory_space<vmem>> -> memref<256xi32, #tpu.memory_space<vmem>>
        %dma_start3A_861 = arith.constant 128 : i32
        %dma_start3A_862 = tpu.memref_slice %dma_start3A_860[%dma_start3A_861] : memref<256xi32, #tpu.memory_space<vmem>> -> memref<128xi32, #tpu.memory_space<vmem>>
        %dma_start3A_863 = arith.constant 0 : i32
        %dma_start3A_864 = arith.constant 0 : i32
        %dma_start3A_865 = tpu.memref_slice %arg2[%dma_start3A_863, %dma_start3A_864] : memref<1000000x64xf32, #tpu.memory_space<hbm>> -> memref<1000000x64xf32, #tpu.memory_space<hbm>>
        tpu.enqueue_indirect_dma source(%dma_start3A_865 : memref<1000000x64xf32, #tpu.memory_space<hbm>>) target(%dma_start3A_857 : memref<128x64xf32, #tpu.memory_space<vmem>>) offsets(%dma_start3A_862 : memref<128xi32, #tpu.memory_space<vmem>>) semaphore(%arg14 : memref<!tpu.dma_semaphore, #tpu.memory_space<semaphore_mem>>)
      } else {
      }
      %dma_wait3A_619 = arith.constant 2 : i32
      %dma_wait3A_620 = arith.constant 0 : i32
      %dma_wait3A_621 = arith.constant 0 : i32
      %dma_wait3A_622 = tpu.memref_slice %arg6[%dma_wait3A_619, %dma_wait3A_620, %dma_wait3A_621] : memref<4x256x64xf32, #tpu.memory_space<vmem>> -> memref<1x256x64xf32, #tpu.memory_space<vmem>>
      %dma_wait3A_623 = tpu.memref_squeeze %dma_wait3A_622 : memref<1x256x64xf32, #tpu.memory_space<vmem>> -> memref<256x64xf32, #tpu.memory_space<vmem>>
      %dma_wait3A_624 = arith.constant 0 : i32
      %dma_wait3A_625 = arith.constant 0 : i32
      %dma_wait3A_626 = tpu.memref_slice %arg2[%dma_wait3A_624, %dma_wait3A_625] : memref<1000000x64xf32, #tpu.memory_space<hbm>> -> memref<256x64xf32, #tpu.memory_space<hbm>>
      %dma_wait3A_627 = arith.constant 0 : i32
      %dma_wait3A_628 = arith.constant 0 : i32
      %dma_wait3A_629 = tpu.memref_slice %arg6[%dma_wait3A_619, %dma_wait3A_627, %dma_wait3A_628] : memref<4x256x64xf32, #tpu.memory_space<vmem>> -> memref<1x256x64xf32, #tpu.memory_space<vmem>>
      %dma_wait3A_630 = tpu.memref_squeeze %dma_wait3A_629 : memref<1x256x64xf32, #tpu.memory_space<vmem>> -> memref<256x64xf32, #tpu.memory_space<vmem>>
      %dma_wait3A_631 = arith.constant 0 : i32
      %dma_wait3A_632 = arith.constant 0 : i32
      %dma_wait3A_633 = tpu.memref_slice %arg2[%dma_wait3A_631, %dma_wait3A_632] : memref<1000000x64xf32, #tpu.memory_space<hbm>> -> memref<256x64xf32, #tpu.memory_space<hbm>>
      tpu.wait_dma2 semaphore(%arg15 : memref<!tpu.dma_semaphore, #tpu.memory_space<semaphore_mem>>) src(%dma_wait3A_633 : memref<256x64xf32, #tpu.memory_space<hbm>>) dst(%dma_wait3A_630 : memref<256x64xf32, #tpu.memory_space<vmem>>)
      %add3A_634 = arith.constant 4 : i32
      %add3A_635 = arith.addi %add3A_609, %add3A_634 : i32
      %le3A_636 = arith.constant 99 : i32
      %le3A_637 = arith.cmpi sle, %add3A_635, %le3A_636 : i32
      %convert_element_type3A_638 = arith.extui %le3A_637 : i1 to i32
      %cond3A_639 = arith.constant 0 : i32
      %cond3A_640 = arith.cmpi ne, %convert_element_type3A_638, %cond3A_639 : i32
      scf.if %cond3A_640 {
        %add3A_818 = arith.constant 4 : i32
        %add3A_819 = arith.addi %add3A_609, %add3A_818 : i32
        %mul3A_820 = arith.constant 32 : i32
        %mul3A_821 = arith.muli %add3A_819, %mul3A_820 : i32
        %add3A_822 = arith.addi %mul3A_821, %add3A : i32
        %jit3A_823 = arith.constant 16 : i32
        %div3A_824 = arith.divsi %add3A_822, %jit3A_823 : i32
        %sign3A_825 = arith.constant 0 : i32
        %sign3A_826 = arith.cmpi sgt, %add3A_822, %sign3A_825 : i32
        %sign3A_827 = arith.extui %sign3A_826 : i1 to i32
        %sign3A_828 = arith.constant 0 : i32
        %sign3A_829 = arith.cmpi slt, %add3A_822, %sign3A_828 : i32
        %sign3A_830 = arith.extui %sign3A_829 : i1 to i32
        %sign3A_831 = arith.subi %sign3A_827, %sign3A_830 : i32
        %sign3A_832 = arith.constant 0 : i32
        %sign3A_833 = arith.cmpi sgt, %jit3A_823, %sign3A_832 : i32
        %sign3A_834 = arith.extui %sign3A_833 : i1 to i32
        %sign3A_835 = arith.constant 0 : i32
        %sign3A_836 = arith.cmpi slt, %jit3A_823, %sign3A_835 : i32
        %sign3A_837 = arith.extui %sign3A_836 : i1 to i32
        %sign3A_838 = arith.subi %sign3A_834, %sign3A_837 : i32
        %ne3A_839 = arith.cmpi ne, %sign3A_831, %sign3A_838 : i32
        %rem3A_840 = arith.remsi %add3A_822, %jit3A_823 : i32
        %ne3A_841 = arith.constant 0 : i32
        %ne3A_842 = arith.cmpi ne, %rem3A_840, %ne3A_841 : i32
        %and3A_843 = arith.andi %ne3A_839, %ne3A_842 : i1
        %sub3A_844 = arith.constant 1 : i32
        %sub3A_845 = arith.subi %div3A_824, %sub3A_844 : i32
        %select_n3A_846 = arith.select %and3A_843, %sub3A_845, %div3A_824 : i32
        %jit3A_847 = arith.constant 16 : i32
        %eq3A_848 = arith.constant 0 : i32
        %eq3A_849 = arith.cmpi eq, %jit3A_847, %eq3A_848 : i32
        %jit3A_850 = arith.constant 1 : i32
        %select_n3A_851 = arith.select %eq3A_849, %jit3A_850, %jit3A_847 : i32
        %rem3A_852 = arith.remsi %add3A_822, %select_n3A_851 : i32
        %ne3A_853 = arith.constant 0 : i32
        %ne3A_854 = arith.cmpi ne, %rem3A_852, %ne3A_853 : i32
        %lt3A_855 = arith.constant 0 : i32
        %lt3A_856 = arith.cmpi slt, %rem3A_852, %lt3A_855 : i32
        %lt3A_857 = arith.constant 0 : i32
        %lt3A_858 = arith.cmpi slt, %select_n3A_851, %lt3A_857 : i32
        %ne3A_859 = arith.xori %lt3A_856, %lt3A_858 : i1
        %and3A_860 = arith.andi %ne3A_859, %ne3A_854 : i1
        %add3A_861 = arith.addi %rem3A_852, %select_n3A_851 : i32
        %select_n3A_862 = arith.select %and3A_860, %add3A_861, %rem3A_852 : i32
        %mul3A_863 = arith.constant 256 : i32
        %mul3A_864 = arith.muli %select_n3A_862, %mul3A_863 : i32
        %dma_start3A_865 = arith.constant 2 : i32
        %dma_start3A_866 = arith.constant 0 : i32
        %dma_start3A_867 = tpu.memref_slice %arg5[%dma_start3A_865, %dma_start3A_866] : memref<4x256xi32, #tpu.memory_space<vmem>> -> memref<1x256xi32, #tpu.memory_space<vmem>>
        %dma_start3A_868 = tpu.memref_squeeze %dma_start3A_867 : memref<1x256xi32, #tpu.memory_space<vmem>> -> memref<256xi32, #tpu.memory_space<vmem>>
        %dma_start3A_869 = tpu.memref_slice %arg3[%select_n3A_846, %mul3A_864] : memref<200x4096xi32, #tpu.memory_space<hbm>> -> memref<1x256xi32, #tpu.memory_space<hbm>>
        %dma_start3A_870 = tpu.memref_squeeze %dma_start3A_869 : memref<1x256xi32, #tpu.memory_space<hbm>> -> memref<256xi32, #tpu.memory_space<hbm>>
        %dma_start3A_871 = arith.constant 0 : i32
        %dma_start3A_872 = tpu.memref_slice %arg5[%dma_start3A_865, %dma_start3A_871] : memref<4x256xi32, #tpu.memory_space<vmem>> -> memref<1x256xi32, #tpu.memory_space<vmem>>
        %dma_start3A_873 = tpu.memref_squeeze %dma_start3A_872 : memref<1x256xi32, #tpu.memory_space<vmem>> -> memref<256xi32, #tpu.memory_space<vmem>>
        %dma_start3A_874 = tpu.memref_slice %arg3[%select_n3A_846, %mul3A_864] : memref<200x4096xi32, #tpu.memory_space<hbm>> -> memref<1x256xi32, #tpu.memory_space<hbm>>
        %dma_start3A_875 = tpu.memref_squeeze %dma_start3A_874 : memref<1x256xi32, #tpu.memory_space<hbm>> -> memref<256xi32, #tpu.memory_space<hbm>>
        tpu.enqueue_dma source(%dma_start3A_875 : memref<256xi32, #tpu.memory_space<hbm>>) target(%dma_start3A_873 : memref<256xi32, #tpu.memory_space<vmem>>) target_semaphore(%arg11 : memref<!tpu.dma_semaphore, #tpu.memory_space<semaphore_mem>>)
      } else {
      }
      %ge3A_641 = arith.constant 2 : i32
      %ge3A_642 = arith.cmpi sge, %add3A_609, %ge3A_641 : i32
      %convert_element_type3A_643 = arith.extui %ge3A_642 : i1 to i32
      %cond3A_644 = arith.constant 0 : i32
      %cond3A_645 = arith.cmpi ne, %convert_element_type3A_643, %cond3A_644 : i32
      scf.if %cond3A_645 {
        %dma_wait3A_818 = arith.constant 0 : i32
        %dma_wait3A_819 = arith.constant 0 : i32
        %dma_wait3A_820 = arith.constant 0 : i32
        %dma_wait3A_821 = tpu.memref_slice %arg7[%dma_wait3A_819, %dma_wait3A_820] : memref<64x257xf32, #tpu.memory_space<vmem>> -> memref<64x256xf32, #tpu.memory_space<vmem>>
        %dma_wait3A_822 = arith.constant 0 : i32
        %dma_wait3A_823 = arith.constant 0 : i32
        %dma_wait3A_824 = tpu.memref_slice %arg4[%dma_wait3A_818, %dma_wait3A_822, %dma_wait3A_823] : memref<200x64x4096xf32, #tpu.memory_space<hbm>> -> memref<1x64x4096xf32, #tpu.memory_space<hbm>>
        %dma_wait3A_825 = tpu.memref_squeeze %dma_wait3A_824 : memref<1x64x4096xf32, #tpu.memory_space<hbm>> -> memref<64x4096xf32, #tpu.memory_space<hbm>>
        %dma_wait3A_826 = arith.constant 0 : i32
        %dma_wait3A_827 = arith.constant 0 : i32
        %dma_wait3A_828 = tpu.memref_slice %dma_wait3A_825[%dma_wait3A_826, %dma_wait3A_827] : memref<64x4096xf32, #tpu.memory_space<hbm>> -> memref<64x256xf32, #tpu.memory_space<hbm>>
        %dma_wait3A_829 = arith.constant 0 : i32
        %dma_wait3A_830 = arith.constant 0 : i32
        %dma_wait3A_831 = tpu.memref_slice %arg4[%dma_wait3A_818, %dma_wait3A_829, %dma_wait3A_830] : memref<200x64x4096xf32, #tpu.memory_space<hbm>> -> memref<1x64x4096xf32, #tpu.memory_space<hbm>>
        %dma_wait3A_832 = tpu.memref_squeeze %dma_wait3A_831 : memref<1x64x4096xf32, #tpu.memory_space<hbm>> -> memref<64x4096xf32, #tpu.memory_space<hbm>>
        %dma_wait3A_833 = arith.constant 0 : i32
        %dma_wait3A_834 = arith.constant 0 : i32
        %dma_wait3A_835 = tpu.memref_slice %dma_wait3A_832[%dma_wait3A_833, %dma_wait3A_834] : memref<64x4096xf32, #tpu.memory_space<hbm>> -> memref<64x256xf32, #tpu.memory_space<hbm>>
        %dma_wait3A_836 = arith.constant 0 : i32
        %dma_wait3A_837 = arith.constant 0 : i32
        %dma_wait3A_838 = tpu.memref_slice %arg7[%dma_wait3A_836, %dma_wait3A_837] : memref<64x257xf32, #tpu.memory_space<vmem>> -> memref<64x256xf32, #tpu.memory_space<vmem>>
        tpu.wait_dma2 semaphore(%arg17 : memref<!tpu.dma_semaphore, #tpu.memory_space<semaphore_mem>>) src(%dma_wait3A_838 : memref<64x256xf32, #tpu.memory_space<vmem>>) dst(%dma_wait3A_835 : memref<64x256xf32, #tpu.memory_space<hbm>>)
      } else {
      }
      %parallel_loop3A_646 = arith.constant 0 : i32
      %parallel_loop3A_647 = arith.constant 256 : i32
      %parallel_loop3A_648 = arith.constant 1 : i32
      %parallel_loop3A_649 = arith.constant 2 : i32
      scf.for %parallel_loop3A_818 = %parallel_loop3A_646 to %parallel_loop3A_647 step %parallel_loop3A_648  : i32 {
        %parallel_loop3A_819 = vector.broadcast %parallel_loop3A_818 : i32 to vector<16xi32>
        %parallel_loop3A_820 = arith.constant 0 : i32
        %parallel_loop3A_821 = arith.constant 0 : i32
        %parallel_loop3A_822 = tpu.memref_slice %arg6[%parallel_loop3A_649, %parallel_loop3A_820, %parallel_loop3A_821] : memref<4x256x64xf32, #tpu.memory_space<vmem>> -> memref<1x256x64xf32, #tpu.memory_space<vmem>>
        %parallel_loop3A_823 = tpu.memref_squeeze %parallel_loop3A_822 : memref<1x256x64xf32, #tpu.memory_space<vmem>> -> memref<256x64xf32, #tpu.memory_space<vmem>>
        %parallel_loop3A_824 = arith.index_cast %parallel_loop3A_818 : i32 to index
        %parallel_loop3A_825 = arith.constant 0 : index
        %parallel_loop3A_826 = tpu.vector_load %parallel_loop3A_823[%parallel_loop3A_824, %parallel_loop3A_825] {strides = array<i32>} : memref<256x64xf32, #tpu.memory_space<vmem>>, vector<16xf32>,
        %parallel_loop3A_827 = arith.constant 0 : i32
        %parallel_loop3A_828 = vector.broadcast %parallel_loop3A_827 : i32 to vector<16xi32>
        %parallel_loop3A_829 = arith.addi %parallel_loop3A_828, %iota3A : vector<16xi32>
        tpu.vector_store_idx %arg7[%parallel_loop3A_829, %parallel_loop3A_819], %parallel_loop3A_826 : memref<64x257xf32, #tpu.memory_space<vmem>>[vector<16xi32>, vector<16xi32>], vector<16xf32>,
        %parallel_loop3A_830 = arith.constant 0 : i32
        %parallel_loop3A_831 = arith.constant 0 : i32
        %parallel_loop3A_832 = tpu.memref_slice %arg6[%parallel_loop3A_649, %parallel_loop3A_830, %parallel_loop3A_831] : memref<4x256x64xf32, #tpu.memory_space<vmem>> -> memref<1x256x64xf32, #tpu.memory_space<vmem>>
        %parallel_loop3A_833 = tpu.memref_squeeze %parallel_loop3A_832 : memref<1x256x64xf32, #tpu.memory_space<vmem>> -> memref<256x64xf32, #tpu.memory_space<vmem>>
        %parallel_loop3A_834 = arith.index_cast %parallel_loop3A_818 : i32 to index
        %parallel_loop3A_835 = arith.constant 16 : index
        %parallel_loop3A_836 = tpu.vector_load %parallel_loop3A_833[%parallel_loop3A_834, %parallel_loop3A_835] {strides = array<i32>} : memref<256x64xf32, #tpu.memory_space<vmem>>, vector<16xf32>,
        %parallel_loop3A_837 = arith.constant 16 : i32
        %parallel_loop3A_838 = vector.broadcast %parallel_loop3A_837 : i32 to vector<16xi32>
        %parallel_loop3A_839 = arith.addi %parallel_loop3A_838, %iota3A : vector<16xi32>
        tpu.vector_store_idx %arg7[%parallel_loop3A_839, %parallel_loop3A_819], %parallel_loop3A_836 : memref<64x257xf32, #tpu.memory_space<vmem>>[vector<16xi32>, vector<16xi32>], vector<16xf32>,
        %parallel_loop3A_840 = arith.constant 0 : i32
        %parallel_loop3A_841 = arith.constant 0 : i32
        %parallel_loop3A_842 = tpu.memref_slice %arg6[%parallel_loop3A_649, %parallel_loop3A_840, %parallel_loop3A_841] : memref<4x256x64xf32, #tpu.memory_space<vmem>> -> memref<1x256x64xf32, #tpu.memory_space<vmem>>
        %parallel_loop3A_843 = tpu.memref_squeeze %parallel_loop3A_842 : memref<1x256x64xf32, #tpu.memory_space<vmem>> -> memref<256x64xf32, #tpu.memory_space<vmem>>
        %parallel_loop3A_844 = arith.index_cast %parallel_loop3A_818 : i32 to index
        %parallel_loop3A_845 = arith.constant 32 : index
        %parallel_loop3A_846 = tpu.vector_load %parallel_loop3A_843[%parallel_loop3A_844, %parallel_loop3A_845] {strides = array<i32>} : memref<256x64xf32, #tpu.memory_space<vmem>>, vector<16xf32>,
        %parallel_loop3A_847 = arith.constant 32 : i32
        %parallel_loop3A_848 = vector.broadcast %parallel_loop3A_847 : i32 to vector<16xi32>
        %parallel_loop3A_849 = arith.addi %parallel_loop3A_848, %iota3A : vector<16xi32>
        tpu.vector_store_idx %arg7[%parallel_loop3A_849, %parallel_loop3A_819], %parallel_loop3A_846 : memref<64x257xf32, #tpu.memory_space<vmem>>[vector<16xi32>, vector<16xi32>], vector<16xf32>,
        %parallel_loop3A_850 = arith.constant 0 : i32
        %parallel_loop3A_851 = arith.constant 0 : i32
        %parallel_loop3A_852 = tpu.memref_slice %arg6[%parallel_loop3A_649, %parallel_loop3A_850, %parallel_loop3A_851] : memref<4x256x64xf32, #tpu.memory_space<vmem>> -> memref<1x256x64xf32, #tpu.memory_space<vmem>>
        %parallel_loop3A_853 = tpu.memref_squeeze %parallel_loop3A_852 : memref<1x256x64xf32, #tpu.memory_space<vmem>> -> memref<256x64xf32, #tpu.memory_space<vmem>>
        %parallel_loop3A_854 = arith.index_cast %parallel_loop3A_818 : i32 to index
        %parallel_loop3A_855 = arith.constant 48 : index
        %parallel_loop3A_856 = tpu.vector_load %parallel_loop3A_853[%parallel_loop3A_854, %parallel_loop3A_855] {strides = array<i32>} : memref<256x64xf32, #tpu.memory_space<vmem>>, vector<16xf32>,
        %parallel_loop3A_857 = arith.constant 48 : i32
        %parallel_loop3A_858 = vector.broadcast %parallel_loop3A_857 : i32 to vector<16xi32>
        %parallel_loop3A_859 = arith.addi %parallel_loop3A_858, %iota3A : vector<16xi32>
        tpu.vector_store_idx %arg7[%parallel_loop3A_859, %parallel_loop3A_819], %parallel_loop3A_856 : memref<64x257xf32, #tpu.memory_space<vmem>>[vector<16xi32>, vector<16xi32>], vector<16xf32>,
      } {sc.loop_unroll_factor = 8 : i64, sc.parallel_access}
      %mul3A_650 = arith.constant 32 : i32
      %mul3A_651 = arith.muli %add3A_609, %mul3A_650 : i32
      %add3A_652 = arith.addi %mul3A_651, %add3A : i32
      %jit3A_653 = arith.constant 16 : i32
      %div3A_654 = arith.divsi %add3A_652, %jit3A_653 : i32
      %sign3A_655 = arith.constant 0 : i32
      %sign3A_656 = arith.cmpi sgt, %add3A_652, %sign3A_655 : i32
      %sign3A_657 = arith.extui %sign3A_656 : i1 to i32
      %sign3A_658 = arith.constant 0 : i32
      %sign3A_659 = arith.cmpi slt, %add3A_652, %sign3A_658 : i32
      %sign3A_660 = arith.extui %sign3A_659 : i1 to i32
      %sign3A_661 = arith.subi %sign3A_657, %sign3A_660 : i32
      %sign3A_662 = arith.constant 0 : i32
      %sign3A_663 = arith.cmpi sgt, %jit3A_653, %sign3A_662 : i32
      %sign3A_664 = arith.extui %sign3A_663 : i1 to i32
      %sign3A_665 = arith.constant 0 : i32
      %sign3A_666 = arith.cmpi slt, %jit3A_653, %sign3A_665 : i32
      %sign3A_667 = arith.extui %sign3A_666 : i1 to i32
      %sign3A_668 = arith.subi %sign3A_664, %sign3A_667 : i32
      %ne3A_669 = arith.cmpi ne, %sign3A_661, %sign3A_668 : i32
      %rem3A_670 = arith.remsi %add3A_652, %jit3A_653 : i32
      %ne3A_671 = arith.constant 0 : i32
      %ne3A_672 = arith.cmpi ne, %rem3A_670, %ne3A_671 : i32
      %and3A_673 = arith.andi %ne3A_669, %ne3A_672 : i1
      %sub3A_674 = arith.constant 1 : i32
      %sub3A_675 = arith.subi %div3A_654, %sub3A_674 : i32
      %select_n3A_676 = arith.select %and3A_673, %sub3A_675, %div3A_654 : i32
      %jit3A_677 = arith.constant 16 : i32
      %eq3A_678 = arith.constant 0 : i32
      %eq3A_679 = arith.cmpi eq, %jit3A_677, %eq3A_678 : i32
      %jit3A_680 = arith.constant 1 : i32
      %select_n3A_681 = arith.select %eq3A_679, %jit3A_680, %jit3A_677 : i32
      %rem3A_682 = arith.remsi %add3A_652, %select_n3A_681 : i32
      %ne3A_683 = arith.constant 0 : i32
      %ne3A_684 = arith.cmpi ne, %rem3A_682, %ne3A_683 : i32
      %lt3A_685 = arith.constant 0 : i32
      %lt3A_686 = arith.cmpi slt, %rem3A_682, %lt3A_685 : i32
      %lt3A_687 = arith.constant 0 : i32
      %lt3A_688 = arith.cmpi slt, %select_n3A_681, %lt3A_687 : i32
      %ne3A_689 = arith.xori %lt3A_686, %lt3A_688 : i1
      %and3A_690 = arith.andi %ne3A_689, %ne3A_684 : i1
      %add3A_691 = arith.addi %rem3A_682, %select_n3A_681 : i32
      %select_n3A_692 = arith.select %and3A_690, %add3A_691, %rem3A_682 : i32
      %mul3A_693 = arith.constant 256 : i32
      %mul3A_694 = arith.muli %select_n3A_692, %mul3A_693 : i32
      %dma_start3A_695 = arith.constant 0 : i32
      %dma_start3A_696 = arith.constant 0 : i32
      %dma_start3A_697 = tpu.memref_slice %arg7[%dma_start3A_695, %dma_start3A_696] : memref<64x257xf32, #tpu.memory_space<vmem>> -> memref<64x256xf32, #tpu.memory_space<vmem>>
      %dma_start3A_698 = arith.constant 0 : i32
      %dma_start3A_699 = arith.constant 0 : i32
      %dma_start3A_700 = tpu.memref_slice %arg4[%select_n3A_676, %dma_start3A_698, %dma_start3A_699] : memref<200x64x4096xf32, #tpu.memory_space<hbm>> -> memref<1x64x4096xf32, #tpu.memory_space<hbm>>
      %dma_start3A_701 = tpu.memref_squeeze %dma_start3A_700 : memref<1x64x4096xf32, #tpu.memory_space<hbm>> -> memref<64x4096xf32, #tpu.memory_space<hbm>>
      %dma_start3A_702 = arith.constant 0 : i32
      %dma_start3A_703 = tpu.memref_slice %dma_start3A_701[%dma_start3A_702, %mul3A_694] : memref<64x4096xf32, #tpu.memory_space<hbm>> -> memref<64x256xf32, #tpu.memory_space<hbm>>
      %dma_start3A_704 = arith.constant 0 : i32
      %dma_start3A_705 = arith.constant 0 : i32
      %dma_start3A_706 = tpu.memref_slice %arg4[%select_n3A_676, %dma_start3A_704, %dma_start3A_705] : memref<200x64x4096xf32, #tpu.memory_space<hbm>> -> memref<1x64x4096xf32, #tpu.memory_space<hbm>>
      %dma_start3A_707 = tpu.memref_squeeze %dma_start3A_706 : memref<1x64x4096xf32, #tpu.memory_space<hbm>> -> memref<64x4096xf32, #tpu.memory_space<hbm>>
      %dma_start3A_708 = arith.constant 0 : i32
      %dma_start3A_709 = tpu.memref_slice %dma_start3A_707[%dma_start3A_708, %mul3A_694] : memref<64x4096xf32, #tpu.memory_space<hbm>> -> memref<64x256xf32, #tpu.memory_space<hbm>>
      %dma_start3A_710 = arith.constant 0 : i32
      %dma_start3A_711 = arith.constant 0 : i32
      %dma_start3A_712 = tpu.memref_slice %arg7[%dma_start3A_710, %dma_start3A_711] : memref<64x257xf32, #tpu.memory_space<vmem>> -> memref<64x256xf32, #tpu.memory_space<vmem>>
      tpu.enqueue_dma source(%dma_start3A_712 : memref<64x256xf32, #tpu.memory_space<vmem>>) target(%dma_start3A_709 : memref<64x256xf32, #tpu.memory_space<hbm>>) target_semaphore(%arg17 : memref<!tpu.dma_semaphore, #tpu.memory_space<semaphore_mem>>)
      %add3A_713 = arith.constant 3 : i32
      %add3A_714 = arith.addi %mul3A_402, %add3A_713 : i32
      %add3A_715 = arith.constant 4 : i32
      %add3A_716 = arith.addi %add3A_714, %add3A_715 : i32
      %sub3A_717 = arith.constant 1 : i32
      %sub3A_718 = arith.subi %add3A_716, %sub3A_717 : i32
      %le3A_719 = arith.constant 99 : i32
      %le3A_720 = arith.cmpi sle, %sub3A_718, %le3A_719 : i32
      %convert_element_type3A_721 = arith.extui %le3A_720 : i1 to i32
      %cond3A_722 = arith.constant 0 : i32
      %cond3A_723 = arith.cmpi ne, %convert_element_type3A_721, %cond3A_722 : i32
      scf.if %cond3A_723 {
        %dma_wait3A_818 = arith.constant 0 : i32
        %dma_wait3A_819 = arith.constant 2 : i32
        %dma_wait3A_820 = arith.constant 0 : i32
        %dma_wait3A_821 = tpu.memref_slice %arg5[%dma_wait3A_819, %dma_wait3A_820] : memref<4x256xi32, #tpu.memory_space<vmem>> -> memref<1x256xi32, #tpu.memory_space<vmem>>
        %dma_wait3A_822 = tpu.memref_squeeze %dma_wait3A_821 : memref<1x256xi32, #tpu.memory_space<vmem>> -> memref<256xi32, #tpu.memory_space<vmem>>
        %dma_wait3A_823 = arith.constant 0 : i32
        %dma_wait3A_824 = tpu.memref_slice %arg3[%dma_wait3A_818, %dma_wait3A_823] : memref<200x4096xi32, #tpu.memory_space<hbm>> -> memref<1x256xi32, #tpu.memory_space<hbm>>
        %dma_wait3A_825 = tpu.memref_squeeze %dma_wait3A_824 : memref<1x256xi32, #tpu.memory_space<hbm>> -> memref<256xi32, #tpu.memory_space<hbm>>
        %dma_wait3A_826 = arith.constant 0 : i32
        %dma_wait3A_827 = tpu.memref_slice %arg5[%dma_wait3A_819, %dma_wait3A_826] : memref<4x256xi32, #tpu.memory_space<vmem>> -> memref<1x256xi32, #tpu.memory_space<vmem>>
        %dma_wait3A_828 = tpu.memref_squeeze %dma_wait3A_827 : memref<1x256xi32, #tpu.memory_space<vmem>> -> memref<256xi32, #tpu.memory_space<vmem>>
        %dma_wait3A_829 = arith.constant 0 : i32
        %dma_wait3A_830 = tpu.memref_slice %arg3[%dma_wait3A_818, %dma_wait3A_829] : memref<200x4096xi32, #tpu.memory_space<hbm>> -> memref<1x256xi32, #tpu.memory_space<hbm>>
        %dma_wait3A_831 = tpu.memref_squeeze %dma_wait3A_830 : memref<1x256xi32, #tpu.memory_space<hbm>> -> memref<256xi32, #tpu.memory_space<hbm>>
        tpu.wait_dma2 semaphore(%arg11 : memref<!tpu.dma_semaphore, #tpu.memory_space<semaphore_mem>>) src(%dma_wait3A_831 : memref<256xi32, #tpu.memory_space<hbm>>) dst(%dma_wait3A_828 : memref<256xi32, #tpu.memory_space<vmem>>)
        %dma_start3A_832 = arith.constant 2 : i32
        %dma_start3A_833 = arith.constant 2 : i32
        %dma_start3A_834 = arith.constant 0 : i32
        %dma_start3A_835 = arith.constant 0 : i32
        %dma_start3A_836 = tpu.memref_slice %arg6[%dma_start3A_833, %dma_start3A_834, %dma_start3A_835] : memref<4x256x64xf32, #tpu.memory_space<vmem>> -> memref<1x256x64xf32, #tpu.memory_space<vmem>>
        %dma_start3A_837 = tpu.memref_squeeze %dma_start3A_836 : memref<1x256x64xf32, #tpu.memory_space<vmem>> -> memref<256x64xf32, #tpu.memory_space<vmem>>
        %dma_start3A_838 = arith.constant 0 : i32
        %dma_start3A_839 = arith.constant 0 : i32
        %dma_start3A_840 = tpu.memref_slice %dma_start3A_837[%dma_start3A_838, %dma_start3A_839] : memref<256x64xf32, #tpu.memory_space<vmem>> -> memref<128x64xf32, #tpu.memory_space<vmem>>
        %dma_start3A_841 = arith.constant 0 : i32
        %dma_start3A_842 = tpu.memref_slice %arg5[%dma_start3A_832, %dma_start3A_841] : memref<4x256xi32, #tpu.memory_space<vmem>> -> memref<1x256xi32, #tpu.memory_space<vmem>>
        %dma_start3A_843 = tpu.memref_squeeze %dma_start3A_842 : memref<1x256xi32, #tpu.memory_space<vmem>> -> memref<256xi32, #tpu.memory_space<vmem>>
        %dma_start3A_844 = arith.constant 0 : i32
        %dma_start3A_845 = tpu.memref_slice %dma_start3A_843[%dma_start3A_844] : memref<256xi32, #tpu.memory_space<vmem>> -> memref<128xi32, #tpu.memory_space<vmem>>
        %dma_start3A_846 = arith.constant 0 : i32
        %dma_start3A_847 = arith.constant 0 : i32
        %dma_start3A_848 = tpu.memref_slice %arg2[%dma_start3A_846, %dma_start3A_847] : memref<1000000x64xf32, #tpu.memory_space<hbm>> -> memref<1000000x64xf32, #tpu.memory_space<hbm>>
        tpu.enqueue_indirect_dma source(%dma_start3A_848 : memref<1000000x64xf32, #tpu.memory_space<hbm>>) target(%dma_start3A_840 : memref<128x64xf32, #tpu.memory_space<vmem>>) offsets(%dma_start3A_845 : memref<128xi32, #tpu.memory_space<vmem>>) semaphore(%arg15 : memref<!tpu.dma_semaphore, #tpu.memory_space<semaphore_mem>>)
        %dma_start3A_849 = arith.constant 2 : i32
        %dma_start3A_850 = arith.constant 2 : i32
        %dma_start3A_851 = arith.constant 0 : i32
        %dma_start3A_852 = arith.constant 0 : i32
        %dma_start3A_853 = tpu.memref_slice %arg6[%dma_start3A_850, %dma_start3A_851, %dma_start3A_852] : memref<4x256x64xf32, #tpu.memory_space<vmem>> -> memref<1x256x64xf32, #tpu.memory_space<vmem>>
        %dma_start3A_854 = tpu.memref_squeeze %dma_start3A_853 : memref<1x256x64xf32, #tpu.memory_space<vmem>> -> memref<256x64xf32, #tpu.memory_space<vmem>>
        %dma_start3A_855 = arith.constant 128 : i32
        %dma_start3A_856 = arith.constant 0 : i32
        %dma_start3A_857 = tpu.memref_slice %dma_start3A_854[%dma_start3A_855, %dma_start3A_856] : memref<256x64xf32, #tpu.memory_space<vmem>> -> memref<128x64xf32, #tpu.memory_space<vmem>>
        %dma_start3A_858 = arith.constant 0 : i32
        %dma_start3A_859 = tpu.memref_slice %arg5[%dma_start3A_849, %dma_start3A_858] : memref<4x256xi32, #tpu.memory_space<vmem>> -> memref<1x256xi32, #tpu.memory_space<vmem>>
        %dma_start3A_860 = tpu.memref_squeeze %dma_start3A_859 : memref<1x256xi32, #tpu.memory_space<vmem>> -> memref<256xi32, #tpu.memory_space<vmem>>
        %dma_start3A_861 = arith.constant 128 : i32
        %dma_start3A_862 = tpu.memref_slice %dma_start3A_860[%dma_start3A_861] : memref<256xi32, #tpu.memory_space<vmem>> -> memref<128xi32, #tpu.memory_space<vmem>>
        %dma_start3A_863 = arith.constant 0 : i32
        %dma_start3A_864 = arith.constant 0 : i32
        %dma_start3A_865 = tpu.memref_slice %arg2[%dma_start3A_863, %dma_start3A_864] : memref<1000000x64xf32, #tpu.memory_space<hbm>> -> memref<1000000x64xf32, #tpu.memory_space<hbm>>
        tpu.enqueue_indirect_dma source(%dma_start3A_865 : memref<1000000x64xf32, #tpu.memory_space<hbm>>) target(%dma_start3A_857 : memref<128x64xf32, #tpu.memory_space<vmem>>) offsets(%dma_start3A_862 : memref<128xi32, #tpu.memory_space<vmem>>) semaphore(%arg15 : memref<!tpu.dma_semaphore, #tpu.memory_space<semaphore_mem>>)
      } else {
      }
      %dma_wait3A_724 = arith.constant 3 : i32
      %dma_wait3A_725 = arith.constant 0 : i32
      %dma_wait3A_726 = arith.constant 0 : i32
      %dma_wait3A_727 = tpu.memref_slice %arg6[%dma_wait3A_724, %dma_wait3A_725, %dma_wait3A_726] : memref<4x256x64xf32, #tpu.memory_space<vmem>> -> memref<1x256x64xf32, #tpu.memory_space<vmem>>
      %dma_wait3A_728 = tpu.memref_squeeze %dma_wait3A_727 : memref<1x256x64xf32, #tpu.memory_space<vmem>> -> memref<256x64xf32, #tpu.memory_space<vmem>>
      %dma_wait3A_729 = arith.constant 0 : i32
      %dma_wait3A_730 = arith.constant 0 : i32
      %dma_wait3A_731 = tpu.memref_slice %arg2[%dma_wait3A_729, %dma_wait3A_730] : memref<1000000x64xf32, #tpu.memory_space<hbm>> -> memref<256x64xf32, #tpu.memory_space<hbm>>
      %dma_wait3A_732 = arith.constant 0 : i32
      %dma_wait3A_733 = arith.constant 0 : i32
      %dma_wait3A_734 = tpu.memref_slice %arg6[%dma_wait3A_724, %dma_wait3A_732, %dma_wait3A_733] : memref<4x256x64xf32, #tpu.memory_space<vmem>> -> memref<1x256x64xf32, #tpu.memory_space<vmem>>
      %dma_wait3A_735 = tpu.memref_squeeze %dma_wait3A_734 : memref<1x256x64xf32, #tpu.memory_space<vmem>> -> memref<256x64xf32, #tpu.memory_space<vmem>>
      %dma_wait3A_736 = arith.constant 0 : i32
      %dma_wait3A_737 = arith.constant 0 : i32
      %dma_wait3A_738 = tpu.memref_slice %arg2[%dma_wait3A_736, %dma_wait3A_737] : memref<1000000x64xf32, #tpu.memory_space<hbm>> -> memref<256x64xf32, #tpu.memory_space<hbm>>
      tpu.wait_dma2 semaphore(%arg16 : memref<!tpu.dma_semaphore, #tpu.memory_space<semaphore_mem>>) src(%dma_wait3A_738 : memref<256x64xf32, #tpu.memory_space<hbm>>) dst(%dma_wait3A_735 : memref<256x64xf32, #tpu.memory_space<vmem>>)
      %add3A_739 = arith.constant 4 : i32
      %add3A_740 = arith.addi %add3A_714, %add3A_739 : i32
      %le3A_741 = arith.constant 99 : i32
      %le3A_742 = arith.cmpi sle, %add3A_740, %le3A_741 : i32
      %convert_element_type3A_743 = arith.extui %le3A_742 : i1 to i32
      %cond3A_744 = arith.constant 0 : i32
      %cond3A_745 = arith.cmpi ne, %convert_element_type3A_743, %cond3A_744 : i32
      scf.if %cond3A_745 {
        %add3A_818 = arith.constant 4 : i32
        %add3A_819 = arith.addi %add3A_714, %add3A_818 : i32
        %mul3A_820 = arith.constant 32 : i32
        %mul3A_821 = arith.muli %add3A_819, %mul3A_820 : i32
        %add3A_822 = arith.addi %mul3A_821, %add3A : i32
        %jit3A_823 = arith.constant 16 : i32
        %div3A_824 = arith.divsi %add3A_822, %jit3A_823 : i32
        %sign3A_825 = arith.constant 0 : i32
        %sign3A_826 = arith.cmpi sgt, %add3A_822, %sign3A_825 : i32
        %sign3A_827 = arith.extui %sign3A_826 : i1 to i32
        %sign3A_828 = arith.constant 0 : i32
        %sign3A_829 = arith.cmpi slt, %add3A_822, %sign3A_828 : i32
        %sign3A_830 = arith.extui %sign3A_829 : i1 to i32
        %sign3A_831 = arith.subi %sign3A_827, %sign3A_830 : i32
        %sign3A_832 = arith.constant 0 : i32
        %sign3A_833 = arith.cmpi sgt, %jit3A_823, %sign3A_832 : i32
        %sign3A_834 = arith.extui %sign3A_833 : i1 to i32
        %sign3A_835 = arith.constant 0 : i32
        %sign3A_836 = arith.cmpi slt, %jit3A_823, %sign3A_835 : i32
        %sign3A_837 = arith.extui %sign3A_836 : i1 to i32
        %sign3A_838 = arith.subi %sign3A_834, %sign3A_837 : i32
        %ne3A_839 = arith.cmpi ne, %sign3A_831, %sign3A_838 : i32
        %rem3A_840 = arith.remsi %add3A_822, %jit3A_823 : i32
        %ne3A_841 = arith.constant 0 : i32
        %ne3A_842 = arith.cmpi ne, %rem3A_840, %ne3A_841 : i32
        %and3A_843 = arith.andi %ne3A_839, %ne3A_842 : i1
        %sub3A_844 = arith.constant 1 : i32
        %sub3A_845 = arith.subi %div3A_824, %sub3A_844 : i32
        %select_n3A_846 = arith.select %and3A_843, %sub3A_845, %div3A_824 : i32
        %jit3A_847 = arith.constant 16 : i32
        %eq3A_848 = arith.constant 0 : i32
        %eq3A_849 = arith.cmpi eq, %jit3A_847, %eq3A_848 : i32
        %jit3A_850 = arith.constant 1 : i32
        %select_n3A_851 = arith.select %eq3A_849, %jit3A_850, %jit3A_847 : i32
        %rem3A_852 = arith.remsi %add3A_822, %select_n3A_851 : i32
        %ne3A_853 = arith.constant 0 : i32
        %ne3A_854 = arith.cmpi ne, %rem3A_852, %ne3A_853 : i32
        %lt3A_855 = arith.constant 0 : i32
        %lt3A_856 = arith.cmpi slt, %rem3A_852, %lt3A_855 : i32
        %lt3A_857 = arith.constant 0 : i32
        %lt3A_858 = arith.cmpi slt, %select_n3A_851, %lt3A_857 : i32
        %ne3A_859 = arith.xori %lt3A_856, %lt3A_858 : i1
        %and3A_860 = arith.andi %ne3A_859, %ne3A_854 : i1
        %add3A_861 = arith.addi %rem3A_852, %select_n3A_851 : i32
        %select_n3A_862 = arith.select %and3A_860, %add3A_861, %rem3A_852 : i32
        %mul3A_863 = arith.constant 256 : i32
        %mul3A_864 = arith.muli %select_n3A_862, %mul3A_863 : i32
        %dma_start3A_865 = arith.constant 3 : i32
        %dma_start3A_866 = arith.constant 0 : i32
        %dma_start3A_867 = tpu.memref_slice %arg5[%dma_start3A_865, %dma_start3A_866] : memref<4x256xi32, #tpu.memory_space<vmem>> -> memref<1x256xi32, #tpu.memory_space<vmem>>
        %dma_start3A_868 = tpu.memref_squeeze %dma_start3A_867 : memref<1x256xi32, #tpu.memory_space<vmem>> -> memref<256xi32, #tpu.memory_space<vmem>>
        %dma_start3A_869 = tpu.memref_slice %arg3[%select_n3A_846, %mul3A_864] : memref<200x4096xi32, #tpu.memory_space<hbm>> -> memref<1x256xi32, #tpu.memory_space<hbm>>
        %dma_start3A_870 = tpu.memref_squeeze %dma_start3A_869 : memref<1x256xi32, #tpu.memory_space<hbm>> -> memref<256xi32, #tpu.memory_space<hbm>>
        %dma_start3A_871 = arith.constant 0 : i32
        %dma_start3A_872 = tpu.memref_slice %arg5[%dma_start3A_865, %dma_start3A_871] : memref<4x256xi32, #tpu.memory_space<vmem>> -> memref<1x256xi32, #tpu.memory_space<vmem>>
        %dma_start3A_873 = tpu.memref_squeeze %dma_start3A_872 : memref<1x256xi32, #tpu.memory_space<vmem>> -> memref<256xi32, #tpu.memory_space<vmem>>
        %dma_start3A_874 = tpu.memref_slice %arg3[%select_n3A_846, %mul3A_864] : memref<200x4096xi32, #tpu.memory_space<hbm>> -> memref<1x256xi32, #tpu.memory_space<hbm>>
        %dma_start3A_875 = tpu.memref_squeeze %dma_start3A_874 : memref<1x256xi32, #tpu.memory_space<hbm>> -> memref<256xi32, #tpu.memory_space<hbm>>
        tpu.enqueue_dma source(%dma_start3A_875 : memref<256xi32, #tpu.memory_space<hbm>>) target(%dma_start3A_873 : memref<256xi32, #tpu.memory_space<vmem>>) target_semaphore(%arg12 : memref<!tpu.dma_semaphore, #tpu.memory_space<semaphore_mem>>)
      } else {
      }
      %ge3A_746 = arith.constant 2 : i32
      %ge3A_747 = arith.cmpi sge, %add3A_714, %ge3A_746 : i32
      %convert_element_type3A_748 = arith.extui %ge3A_747 : i1 to i32
      %cond3A_749 = arith.constant 0 : i32
      %cond3A_750 = arith.cmpi ne, %convert_element_type3A_748, %cond3A_749 : i32
      scf.if %cond3A_750 {
        %dma_wait3A_818 = arith.constant 0 : i32
        %dma_wait3A_819 = arith.constant 0 : i32
        %dma_wait3A_820 = arith.constant 0 : i32
        %dma_wait3A_821 = tpu.memref_slice %arg8[%dma_wait3A_819, %dma_wait3A_820] : memref<64x257xf32, #tpu.memory_space<vmem>> -> memref<64x256xf32, #tpu.memory_space<vmem>>
        %dma_wait3A_822 = arith.constant 0 : i32
        %dma_wait3A_823 = arith.constant 0 : i32
        %dma_wait3A_824 = tpu.memref_slice %arg4[%dma_wait3A_818, %dma_wait3A_822, %dma_wait3A_823] : memref<200x64x4096xf32, #tpu.memory_space<hbm>> -> memref<1x64x4096xf32, #tpu.memory_space<hbm>>
        %dma_wait3A_825 = tpu.memref_squeeze %dma_wait3A_824 : memref<1x64x4096xf32, #tpu.memory_space<hbm>> -> memref<64x4096xf32, #tpu.memory_space<hbm>>
        %dma_wait3A_826 = arith.constant 0 : i32
        %dma_wait3A_827 = arith.constant 0 : i32
        %dma_wait3A_828 = tpu.memref_slice %dma_wait3A_825[%dma_wait3A_826, %dma_wait3A_827] : memref<64x4096xf32, #tpu.memory_space<hbm>> -> memref<64x256xf32, #tpu.memory_space<hbm>>
        %dma_wait3A_829 = arith.constant 0 : i32
        %dma_wait3A_830 = arith.constant 0 : i32
        %dma_wait3A_831 = tpu.memref_slice %arg4[%dma_wait3A_818, %dma_wait3A_829, %dma_wait3A_830] : memref<200x64x4096xf32, #tpu.memory_space<hbm>> -> memref<1x64x4096xf32, #tpu.memory_space<hbm>>
        %dma_wait3A_832 = tpu.memref_squeeze %dma_wait3A_831 : memref<1x64x4096xf32, #tpu.memory_space<hbm>> -> memref<64x4096xf32, #tpu.memory_space<hbm>>
        %dma_wait3A_833 = arith.constant 0 : i32
        %dma_wait3A_834 = arith.constant 0 : i32
        %dma_wait3A_835 = tpu.memref_slice %dma_wait3A_832[%dma_wait3A_833, %dma_wait3A_834] : memref<64x4096xf32, #tpu.memory_space<hbm>> -> memref<64x256xf32, #tpu.memory_space<hbm>>
        %dma_wait3A_836 = arith.constant 0 : i32
        %dma_wait3A_837 = arith.constant 0 : i32
        %dma_wait3A_838 = tpu.memref_slice %arg8[%dma_wait3A_836, %dma_wait3A_837] : memref<64x257xf32, #tpu.memory_space<vmem>> -> memref<64x256xf32, #tpu.memory_space<vmem>>
        tpu.wait_dma2 semaphore(%arg18 : memref<!tpu.dma_semaphore, #tpu.memory_space<semaphore_mem>>) src(%dma_wait3A_838 : memref<64x256xf32, #tpu.memory_space<vmem>>) dst(%dma_wait3A_835 : memref<64x256xf32, #tpu.memory_space<hbm>>)
      } else {
      }
      %parallel_loop3A_751 = arith.constant 0 : i32
      %parallel_loop3A_752 = arith.constant 256 : i32
      %parallel_loop3A_753 = arith.constant 1 : i32
      %parallel_loop3A_754 = arith.constant 3 : i32
      scf.for %parallel_loop3A_818 = %parallel_loop3A_751 to %parallel_loop3A_752 step %parallel_loop3A_753  : i32 {
        %parallel_loop3A_819 = vector.broadcast %parallel_loop3A_818 : i32 to vector<16xi32>
        %parallel_loop3A_820 = arith.constant 0 : i32
        %parallel_loop3A_821 = arith.constant 0 : i32
        %parallel_loop3A_822 = tpu.memref_slice %arg6[%parallel_loop3A_754, %parallel_loop3A_820, %parallel_loop3A_821] : memref<4x256x64xf32, #tpu.memory_space<vmem>> -> memref<1x256x64xf32, #tpu.memory_space<vmem>>
        %parallel_loop3A_823 = tpu.memref_squeeze %parallel_loop3A_822 : memref<1x256x64xf32, #tpu.memory_space<vmem>> -> memref<256x64xf32, #tpu.memory_space<vmem>>
        %parallel_loop3A_824 = arith.index_cast %parallel_loop3A_818 : i32 to index
        %parallel_loop3A_825 = arith.constant 0 : index
        %parallel_loop3A_826 = tpu.vector_load %parallel_loop3A_823[%parallel_loop3A_824, %parallel_loop3A_825] {strides = array<i32>} : memref<256x64xf32, #tpu.memory_space<vmem>>, vector<16xf32>,
        %parallel_loop3A_827 = arith.constant 0 : i32
        %parallel_loop3A_828 = vector.broadcast %parallel_loop3A_827 : i32 to vector<16xi32>
        %parallel_loop3A_829 = arith.addi %parallel_loop3A_828, %iota3A : vector<16xi32>
        tpu.vector_store_idx %arg8[%parallel_loop3A_829, %parallel_loop3A_819], %parallel_loop3A_826 : memref<64x257xf32, #tpu.memory_space<vmem>>[vector<16xi32>, vector<16xi32>], vector<16xf32>,
        %parallel_loop3A_830 = arith.constant 0 : i32
        %parallel_loop3A_831 = arith.constant 0 : i32
        %parallel_loop3A_832 = tpu.memref_slice %arg6[%parallel_loop3A_754, %parallel_loop3A_830, %parallel_loop3A_831] : memref<4x256x64xf32, #tpu.memory_space<vmem>> -> memref<1x256x64xf32, #tpu.memory_space<vmem>>
        %parallel_loop3A_833 = tpu.memref_squeeze %parallel_loop3A_832 : memref<1x256x64xf32, #tpu.memory_space<vmem>> -> memref<256x64xf32, #tpu.memory_space<vmem>>
        %parallel_loop3A_834 = arith.index_cast %parallel_loop3A_818 : i32 to index
        %parallel_loop3A_835 = arith.constant 16 : index
        %parallel_loop3A_836 = tpu.vector_load %parallel_loop3A_833[%parallel_loop3A_834, %parallel_loop3A_835] {strides = array<i32>} : memref<256x64xf32, #tpu.memory_space<vmem>>, vector<16xf32>,
        %parallel_loop3A_837 = arith.constant 16 : i32
        %parallel_loop3A_838 = vector.broadcast %parallel_loop3A_837 : i32 to vector<16xi32>
        %parallel_loop3A_839 = arith.addi %parallel_loop3A_838, %iota3A : vector<16xi32>
        tpu.vector_store_idx %arg8[%parallel_loop3A_839, %parallel_loop3A_819], %parallel_loop3A_836 : memref<64x257xf32, #tpu.memory_space<vmem>>[vector<16xi32>, vector<16xi32>], vector<16xf32>,
        %parallel_loop3A_840 = arith.constant 0 : i32
        %parallel_loop3A_841 = arith.constant 0 : i32
        %parallel_loop3A_842 = tpu.memref_slice %arg6[%parallel_loop3A_754, %parallel_loop3A_840, %parallel_loop3A_841] : memref<4x256x64xf32, #tpu.memory_space<vmem>> -> memref<1x256x64xf32, #tpu.memory_space<vmem>>
        %parallel_loop3A_843 = tpu.memref_squeeze %parallel_loop3A_842 : memref<1x256x64xf32, #tpu.memory_space<vmem>> -> memref<256x64xf32, #tpu.memory_space<vmem>>
        %parallel_loop3A_844 = arith.index_cast %parallel_loop3A_818 : i32 to index
        %parallel_loop3A_845 = arith.constant 32 : index
        %parallel_loop3A_846 = tpu.vector_load %parallel_loop3A_843[%parallel_loop3A_844, %parallel_loop3A_845] {strides = array<i32>} : memref<256x64xf32, #tpu.memory_space<vmem>>, vector<16xf32>,
        %parallel_loop3A_847 = arith.constant 32 : i32
        %parallel_loop3A_848 = vector.broadcast %parallel_loop3A_847 : i32 to vector<16xi32>
        %parallel_loop3A_849 = arith.addi %parallel_loop3A_848, %iota3A : vector<16xi32>
        tpu.vector_store_idx %arg8[%parallel_loop3A_849, %parallel_loop3A_819], %parallel_loop3A_846 : memref<64x257xf32, #tpu.memory_space<vmem>>[vector<16xi32>, vector<16xi32>], vector<16xf32>,
        %parallel_loop3A_850 = arith.constant 0 : i32
        %parallel_loop3A_851 = arith.constant 0 : i32
        %parallel_loop3A_852 = tpu.memref_slice %arg6[%parallel_loop3A_754, %parallel_loop3A_850, %parallel_loop3A_851] : memref<4x256x64xf32, #tpu.memory_space<vmem>> -> memref<1x256x64xf32, #tpu.memory_space<vmem>>
        %parallel_loop3A_853 = tpu.memref_squeeze %parallel_loop3A_852 : memref<1x256x64xf32, #tpu.memory_space<vmem>> -> memref<256x64xf32, #tpu.memory_space<vmem>>
        %parallel_loop3A_854 = arith.index_cast %parallel_loop3A_818 : i32 to index
        %parallel_loop3A_855 = arith.constant 48 : index
        %parallel_loop3A_856 = tpu.vector_load %parallel_loop3A_853[%parallel_loop3A_854, %parallel_loop3A_855] {strides = array<i32>} : memref<256x64xf32, #tpu.memory_space<vmem>>, vector<16xf32>,
        %parallel_loop3A_857 = arith.constant 48 : i32
        %parallel_loop3A_858 = vector.broadcast %parallel_loop3A_857 : i32 to vector<16xi32>
        %parallel_loop3A_859 = arith.addi %parallel_loop3A_858, %iota3A : vector<16xi32>
        tpu.vector_store_idx %arg8[%parallel_loop3A_859, %parallel_loop3A_819], %parallel_loop3A_856 : memref<64x257xf32, #tpu.memory_space<vmem>>[vector<16xi32>, vector<16xi32>], vector<16xf32>,
      } {sc.loop_unroll_factor = 8 : i64, sc.parallel_access}
      %mul3A_755 = arith.constant 32 : i32
      %mul3A_756 = arith.muli %add3A_714, %mul3A_755 : i32
      %add3A_757 = arith.addi %mul3A_756, %add3A : i32
      %jit3A_758 = arith.constant 16 : i32
      %div3A_759 = arith.divsi %add3A_757, %jit3A_758 : i32
      %sign3A_760 = arith.constant 0 : i32
      %sign3A_761 = arith.cmpi sgt, %add3A_757, %sign3A_760 : i32
      %sign3A_762 = arith.extui %sign3A_761 : i1 to i32
      %sign3A_763 = arith.constant 0 : i32
      %sign3A_764 = arith.cmpi slt, %add3A_757, %sign3A_763 : i32
      %sign3A_765 = arith.extui %sign3A_764 : i1 to i32
      %sign3A_766 = arith.subi %sign3A_762, %sign3A_765 : i32
      %sign3A_767 = arith.constant 0 : i32
      %sign3A_768 = arith.cmpi sgt, %jit3A_758, %sign3A_767 : i32
      %sign3A_769 = arith.extui %sign3A_768 : i1 to i32
      %sign3A_770 = arith.constant 0 : i32
      %sign3A_771 = arith.cmpi slt, %jit3A_758, %sign3A_770 : i32
      %sign3A_772 = arith.extui %sign3A_771 : i1 to i32
      %sign3A_773 = arith.subi %sign3A_769, %sign3A_772 : i32
      %ne3A_774 = arith.cmpi ne, %sign3A_766, %sign3A_773 : i32
      %rem3A_775 = arith.remsi %add3A_757, %jit3A_758 : i32
      %ne3A_776 = arith.constant 0 : i32
      %ne3A_777 = arith.cmpi ne, %rem3A_775, %ne3A_776 : i32
      %and3A_778 = arith.andi %ne3A_774, %ne3A_777 : i1
      %sub3A_779 = arith.constant 1 : i32
      %sub3A_780 = arith.subi %div3A_759, %sub3A_779 : i32
      %select_n3A_781 = arith.select %and3A_778, %sub3A_780, %div3A_759 : i32
      %jit3A_782 = arith.constant 16 : i32
      %eq3A_783 = arith.constant 0 : i32
      %eq3A_784 = arith.cmpi eq, %jit3A_782, %eq3A_783 : i32
      %jit3A_785 = arith.constant 1 : i32
      %select_n3A_786 = arith.select %eq3A_784, %jit3A_785, %jit3A_782 : i32
      %rem3A_787 = arith.remsi %add3A_757, %select_n3A_786 : i32
      %ne3A_788 = arith.constant 0 : i32
      %ne3A_789 = arith.cmpi ne, %rem3A_787, %ne3A_788 : i32
      %lt3A_790 = arith.constant 0 : i32
      %lt3A_791 = arith.cmpi slt, %rem3A_787, %lt3A_790 : i32
      %lt3A_792 = arith.constant 0 : i32
      %lt3A_793 = arith.cmpi slt, %select_n3A_786, %lt3A_792 : i32
      %ne3A_794 = arith.xori %lt3A_791, %lt3A_793 : i1
      %and3A_795 = arith.andi %ne3A_794, %ne3A_789 : i1
      %add3A_796 = arith.addi %rem3A_787, %select_n3A_786 : i32
      %select_n3A_797 = arith.select %and3A_795, %add3A_796, %rem3A_787 : i32
      %mul3A_798 = arith.constant 256 : i32
      %mul3A_799 = arith.muli %select_n3A_797, %mul3A_798 : i32
      %dma_start3A_800 = arith.constant 0 : i32
      %dma_start3A_801 = arith.constant 0 : i32
      %dma_start3A_802 = tpu.memref_slice %arg8[%dma_start3A_800, %dma_start3A_801] : memref<64x257xf32, #tpu.memory_space<vmem>> -> memref<64x256xf32, #tpu.memory_space<vmem>>
      %dma_start3A_803 = arith.constant 0 : i32
      %dma_start3A_804 = arith.constant 0 : i32
      %dma_start3A_805 = tpu.memref_slice %arg4[%select_n3A_781, %dma_start3A_803, %dma_start3A_804] : memref<200x64x4096xf32, #tpu.memory_space<hbm>> -> memref<1x64x4096xf32, #tpu.memory_space<hbm>>
      %dma_start3A_806 = tpu.memref_squeeze %dma_start3A_805 : memref<1x64x4096xf32, #tpu.memory_space<hbm>> -> memref<64x4096xf32, #tpu.memory_space<hbm>>
      %dma_start3A_807 = arith.constant 0 : i32
      %dma_start3A_808 = tpu.memref_slice %dma_start3A_806[%dma_start3A_807, %mul3A_799] : memref<64x4096xf32, #tpu.memory_space<hbm>> -> memref<64x256xf32, #tpu.memory_space<hbm>>
      %dma_start3A_809 = arith.constant 0 : i32
      %dma_start3A_810 = arith.constant 0 : i32
      %dma_start3A_811 = tpu.memref_slice %arg4[%select_n3A_781, %dma_start3A_809, %dma_start3A_810] : memref<200x64x4096xf32, #tpu.memory_space<hbm>> -> memref<1x64x4096xf32, #tpu.memory_space<hbm>>
      %dma_start3A_812 = tpu.memref_squeeze %dma_start3A_811 : memref<1x64x4096xf32, #tpu.memory_space<hbm>> -> memref<64x4096xf32, #tpu.memory_space<hbm>>
      %dma_start3A_813 = arith.constant 0 : i32
      %dma_start3A_814 = tpu.memref_slice %dma_start3A_812[%dma_start3A_813, %mul3A_799] : memref<64x4096xf32, #tpu.memory_space<hbm>> -> memref<64x256xf32, #tpu.memory_space<hbm>>
      %dma_start3A_815 = arith.constant 0 : i32
      %dma_start3A_816 = arith.constant 0 : i32
      %dma_start3A_817 = tpu.memref_slice %arg8[%dma_start3A_815, %dma_start3A_816] : memref<64x257xf32, #tpu.memory_space<vmem>> -> memref<64x256xf32, #tpu.memory_space<vmem>>
      tpu.enqueue_dma source(%dma_start3A_817 : memref<64x256xf32, #tpu.memory_space<vmem>>) target(%dma_start3A_814 : memref<64x256xf32, #tpu.memory_space<hbm>>) target_semaphore(%arg18 : memref<!tpu.dma_semaphore, #tpu.memory_space<semaphore_mem>>)
    }
    %scan3A_357 = arith.constant 25 : i32
    %dma_wait3A_358 = arith.constant 0 : i32
    %dma_wait3A_359 = arith.constant 0 : i32
    %dma_wait3A_360 = arith.constant 0 : i32
    %dma_wait3A_361 = tpu.memref_slice %arg7[%dma_wait3A_359, %dma_wait3A_360] : memref<64x257xf32, #tpu.memory_space<vmem>> -> memref<64x256xf32, #tpu.memory_space<vmem>>
    %dma_wait3A_362 = arith.constant 0 : i32
    %dma_wait3A_363 = arith.constant 0 : i32
    %dma_wait3A_364 = tpu.memref_slice %arg4[%dma_wait3A_358, %dma_wait3A_362, %dma_wait3A_363] : memref<200x64x4096xf32, #tpu.memory_space<hbm>> -> memref<1x64x4096xf32, #tpu.memory_space<hbm>>
    %dma_wait3A_365 = tpu.memref_squeeze %dma_wait3A_364 : memref<1x64x4096xf32, #tpu.memory_space<hbm>> -> memref<64x4096xf32, #tpu.memory_space<hbm>>
    %dma_wait3A_366 = arith.constant 0 : i32
    %dma_wait3A_367 = arith.constant 0 : i32
    %dma_wait3A_368 = tpu.memref_slice %dma_wait3A_365[%dma_wait3A_366, %dma_wait3A_367] : memref<64x4096xf32, #tpu.memory_space<hbm>> -> memref<64x256xf32, #tpu.memory_space<hbm>>
    %dma_wait3A_369 = arith.constant 0 : i32
    %dma_wait3A_370 = arith.constant 0 : i32
    %dma_wait3A_371 = tpu.memref_slice %arg4[%dma_wait3A_358, %dma_wait3A_369, %dma_wait3A_370] : memref<200x64x4096xf32, #tpu.memory_space<hbm>> -> memref<1x64x4096xf32, #tpu.memory_space<hbm>>
    %dma_wait3A_372 = tpu.memref_squeeze %dma_wait3A_371 : memref<1x64x4096xf32, #tpu.memory_space<hbm>> -> memref<64x4096xf32, #tpu.memory_space<hbm>>
    %dma_wait3A_373 = arith.constant 0 : i32
    %dma_wait3A_374 = arith.constant 0 : i32
    %dma_wait3A_375 = tpu.memref_slice %dma_wait3A_372[%dma_wait3A_373, %dma_wait3A_374] : memref<64x4096xf32, #tpu.memory_space<hbm>> -> memref<64x256xf32, #tpu.memory_space<hbm>>
    %dma_wait3A_376 = arith.constant 0 : i32
    %dma_wait3A_377 = arith.constant 0 : i32
    %dma_wait3A_378 = tpu.memref_slice %arg7[%dma_wait3A_376, %dma_wait3A_377] : memref<64x257xf32, #tpu.memory_space<vmem>> -> memref<64x256xf32, #tpu.memory_space<vmem>>
    tpu.wait_dma2 semaphore(%arg17 : memref<!tpu.dma_semaphore, #tpu.memory_space<semaphore_mem>>) src(%dma_wait3A_378 : memref<64x256xf32, #tpu.memory_space<vmem>>) dst(%dma_wait3A_375 : memref<64x256xf32, #tpu.memory_space<hbm>>)
    %dma_wait3A_379 = arith.constant 0 : i32
    %dma_wait3A_380 = arith.constant 0 : i32
    %dma_wait3A_381 = arith.constant 0 : i32
    %dma_wait3A_382 = tpu.memref_slice %arg8[%dma_wait3A_380, %dma_wait3A_381] : memref<64x257xf32, #tpu.memory_space<vmem>> -> memref<64x256xf32, #tpu.memory_space<vmem>>
    %dma_wait3A_383 = arith.constant 0 : i32
    %dma_wait3A_384 = arith.constant 0 : i32
    %dma_wait3A_385 = tpu.memref_slice %arg4[%dma_wait3A_379, %dma_wait3A_383, %dma_wait3A_384] : memref<200x64x4096xf32, #tpu.memory_space<hbm>> -> memref<1x64x4096xf32, #tpu.memory_space<hbm>>
    %dma_wait3A_386 = tpu.memref_squeeze %dma_wait3A_385 : memref<1x64x4096xf32, #tpu.memory_space<hbm>> -> memref<64x4096xf32, #tpu.memory_space<hbm>>
    %dma_wait3A_387 = arith.constant 0 : i32
    %dma_wait3A_388 = arith.constant 0 : i32
    %dma_wait3A_389 = tpu.memref_slice %dma_wait3A_386[%dma_wait3A_387, %dma_wait3A_388] : memref<64x4096xf32, #tpu.memory_space<hbm>> -> memref<64x256xf32, #tpu.memory_space<hbm>>
    %dma_wait3A_390 = arith.constant 0 : i32
    %dma_wait3A_391 = arith.constant 0 : i32
    %dma_wait3A_392 = tpu.memref_slice %arg4[%dma_wait3A_379, %dma_wait3A_390, %dma_wait3A_391] : memref<200x64x4096xf32, #tpu.memory_space<hbm>> -> memref<1x64x4096xf32, #tpu.memory_space<hbm>>
    %dma_wait3A_393 = tpu.memref_squeeze %dma_wait3A_392 : memref<1x64x4096xf32, #tpu.memory_space<hbm>> -> memref<64x4096xf32, #tpu.memory_space<hbm>>
    %dma_wait3A_394 = arith.constant 0 : i32
    %dma_wait3A_395 = arith.constant 0 : i32
    %dma_wait3A_396 = tpu.memref_slice %dma_wait3A_393[%dma_wait3A_394, %dma_wait3A_395] : memref<64x4096xf32, #tpu.memory_space<hbm>> -> memref<64x256xf32, #tpu.memory_space<hbm>>
    %dma_wait3A_397 = arith.constant 0 : i32
    %dma_wait3A_398 = arith.constant 0 : i32
    %dma_wait3A_399 = tpu.memref_slice %arg8[%dma_wait3A_397, %dma_wait3A_398] : memref<64x257xf32, #tpu.memory_space<vmem>> -> memref<64x256xf32, #tpu.memory_space<vmem>>
    tpu.wait_dma2 semaphore(%arg18 : memref<!tpu.dma_semaphore, #tpu.memory_space<semaphore_mem>>) src(%dma_wait3A_399 : memref<64x256xf32, #tpu.memory_space<vmem>>) dst(%dma_wait3A_396 : memref<64x256xf32, #tpu.memory_space<hbm>>)
    return
  }
}

</mosaic_0001>

<sc_bundles>
// kernel: kernel.3.cloned.1.call-start
scs
__scs_entry_jumppad:
0x0: {  	(pc) =	sbr.rel $0x88, $3  }
0x1: {  	(tag) =	ssettag $0x0;
	lr =	simm.s32 $0x1  }
0x2: {  	[smem:$0x3F9F] =	sst lr;
	_ =	strace $0xD0000000  }
0x3: {  	_ = 	snop  }
0x4: {  	_ = 	snop  }
0x5: {  	_ = 	snop  }
0x6: {  	_ = 	snop  }
0x7: {  	_ = 	snop  }
__scs_overlays_trampoline_lowered:
0x8: {  	[smem:$0x3FAE] =	sst s0  }
0x9: {  	[smem:$0x3FAF] =	sst s1  }
0xa: {  	[smem:$0x3FB0] =	sst s2  }
0xb: {  	[smem:$0x3FB1] =	sst s3  }
0xc: {  	[smem:$0x3FB2] =	sst s4  }
0xd: {  	[smem:$0x3FB3] =	sst s5  }
0xe: {  	[smem:$0x3FB4] =	sst s6  }
0xf: {  	[smem:$0x3FB5] =	sst s7  }
0x10: {  	[smem:$0x3FB6] =	sst s8  }
0x11: {  	[smem:$0x3FB7] =	sst s9;
	s0 =	simm.s32 @!p0 $0x0  }
0x12: {  	s1 =	sld [smem:$0x3F9D];
	s0 =	simm.s32 @p0 $0x1  }
0x13: {  	[smem:$0x3FB8] =	sst s0;
	s0 =	simm.s32 @!p1 $0x0  }
0x14: {  	s2 =	sld [smem:$0x3F9C];
	s0 =	simm.s32 @p1 $0x1  }
0x15: {  	[smem:$0x3FB9] =	sst s0;
	s0 =	simm.s32 @!p2 $0x0  }
0x16: {  	s3 =	sld [smem:$0x3FDB];
	s0 =	simm.s32 @p2 $0x1  }
0x17: {  	s4 =	simm.s32 $0x1BF5;
	[smem:$0x3FBB] =	sst s0  }
0x18: {  	s0 =	sld [smem:$0x3F9E];
	_ =	swait.ge [sflag:s4], $0x0  }
0x19: {  	s7 =	sld [smem:$0x3F9F]  }
0x1a: {  	s8 =	sadd.s32 $0xFFFFE003, lr  }
0x1b: {  	s9 =	sadd.s32 $0xFFFFFEF7, lr;
	s5 =	simm.s32 $0xFFFFFFFF;
	p2 =	slt.u32 s8, $0xFFFFF086  }
0x1c: {  	p1 =	slt.u32 s9, $0xF7A;
	s5 =	simm.s32 @!p2 $0x0  }
0x1d: {  	s5 =	simm.s32 @p1 $0x1;
	p0 =	seq.s32 s7, s2  }
0x1e: {  	s7 =	smul.u32 @!p0 $0xF7A, s2;
	p2 =	seq.s32 @!p0 s5, $0x0  }
0x1f: {  	s9 =	smul.u32 $0xF7A, s1;
	s8 =	simm.s32 @!p0 $0x1BF5;
	p2 =	por !p2, p0  }
0x20: {  	[sflag:s8] =	ssyncset.s32 @!p0 $0xFFFFF086;
	s6 =	sadd.s32 @!p0 s3, s7;
	s7 =	simm.s32 @!p0 $0x108  }
0x21: {  	s3 =	sadd.s32 s3, s9;
	s6 =	sadd.s32 @!p0 $0x88, s6;
	s7 =	simm.s32 @p2 $0x1082  }
0x22: {  	[simem:s7], [sflag:s8] =	dma.local @!p0 [hbm:s6], $0xF7A  }
0x23: {  	s9 =	sor.u32 $0xD0000000, s2;
	s6 =	simm.s32 $0x108;
	_ =	swait.ge @!p0 [sflag:s8], $0x0  }
0x24: {  	s3 =	sadd.s32 $0x88, s3;
	s6 =	simm.s32 @!p1 $0x1082;
	[sflag:s4] =	ssyncset.s32 $0xFFFFF086  }
0x25: {  	[simem:s6], [sflag:s4] =	dma.local [hbm:s3], $0xF7A  }
0x26: {  	[smem:$0x3F9F] =	sst s1;
	(tag) =	ssettag s2;
	_ =	strace s9  }
0x27: {  	s1 =	sld [smem:$0x3FAF]  }
0x28: {  	s2 =	sld [smem:$0x3FB0]  }
0x29: {  	s4 =	sld [smem:$0x3FB2]  }
0x2a: {  	p0 =	seq.s32 s5, $0x0;
	s5 =	sld [smem:$0x3FB3]  }
0x2b: {  	s6 =	sld [smem:$0x3FB4]  }
0x2c: {  	s7 =	sld [smem:$0x3FB5]  }
0x2d: {  	s3 =	simm.s32 $0x108;
	s8 =	sld [smem:$0x3FB6]  }
0x2e: {  	s3 =	simm.s32 @!p0 $0x1082;
	s9 =	sld [smem:$0x3FB7]  }
0x2f: {  	lr =	sadd.s32 s0, s3;
	s0 =	sld [smem:$0x3FAE]  }
0x30: {  	s3 =	sld [smem:$0x3FB1]  }
0x31: {  	[smem:$0x3FBA] =	sst s10  }
0x32: {  	s10 =	sld [smem:$0x3FB8];
	_ =	sdelay $0x3  }
0x33: {  	p0 =	seq.s32 s10, $0x1;
	s10 =	sld [smem:$0x3FBA];
	_ =	sdelay $0x3  }
0x34: {  	[smem:$0x3FBA] =	sst s10  }
0x35: {  	s10 =	sld [smem:$0x3FB9];
	_ =	sdelay $0x3  }
0x36: {  	p1 =	seq.s32 s10, $0x1;
	s10 =	sld [smem:$0x3FBA];
	_ =	sdelay $0x3  }
0x37: {  	[smem:$0x3FBA] =	sst s10  }
0x38: {  	s10 =	sld [smem:$0x3FBB]  }
0x39: {  	_ = 	snop;
	(pc) =	sbr.ind lr, $3  }
0x3a: {  	_ = 	snop  }
0x3b: {  	_ = 	snop  }
0x3c: {  	p2 =	seq.s32 s10, $0x1;
	s10 =	sld [smem:$0x3FBA]  }
0x3d: {  	_ =	shalt  }
0x3e: {  	_ =	shalt  }
0x3f: {  	_ =	shalt  }
0x40: {  	_ =	shalt  }
0x41: {  	_ =	shalt  }
0x42: {  	_ =	shalt  }
0x43: {  	_ =	shalt  }
0x44: {  	_ =	shalt  }
0x45: {  	_ =	shalt  }
0x46: {  	_ =	shalt  }
0x47: {  	_ =	shalt  }
0x48: {  	_ =	shalt  }
0x49: {  	_ =	shalt  }
0x4a: {  	_ =	shalt  }
0x4b: {  	_ =	shalt  }
0x4c: {  	_ =	shalt  }
0x4d: {  	_ =	shalt  }
0x4e: {  	_ =	shalt  }
0x4f: {  	_ =	shalt  }
0x50: {  	_ =	shalt  }
0x51: {  	_ =	shalt  }
0x52: {  	_ =	shalt  }
0x53: {  	_ =	shalt  }
0x54: {  	_ =	shalt  }
0x55: {  	_ =	shalt  }
0x56: {  	_ =	shalt  }
0x57: {  	_ =	shalt  }
0x58: {  	_ =	shalt  }
0x59: {  	_ =	shalt  }
0x5a: {  	_ =	shalt  }
0x5b: {  	_ =	shalt  }
0x5c: {  	_ =	shalt  }
0x5d: {  	_ =	shalt  }
0x5e: {  	_ =	shalt  }
0x5f: {  	_ =	shalt  }
0x60: {  	_ =	shalt  }
0x61: {  	_ =	shalt  }
0x62: {  	_ =	shalt  }
0x63: {  	_ =	shalt  }
0x64: {  	_ =	shalt  }
0x65: {  	_ =	shalt  }
0x66: {  	_ =	shalt  }
0x67: {  	_ =	shalt  }
0x68: {  	_ =	shalt  }
0x69: {  	_ =	shalt  }
0x6a: {  	_ =	shalt  }
0x6b: {  	_ =	shalt  }
0x6c: {  	_ =	shalt  }
0x6d: {  	_ =	shalt  }
0x6e: {  	_ =	shalt  }
0x6f: {  	_ =	shalt  }
0x70: {  	_ =	shalt  }
0x71: {  	_ =	shalt  }
0x72: {  	_ =	shalt  }
0x73: {  	_ =	shalt  }
0x74: {  	_ =	shalt  }
0x75: {  	_ =	shalt  }
0x76: {  	_ =	shalt  }
0x77: {  	_ =	shalt  }
0x78: {  	_ =	shalt  }
0x79: {  	_ =	shalt  }
0x7a: {  	_ =	shalt  }
0x7b: {  	_ =	shalt  }
0x7c: {  	_ =	shalt  }
0x7d: {  	_ =	shalt  }
0x7e: {  	_ =	shalt  }
0x7f: {  	_ =	shalt  }
0x80: {  	_ =	shalt  }
0x81: {  	_ =	shalt  }
0x82: {  	_ =	shalt  }
0x83: {  	_ =	shalt  }
0x84: {  	_ =	shalt  }
0x85: {  	_ =	shalt  }
0x86: {  	_ =	shalt  }
0x87: {  	_ =	shalt  }
.Lfunc_end0:
.L_simem_size_0:
called_computation_lowered:
.L_overlay_start_0:
0x88: {  	s2 =	sld [smem:$0x3FD9]  }
0x89: {  	s3 =	sld [smem:$0x3FFE];
	_ =	sdelay $0x1  }
0x8a: {  	s1 =	srdreg.scid  }
0x8b: {  	s0 =	sand.u32 $0x1, s1  }
0x8c: {  	s17 =	sshll.u32 s0, $0xA;
	s2 =	sadd.s32 s3, s2  }
0x8d: {  	s2 =	sadd.s32 s2, s17  }
0x8e: {  	[smem:$0x3FC6] =	sst s2  }
0x8f: {  	_ = 	snop  }
0x90: {  	s2 =	sld [smem:$0x3FD0];
	(tm) =	ssettm $0x1  }
0x91: {  	s18 =	sld [smem:$0x3FFB];
	_ =	sdelay $0x3  }
0x92: {  	_ =	strace s18  }
0x93: {  	s3 =	sld [smem:$0x3FFC];
	_ =	sdelay $0x3  }
0x94: {  	_ =	strace s3  }
0x95: {  	s3 =	sld [smem:$0x3FFD];
	_ =	sdelay $0x3  }
0x96: {  	_ =	strace s3  }
0x97: {  	_ =	strace $0x8FFFFFFF  }
0x98: {  	s19 =	sld [smem:$0x3FDB];
	_ =	sdelay $0x1  }
0x99: {  	s4 =	simm.s32 $_scs_section_size  }
0x9a: {  	s5 =	simm.s32 $_size__tile_overlayer_lowered;
	s6 =	simm.s32 $_tile_overlayer_lowered  }
0x9b: {  	s22 =	simm.s32 $0x1BFF;
	s21 =	sshll.u32 s6, $0x1;
	s3 =	sadd.s32 s4, s19  }
0x9c: {  	s7 =	simm.s32 $0x0;
	s20 =	sshll.u32 s5, $0x1;
	s5 =	sadd.s32 s21, s3  }
0x9d: {  	[timem:s7], [sflag:s22] =	dma.local [hbm:s5], s20  }
0x9e: {  	_ =	swait.ge [sflag:s22], s20  }
0x9f: {  	s4 =	ssub.s32 $0x0, s20;
	[sflag:s22] =	ssyncset.done $0x0  }
0xa0: {  	[sflag:s22] =	ssyncadd.s32 s4;
	_ =	sdelay $0x1  }
0xa1: {  	s23 =	simm.s32 $0x1B8B  }
0xa2: {  	_ =	swait.ge [sflag:s23], $0x1  }
0xa3: {  	[sflag:s23] =	ssyncset.done $0x0  }
0xa4: {  	s25 =	simm.s32 $0x1B8E;
	s24 =	sld [smem:$0x3FFE];
	[sflag:s23] =	ssyncadd.s32 $0xFFFFFFFF  }
0xa5: {  	s26 =	simm.s32 $execute0_lowered;
	[smem:$0x3FD2] =	sst s25  }
0xa6: {  	s5 =	sshll.u32 s26, $0x1;
	_ =	strace $0x80000046;
	[dreg:$0x1] =	wrdreg $0xFFFFFFFF  }
0xa7: {  	s28 =	simm.s32 $_size_execute0_lowered;
	s3 =	sadd.s32 s3, s5;
	[dreg:$0x0] =	wrdreg $0x0  }
0xa8: {  	s5 =	sshll.u32 s28, $0x1;
	[dreg:$0x2] =	wrdreg s3  }
0xa9: {  	[dreg:$0x3] =	wrdreg s5  }
0xaa: {  	[dreg:$0x4] =	wrdreg $0xC0  }
0xab: {  	_ =	task [dreg:s7], $0x5FFFF  }
0xac: {  	[dreg:$0x1] =	wrdreg $0xFFFFFFFF  }
0xad: {  	[dreg:$0x0] =	wrdreg $0x60  }
0xae: {  	[dreg:$0x2] =	wrdreg s24  }
0xaf: {  	[dreg:$0x3] =	wrdreg s2  }
0xb0: {  	[dreg:$0x4] =	wrdreg $0x9  }
0xb1: {  	_ =	task.clear_ibuf [dreg:s7], $0x5FFFF;
	_ =	strace $0x90000046  }
0xb2: {  	s29 =	simm.s32 $0x9;
	_ =	strace $0x80000048  }
0xb3: {  	_ =	swait.ge [sflag:s29], $0x1  }
0xb4: {  	[sflag:s29] =	ssyncadd.s32 $0xFFFFFFFF  }
0xb5: {  	_ =	strace $0x90000048  }
0xb6: {  	_ =	sfence  }
0xb7: {  	s30 =	sld [smem:$0x0];
	_ =	sdelay $0x2  }
0xb8: {  	s31 =	sshll.u32 s1, $0xD;
	s1 =	sshrl.u32 s1, $0x2  }
0xb9: {  	s3 =	sand.u32 $0x4000, s31;
	s1 =	sadd.s32 s1, s30  }
0xba: {  	s0 =	sor.u32 s3, s0;
	s1 =	sshll.u32 s1, $0x11  }
0xbb: {  	s0 =	sor.u32 s1, s0  }
0xbc: {  	s0 =	sadd.s32 $0x8F2B, s0  }
0xbd: {  	[sflag:s0] =	ssyncadd.remote.s32 $0x1  }
0xbe: {  	_ =	sfence.sel $0xFFFF  }
0xbf: {  	[dreg:$0x0] =	wrdreg $0xFFFFFFFF;
	(pc) =	sbr.abs _section_cstart, $3  }
0xc0: {  	[dreg:$0x1] =	wrdreg $0xFFFFFFFF  }
0xc1: {  	_ =	task.clear_ibuf [dreg:s7], $0x2FFFF;
	_ =	strace $0x9FFFFFFF  }
0xc2: {  	(tm) =	ssettm $0x7FFFFFFF  }
0xc3: {  	_ =	shalt  }
tec
execute0_lowered:
.L_overlay_start_1:
0x0: {  	(tag) =	ssettag $0x1  }
0x1: {  	s0 =	rddreg [dreg:$0x0];
	s1 =	srdreg.scid  }
0x2: {  	s15 =	stileid.u32;
	s7 =	rddreg [dreg:$0x1]  }
0x3: {  	s2 =	simm.s32 $0x0;
	s31 =	simm.s32 $0x4;
	s28 =	simm.s32 $0xE400  }
0x4: {  	s30 =	simm.s32 $0x5;
	s21 =	simm.s32 $0x10400;
	s22 =	simm.s32 $0x14600  }
0x5: {  	v0 =	vlaneseq.u32;
	s1 =	sand.u32 $0x1, s1;
	s8 =	sshll.u32 s15, $0x1;
	[smem:$0x7FF] =	sst s2  }
0x6: {  	s9 =	sshll.u32 s15, $0x6;
	s5 =	sadd.s32 $0xF42A00, s0;
	v0 =	vmul.u32 $0x108, v0;
	s25 =	sshll.u32 s15, $0xC  }
0x7: {  	v1 =	vimm.s32 $0x0;
	vm0 =	vcmask $0x300;
	s16 =	sadd.s32 $0x10600, s0;
	s17 =	sadd.s32 $0x20600, s0;
	s18 =	sadd.s32 $0x30600, s0  }
0x8: {  	v1 =	vsel vm0, $0x3, v1;
	s3 =	sor.u32 s1, s8;
	_ =	strace $0x80000047;
	s6 =	sand.u32 $0x200, s9;
	v2 =	vadd.s32 $0x1080, v0  }
0x9: {  	s1 =	ssub.s32 $0x2, s1;
	s12 =	sor.u32 $0xC0, s8;
	s13 =	sor.u32 $0xE0, s8;
	v3 =	vadd.s32 $0x2100, v0;
	v4 =	vadd.s32 $0x3180, v0;
	v5 =	vor.u32 $0x1, v0  }
0xa: {  	s15 =	sand.u32 $0x8000, s25;
	s20 =	sor.u32 $0x1000, s9;
	s25 =	simm.s32 $0x80;
	v6 =	vadd.s32 $0x1081, v0;
	v7 =	vadd.s32 $0x2101, v0;
	v8 =	vadd.s32 $0x3181, v0  }
0xb: {  	s9 =	simm.s32 $0xA;
	s4 =	sshll.u32 s3, $0x5;
	s11 =	sshrl.u32 s1, $0x1;
	v9 =	vor.u32 $0x2, v0;
	v10 =	vadd.s32 $0x1082, v0;
	v11 =	vadd.s32 $0x2102, v0  }
0xc: {  	s26 =	sand.u32 $0xF, s3;
	v12 =	vadd.s32 $0x3182, v0;
	v13 =	vor.u32 $0x3, v0;
	v14 =	vadd.s32 $0x1083, v0;
	s4 =	sand.u32 $0x1E0, s4;
	s1 =	ssub.s32 s1, s11  }
0xd: {  	v15 =	vadd.s32 $0x2103, v0;
	v16 =	vadd.s32 $0x3183, v0;
	v17 =	vor.u32 $0x4, v0;
	s11 =	sor.u32 $0xA0, s8;
	s10 =	sor.u32 s6, s4;
	s29 =	smax.u32 s1, $0x1  }
0xe: {  	v18 =	vadd.s32 $0x1084, v0;
	v19 =	vadd.s32 $0x2104, v0;
	v20 =	vadd.s32 $0x3184, v0;
	p0 =	sne.s32 s26, $0x0;
	s10 =	sadd.s32 s7, s10;
	[dreg:$0x7] =	wrdreg s29  }
0xf: {  	v21 =	vor.u32 $0x5, v0;
	v22 =	vadd.s32 $0x1085, v0;
	v23 =	vadd.s32 $0x2105, v0;
	s8 =	simm.s32 $0x9;
	s23 =	sadd.s32 $0x400, s10;
	[dreg:$0x3] =	wrdreg s10  }
0x10: {  	v24 =	vadd.s32 $0x3185, v0;
	v25 =	vor.u32 $0x6, v0;
	v26 =	vadd.s32 $0x1086, v0;
	s6 =	sadd.s32 $0x600, s0;
	s24 =	sadd.s32 $0x800, s10;
	[dreg:$0x4] =	wrdreg s23  }
0x11: {  	v27 =	vadd.s32 $0x2106, v0;
	v28 =	vadd.s32 $0x3186, v0;
	v29 =	vor.u32 $0x7, v0;
	s14 =	sadd.s32 s7, s4;
	s10 =	sadd.s32 $0xC00, s10;
	[dreg:$0x5] =	wrdreg s24  }
0x12: {  	v30 =	vadd.s32 $0x1087, v0;
	v31 =	vadd.s32 $0x2107, v0;
	v32 =	vadd.s32 $0x3187, v0;
	s1 =	simm.s32 $0x0;
	[dreg:$0x6] =	wrdreg s10;
	s23 =	simm.s32 $0x300  }
.LBB2_1:
0x13: {  	[dreg:$0x8] =	wrdreg s1  }
0x14: {  	s0 =	rddreg [dreg:$0x3]  }
0x15: {  	[tilespmem:s2], [sflag:$0x1] =	stream.linear.gather [hbm4b:s0+s2], $0x100, $0x38;
	[tilespmem:$0x18800] =	vst v63  }
0x16: {  	s24 =	rddreg [dreg:$0x4];
	s1 =	simm.s32 $0x100  }
0x17: {  	[tilespmem:s1], [sflag:$0x2] =	stream.linear.gather [hbm4b:s24+s2], $0x100, $0x38;
	[tilespmem:$0x18800] =	vst v63  }
0x18: {  	s26 =	rddreg [dreg:$0x5];
	s7 =	simm.s32 $0x200  }
0x19: {  	[tilespmem:s7], [sflag:$0x3] =	stream.linear.gather [hbm4b:s26+s2], $0x100, $0x38;
	[tilespmem:$0x18800] =	vst v63  }
0x1a: {  	s29 =	rddreg [dreg:$0x6];
	s10 =	simm.s32 $0x1  }
0x1b: {  	[tilespmem:s23], [sflag:$0x4] =	stream.linear.gather [hbm4b:s29+s2], $0x100, $0x38;
	[tilespmem:$0x18800] =	vst v63  }
0x1c: {  	_ =	swait.ge [sflag:s10], $0x100  }
0x1d: {  	[sflag:s10] =	ssyncset.done $0x0  }
0x1e: {  	s19 =	simm.s32 $0x400;
	[sflag:s10] =	ssyncadd.s32 $0xFFFFFF00  }
0x1f: {  	[tilespmem:s19], [sflag:$0x5] =	stream.indirect.gather [hbm4b:s5+s25], $0x40, s2, s25, $0xb8;
	[tilespmem:$0x18800] =	vst v63  }
0x20: {  	s24 =	simm.s32 $0x2400;
	s26 =	simm.s32 $0x2  }
0x21: {  	[tilespmem:s24], [sflag:$0x5] =	stream.indirect.gather [hbm4b:s5+s25], $0x40, s25, s25, $0xb8;
	[tilespmem:$0x18800] =	vst v63  }
0x22: {  	_ =	swait.ge [sflag:s26], $0x100  }
0x23: {  	[sflag:s26] =	ssyncset.done $0x0  }
0x24: {  	s29 =	simm.s32 $0x4400;
	[sflag:s26] =	ssyncadd.s32 $0xFFFFFF00  }
0x25: {  	[tilespmem:s29], [sflag:$0x6] =	stream.indirect.gather [hbm4b:s5+s25], $0x40, s1, s25, $0xb8;
	[tilespmem:$0x18800] =	vst v63  }
0x26: {  	s10 =	simm.s32 $0x6400;
	s19 =	simm.s32 $0x3;
	s1 =	simm.s32 $0x180  }
0x27: {  	[tilespmem:s10], [sflag:$0x6] =	stream.indirect.gather [hbm4b:s5+s25], $0x40, s1, s25, $0xb8;
	[tilespmem:$0x18800] =	vst v63  }
0x28: {  	_ =	swait.ge [sflag:s19], $0x100  }
0x29: {  	[sflag:s19] =	ssyncset.done $0x0  }
0x2a: {  	s24 =	simm.s32 $0x8400;
	[sflag:s19] =	ssyncadd.s32 $0xFFFFFF00  }
0x2b: {  	[tilespmem:s24], [sflag:$0x7] =	stream.indirect.gather [hbm4b:s5+s25], $0x40, s7, s25, $0xb8;
	[tilespmem:$0x18800] =	vst v63  }
0x2c: {  	s26 =	simm.s32 $0x280;
	s29 =	simm.s32 $0xA400;
	s19 =	simm.s32 $0x0  }
0x2d: {  	[tilespmem:s29], [sflag:$0x7] =	stream.indirect.gather [hbm4b:s5+s25], $0x40, s26, s25, $0xb8;
	[tilespmem:$0x18800] =	vst v63  }
.LBB2_2:
0x2e: {  	_ =	swait.ge [sflag:s31], $0x100  }
0x2f: {  	p1 =	seq.s32 s19, $0x18;
	[sflag:s31] =	ssyncset.done $0x0  }
0x30: {  	s0 =	simm.s32 $0xC400;
	p2 =	seq.s32 @!p1 s19, $0x0;
	[sflag:s31] =	ssyncadd.s32 $0xFFFFFF00  }
0x31: {  	[tilespmem:s0], [sflag:$0x8] =	stream.indirect.gather [hbm4b:s5+s25], $0x40, s23, s25, $0xb8;
	[tilespmem:$0x18800] =	vst v63  }
0x32: {  	s29 =	simm.s32 $0x380;
	p2 =	por p1, !p2  }
0x33: {  	[tilespmem:s28], [sflag:$0x8] =	stream.indirect.gather [hbm4b:s5+s25], $0x40, s29, s25, $0xb8;
	[tilespmem:$0x18800] =	vst v63  }
.Ltmp0:
0x34: {  	s0 =	sshll.u32 @!p1 s19, $0xC;
	(pc) =	sbr.rel @!p2 .LBB2_3-.Ltmp0, $4  }
0x35: {  	s0 =	sadd.s32 @!p1 s20, s0;
	_ =	swait.ge [sflag:s30], $0x4000  }
0x36: {  	s0 =	sand.u32 @!p1 $0x3F200, s0;
	[sflag:s30] =	ssyncset.done $0x0  }
0x37: {  	s1 =	simm.s32 @!p1 $0x0;
	s0 =	sadd.s32 @!p1 s0, s14;
	[sflag:s30] =	ssyncadd.s32 $0xFFFFC000  }
0x38: {  	[tilespmem:s1], [sflag:$0x1] =	stream.linear.gather @!p1 [hbm4b:s0+s1], $0x100, $0x38;
	[tilespmem:$0x18800] =	vst v63  }
.Ltmp1:
0x39: {  	(pc) =	sbr.rel .LBB2_5-.Ltmp1, $4  }
0x3a: {  	_ = 	snop  }
0x3b: {  	_ =	swait.ge [sflag:s8], $0x4000  }
0x3c: {  	[sflag:s8] =	ssyncset.done $0x0  }
0x3d: {  	p2 =	por $0x0, $0x0;
	[sflag:s8] =	ssyncadd.s32 $0xFFFFC000  }
.LBB2_3:
0x3e: {  	p2 =	por @!p1 $0x1, $0x1  }
.LBB2_5:
0x3f: {  	s0 =	simm.s32 $0x0;
	s24 =	simm.s32 $0x1;
	s1 =	simm.s32 $0x2  }
0x40: {  	s26 =	simm.s32 $0x3;
	s29 =	simm.s32 $0x4;
	s7 =	simm.s32 $0x7;
	v33 =	vmov s0;
	v34 =	vmov s24;
	v35 =	vmov s1  }
0x41: {  	s10 =	simm.s32 $0x5;
	v36 =	vmov s26;
	v37 =	vmov s29;
	v38 =	vmov s7  }
0x42: {  	v39 =	vmov s10;
	s24 =	simm.s32 $0x6;
	v33 =	vshrl.u32 v33, $0x3;
	v38 =	vshrl.u32 v38, $0x3  }
0x43: {  	v40 =	vmov s24;
	v34 =	vshrl.u32 v34, $0x3;
	v35 =	vshrl.u32 v35, $0x3  }
0x44: {  	v36 =	vshrl.u32 v36, $0x3;
	v37 =	vshrl.u32 v37, $0x3;
	v38 =	vshll.u32 v38, v1  }
0x45: {  	v55 =	vshrl.u32 v39, $0x3;
	v33 =	vshll.u32 v33, v1;
	v38 =	vbroadcast v38, $0x0  }
0x46: {  	s7 =	simm.s32 $0x500;
	v34 =	vshll.u32 v34, v1;
	v52 =	vshll.u32 v35, v1;
	v33 =	vbroadcast v33, $0x0  }
0x47: {  	v41 =	vld [tilespmem:s7+$0xC0];
	v53 =	vshll.u32 v36, v1;
	v45 =	vbroadcast v34, $0x0;
	v42 =	vadd.s32 v29, v38  }
0x48: {  	v43 =	vld [tilespmem:s7+$0xFFFFFF00];
	v54 =	vshll.u32 v37, v1;
	v52 =	vbroadcast v52, $0x0;
	v44 =	vadd.s32 v0, v33  }
0x49: {  	v46 =	vld [tilespmem:s7+$0xFFFFFF40];
	v36 =	vshll.u32 v55, v1;
	v35 =	vbroadcast v53, $0x0;
	v47 =	vadd.s32 v5, v45  }
0x4a: {  	v48 =	vld [tilespmem:s7+$0xFFFFFF80];
	v40 =	vshrl.u32 v40, $0x3;
	v34 =	vbroadcast v54, $0x0;
	v49 =	vadd.s32 v9, v52  }
0x4b: {  	v39 =	vld [tilespmem:s7+$0xFFFFFFC0];
	v37 =	vbroadcast v36, $0x0;
	v56 =	vshll.u32 v40, v1;
	v50 =	vadd.s32 v13, v35  }
0x4c: {  	v51 =	vld [tilespmem:s7+$0x0];
	v36 =	vbroadcast v56, $0x0;
	v53 =	vadd.s32 v17, v34;
	[tilespmem:v42+s21+$0x0] =	vst.idx.msk $0xffff, v41  }
0x4d: {  	v59 =	vld [tilespmem:s7+$0x40];
	v60 =	vadd.s32 v21, v37;
	[tilespmem:v44+s21+$0x0] =	vst.idx.msk $0xffff, v43  }
0x4e: {  	v61 =	vld [tilespmem:s7+$0x80];
	v62 =	vadd.s32 v25, v36;
	[tilespmem:v47+s21+$0x0] =	vst.idx.msk $0xffff, v46  }
0x4f: {  	v58 =	vadd.s32 v30, v38;
	[tilespmem:v49+s21+$0x0] =	vst.idx.msk $0xffff, v48;
	v57 =	vld [tilespmem:s7+$0xD0]  }
0x50: {  	v63 =	vadd.s32 v6, v45;
	[tilespmem:v50+s21+$0x0] =	vst.idx.msk $0xffff, v39;
	v47 =	vld [tilespmem:s7+$0xFFFFFF50]  }
0x51: {  	v55 =	vadd.s32 v10, v52;
	[tilespmem:v53+s21+$0x0] =	vst.idx.msk $0xffff, v51;
	v54 =	vld [tilespmem:s7+$0xFFFFFF90]  }
0x52: {  	v56 =	vadd.s32 v14, v35;
	[tilespmem:v60+s21+$0x0] =	vst.idx.msk $0xffff, v59;
	v50 =	vld [tilespmem:s7+$0xFFFFFFD0]  }
0x53: {  	v46 =	vadd.s32 v22, v37;
	[tilespmem:v62+s21+$0x0] =	vst.idx.msk $0xffff, v61;
	v44 =	vld [tilespmem:s7+$0x50]  }
0x54: {  	v59 =	vadd.s32 v18, v34;
	[tilespmem:v58+s21+$0x0] =	vst.idx.msk $0xffff, v57;
	v58 =	vld [tilespmem:s7+$0x10]  }
0x55: {  	v57 =	vadd.s32 v31, v38;
	[tilespmem:v63+s21+$0x0] =	vst.idx.msk $0xffff, v47;
	v40 =	vld [tilespmem:s7+$0xE0]  }
0x56: {  	v60 =	vadd.s32 v26, v36;
	[tilespmem:v55+s21+$0x0] =	vst.idx.msk $0xffff, v54;
	v63 =	vld [tilespmem:s7+$0x90]  }
0x57: {  	v61 =	vld [tilespmem:s7+$0xFFFFFF10];
	v62 =	vadd.s32 v2, v33;
	[tilespmem:v56+s21+$0x0] =	vst.idx.msk $0xffff, v50  }
0x58: {  	v51 =	vadd.s32 v7, v45;
	[tilespmem:v46+s21+$0x0] =	vst.idx.msk $0xffff, v44;
	v50 =	vld [tilespmem:s7+$0xFFFFFF60]  }
0x59: {  	v56 =	vadd.s32 v11, v52;
	v55 =	vld [tilespmem:s7+$0xFFFFFFA0];
	[tilespmem:v59+s21+$0x0] =	vst.idx.msk $0xffff, v58  }
0x5a: {  	v58 =	vadd.s32 v15, v35;
	[tilespmem:v57+s21+$0x0] =	vst.idx.msk $0xffff, v40;
	v57 =	vld [tilespmem:s7+$0xFFFFFFE0]  }
0x5b: {  	[tilespmem:v60+s21+$0x0] =	vst.idx.msk $0xffff, v63;
	v60 =	vadd.s32 v19, v34;
	v59 =	vld [tilespmem:s7+$0x20]  }
0x5c: {  	s29 =	simm.s32 $0x9;
	v38 =	vadd.s32 v32, v38;
	[tilespmem:v62+s21+$0x0] =	vst.idx.msk $0xffff, v61;
	v54 =	vld [tilespmem:s7+$0xF0]  }
0x5d: {  	s26 =	simm.s32 $0x8;
	v41 =	vadd.s32 v23, v37;
	v53 =	vmov s29;
	[tilespmem:v51+s21+$0x0] =	vst.idx.msk $0xffff, v50;
	v40 =	vld [tilespmem:s7+$0x60]  }
0x5e: {  	s10 =	simm.s32 $0xB;
	s24 =	simm.s32 $0xC;
	v43 =	vadd.s32 v27, v36;
	v48 =	vadd.s32 v3, v33;
	v63 =	vmov s26;
	v42 =	vld [tilespmem:s7+$0xA0];
	[tilespmem:v56+s21+$0x0] =	vst.idx.msk $0xffff, v55  }
0x5f: {  	s29 =	simm.s32 $0xE;
	v44 =	vmov s10;
	v47 =	vmov s24;
	v46 =	vld [tilespmem:s7+$0xFFFFFF20];
	v39 =	vshrl.u32 v63, $0x3;
	[tilespmem:v58+s21+$0x0] =	vst.idx.msk $0xffff, v57  }
0x60: {  	s1 =	simm.s32 $0xA;
	s26 =	simm.s32 $0xD;
	v51 =	vadd.s32 v8, v45;
	v49 =	vld [tilespmem:s7+$0xFFFFFF70];
	v45 =	vshll.u32 v39, v1;
	v39 =	vmov s29;
	[tilespmem:v60+s21+$0x0] =	vst.idx.msk $0xffff, v59  }
0x61: {  	s0 =	simm.s32 $0xF;
	s24 =	simm.s32 $0x10;
	v52 =	vadd.s32 v12, v52;
	v50 =	vld [tilespmem:s7+$0xFFFFFFB0];
	[tilespmem:v38+s21+$0x0] =	vst.idx.msk $0xffff, v54;
	v54 =	vmov s1;
	v38 =	vmov s26  }
.LBB2_6:
0x62: {  	p1 =	slt.u32 s24, $0xF8;
	v53 =	vshrl.u32 v53, $0x3;
	v55 =	vmov s0;
	v56 =	vld [tilespmem:s7+$0xFFFFFFF0];
	v35 =	vadd.s32 v16, v35;
	[tilespmem:v41+s21+$0x0] =	vst.idx.msk $0xffff, v40  }
0x63: {  	v40 =	vshrl.u32 v54, $0x3;
	v34 =	vadd.s32 v20, v34;
	v41 =	vshrl.u32 v55, $0x3;
	v54 =	vld [tilespmem:s7+$0x30];
	[tilespmem:v43+s21+$0x0] =	vst.idx.msk $0xffff, v42  }
0x64: {  	v37 =	vadd.s32 v24, v37;
	v42 =	vshrl.u32 v44, $0x3;
	v41 =	vshll.u32 v41, v1;
	[tilespmem:v48+s21+$0x0] =	vst.idx.msk $0xffff, v46;
	v43 =	vld [tilespmem:s7+$0x70]  }
0x65: {  	v36 =	vadd.s32 v28, v36;
	v44 =	vshrl.u32 v47, $0x3;
	v41 =	vbroadcast v41, $0x0;
	[tilespmem:v51+s21+$0x0] =	vst.idx.msk $0xffff, v49;
	v46 =	vld [tilespmem:s7+$0xB0]  }
0x66: {  	v47 =	vshll.u32 v53, v1;
	v49 =	vadd.s32 v4, v33;
	v33 =	vbroadcast v45, $0x0;
	v48 =	vld [tilespmem:s7+$0xFFFFFF30];
	[tilespmem:v52+s21+$0x0] =	vst.idx.msk $0xffff, v50;
	s7 =	sadd.s32 $0x200, s7  }
0x67: {  	v40 =	vshll.u32 v40, v1;
	v45 =	vbroadcast v47, $0x0;
	v47 =	vld [tilespmem:s7+$0xC0];
	v50 =	vadd.s32 v29, v41;
	[tilespmem:v35+s21+$0x0] =	vst.idx.msk $0xffff, v56  }
0x68: {  	v55 =	vbroadcast v40, $0x0;
	v52 =	vadd.s32 v0, v33;
	v35 =	vshll.u32 v42, v1;
	v51 =	vld [tilespmem:s7+$0xFFFFFF00];
	[tilespmem:v34+s21+$0x0] =	vst.idx.msk $0xffff, v54  }
0x69: {  	v42 =	vadd.s32 v5, v45;
	v35 =	vbroadcast v35, $0x0;
	v34 =	vshll.u32 v44, v1;
	v40 =	vld [tilespmem:s7+$0xFFFFFF40];
	[tilespmem:v37+s21+$0x0] =	vst.idx.msk $0xffff, v43  }
0x6a: {  	v44 =	vadd.s32 v9, v55;
	v34 =	vbroadcast v34, $0x0;
	v37 =	vshrl.u32 v38, $0x3;
	v43 =	vld [tilespmem:s7+$0xFFFFFF80];
	[tilespmem:v36+s21+$0x0] =	vst.idx.msk $0xffff, v46  }
0x6b: {  	v39 =	vshrl.u32 v39, $0x3;
	v46 =	vadd.s32 v13, v35;
	v36 =	vshll.u32 v37, v1;
	v38 =	vld [tilespmem:s7+$0xFFFFFFC0];
	[tilespmem:v49+s21+$0x0] =	vst.idx.msk $0xffff, v48  }
0x6c: {  	v49 =	vadd.s32 v17, v34;
	v37 =	vbroadcast v36, $0x0;
	v36 =	vshll.u32 v39, v1;
	v48 =	vld [tilespmem:s7+$0x0];
	[tilespmem:v50+s21+$0x0] =	vst.idx.msk $0xffff, v47  }
0x6d: {  	v36 =	vbroadcast v36, $0x0;
	v47 =	vadd.s32 v30, v41;
	[tilespmem:v52+s21+$0x0] =	vst.idx.msk $0xffff, v51;
	v39 =	vld [tilespmem:s7+$0xD0]  }
0x6e: {  	[tilespmem:v42+s21+$0x0] =	vst.idx.msk $0xffff, v40;
	v40 =	vld [tilespmem:s7+$0x40];
	v42 =	vadd.s32 v21, v37  }
0x6f: {  	[tilespmem:v44+s21+$0x0] =	vst.idx.msk $0xffff, v43;
	v43 =	vld [tilespmem:s7+$0x80];
	v44 =	vadd.s32 v25, v36  }
0x70: {  	v51 =	vadd.s32 v6, v45;
	v50 =	vld [tilespmem:s7+$0xFFFFFF50];
	[tilespmem:v46+s21+$0x0] =	vst.idx.msk $0xffff, v38  }
0x71: {  	v46 =	vadd.s32 v10, v55;
	v38 =	vld [tilespmem:s7+$0xFFFFFF90];
	[tilespmem:v49+s21+$0x0] =	vst.idx.msk $0xffff, v48  }
0x72: {  	v49 =	vadd.s32 v14, v35;
	v48 =	vld [tilespmem:s7+$0xFFFFFFD0];
	[tilespmem:v47+s21+$0x0] =	vst.idx.msk $0xffff, v39  }
0x73: {  	[tilespmem:v42+s21+$0x0] =	vst.idx.msk $0xffff, v40;
	v39 =	vld [tilespmem:s7+$0xE0];
	v40 =	vadd.s32 v31, v41  }
0x74: {  	v47 =	vadd.s32 v18, v34;
	v42 =	vld [tilespmem:s7+$0x10];
	[tilespmem:v44+s21+$0x0] =	vst.idx.msk $0xffff, v43  }
0x75: {  	v44 =	vadd.s32 v22, v37;
	[tilespmem:v51+s21+$0x0] =	vst.idx.msk $0xffff, v50;
	v43 =	vld [tilespmem:s7+$0x50]  }
0x76: {  	[tilespmem:v46+s21+$0x0] =	vst.idx.msk $0xffff, v38;
	v38 =	vld [tilespmem:s7+$0x90];
	v46 =	vadd.s32 v26, v36  }
0x77: {  	v51 =	vadd.s32 v2, v33;
	v50 =	vld [tilespmem:s7+$0xFFFFFF10];
	[tilespmem:v49+s21+$0x0] =	vst.idx.msk $0xffff, v48  }
0x78: {  	v49 =	vadd.s32 v7, v45;
	v48 =	vld [tilespmem:s7+$0xFFFFFF60];
	[tilespmem:v40+s21+$0x0] =	vst.idx.msk $0xffff, v39  }
0x79: {  	[tilespmem:v47+s21+$0x0] =	vst.idx.msk $0xffff, v42;
	v39 =	vld [tilespmem:s7+$0xF0];
	v47 =	vadd.s32 v32, v41  }
0x7a: {  	v56 =	vadd.s32 v11, v55;
	v52 =	vld [tilespmem:s7+$0xFFFFFFA0];
	[tilespmem:v44+s21+$0x0] =	vst.idx.msk $0xffff, v43  }
0x7b: {  	v58 =	vadd.s32 v15, v35;
	v57 =	vld [tilespmem:s7+$0xFFFFFFE0];
	[tilespmem:v46+s21+$0x0] =	vst.idx.msk $0xffff, v38  }
0x7c: {  	v60 =	vadd.s32 v19, v34;
	[tilespmem:v51+s21+$0x0] =	vst.idx.msk $0xffff, v50;
	v59 =	vld [tilespmem:s7+$0x20]  }
.Ltmp2:
0x7d: {  	s0 =	sadd.s32 $0x1, s24;
	v41 =	vadd.s32 v23, v37;
	v38 =	vmov s24;
	[tilespmem:v49+s21+$0x0] =	vst.idx.msk $0xffff, v48;
	v40 =	vld [tilespmem:s7+$0x60];
	(pc) =	sbr.rel @p1 .LBB2_6-.Ltmp2, $4  }
0x7e: {  	s1 =	sadd.s32 $0x3, s24;
	v53 =	vmov s0;
	s0 =	sadd.s32 $0x2, s24;
	v43 =	vadd.s32 v27, v36;
	v50 =	vshrl.u32 v38, $0x3;
	v42 =	vld [tilespmem:s7+$0xA0];
	[tilespmem:v47+s21+$0x0] =	vst.idx.msk $0xffff, v39  }
0x7f: {  	v54 =	vmov s0;
	s0 =	sadd.s32 $0x4, s24;
	v44 =	vmov s1;
	s1 =	sadd.s32 $0x5, s24;
	v48 =	vadd.s32 v3, v33;
	v46 =	vld [tilespmem:s7+$0xFFFFFF20];
	[tilespmem:v56+s21+$0x0] =	vst.idx.msk $0xffff, v52  }
0x80: {  	v38 =	vmov s1;
	v51 =	vadd.s32 v8, v45;
	v47 =	vmov s0;
	s0 =	sadd.s32 $0x6, s24;
	v49 =	vld [tilespmem:s7+$0xFFFFFF70];
	[tilespmem:v58+s21+$0x0] =	vst.idx.msk $0xffff, v57  }
0x81: {  	v45 =	vshll.u32 v50, v1;
	v39 =	vmov s0;
	s0 =	sadd.s32 $0x7, s24;
	s24 =	sadd.s32 $0x8, s24;
	v52 =	vadd.s32 v12, v55;
	v50 =	vld [tilespmem:s7+$0xFFFFFFB0];
	[tilespmem:v60+s21+$0x0] =	vst.idx.msk $0xffff, v59  }
0x82: {  	_ =	sdelay $0x2  }
0x83: {  	v53 =	vshrl.u32 v53, $0x3  }
0x84: {  	v55 =	vmov s0;
	v56 =	vld [tilespmem:s7+$0xFFFFFFF0];
	v35 =	vadd.s32 v16, v35;
	[tilespmem:v41+s21+$0x0] =	vst.idx.msk $0xffff, v40;
	v57 =	vshrl.u32 v54, $0x3  }
0x85: {  	v59 =	vld [tilespmem:s7+$0x30];
	v34 =	vadd.s32 v20, v34;
	v60 =	vshrl.u32 v44, $0x3;
	v58 =	vshrl.u32 v55, $0x3;
	[tilespmem:v43+s21+$0x0] =	vst.idx.msk $0xffff, v42  }
0x86: {  	v37 =	vadd.s32 v24, v37;
	v62 =	vshrl.u32 v47, $0x3;
	v61 =	vld [tilespmem:s7+$0x70];
	v41 =	vshll.u32 v58, v1;
	[tilespmem:v48+s21+$0x0] =	vst.idx.msk $0xffff, v46  }
0x87: {  	v36 =	vadd.s32 v28, v36;
	v45 =	vbroadcast v45, $0x0;
	v63 =	vld [tilespmem:s7+$0xB0];
	v41 =	vbroadcast v41, $0x0;
	[tilespmem:v51+s21+$0x0] =	vst.idx.msk $0xffff, v49  }
0x88: {  	v33 =	vadd.s32 v4, v33;
	s24 =	sadd.s32 $0x200, s7;
	v38 =	vshrl.u32 v38, $0x3;
	v55 =	vshll.u32 v53, v1;
	v48 =	vld [tilespmem:s7+$0xFFFFFF30];
	[tilespmem:v52+s21+$0x0] =	vst.idx.msk $0xffff, v50  }
0x89: {  	v40 =	vshll.u32 v57, v1;
	v47 =	vbroadcast v55, $0x0;
	v49 =	vld [tilespmem:s24+$0xC0];
	v50 =	vadd.s32 v29, v41;
	[tilespmem:v35+s21+$0x0] =	vst.idx.msk $0xffff, v56  }
0x8a: {  	v42 =	vshll.u32 v60, v1;
	v40 =	vbroadcast v40, $0x0;
	v35 =	vld [tilespmem:s24+$0xFFFFFF00];
	v56 =	vadd.s32 v0, v45;
	[tilespmem:v34+s21+$0x0] =	vst.idx.msk $0xffff, v59  }
0x8b: {  	v57 =	vld [tilespmem:s24+$0xFFFFFF40];
	v44 =	vshll.u32 v62, v1;
	v42 =	vbroadcast v42, $0x0;
	v58 =	vadd.s32 v5, v47;
	[tilespmem:v37+s21+$0x0] =	vst.idx.msk $0xffff, v61  }
0x8c: {  	v38 =	vshll.u32 v38, v1;
	v44 =	vbroadcast v44, $0x0;
	v60 =	vadd.s32 v9, v40;
	v59 =	vld [tilespmem:s24+$0xFFFFFF80];
	[tilespmem:v36+s21+$0x0] =	vst.idx.msk $0xffff, v63  }
0x8d: {  	v38 =	vbroadcast v38, $0x0;
	v62 =	vadd.s32 v13, v42;
	v61 =	vld [tilespmem:s24+$0xFFFFFFC0];
	[tilespmem:v33+s21+$0x0] =	vst.idx.msk $0xffff, v48  }
0x8e: {  	v39 =	vshrl.u32 v39, $0x3;
	v63 =	vadd.s32 v17, v44;
	v33 =	vld [tilespmem:s24+$0x0];
	[tilespmem:v50+s21+$0x0] =	vst.idx.msk $0xffff, v49  }
0x8f: {  	v39 =	vshll.u32 v39, v1;
	v34 =	vld [tilespmem:s24+$0x40];
	[tilespmem:v56+s21+$0x0] =	vst.idx.msk $0xffff, v35;
	v56 =	vadd.s32 v21, v38  }
0x90: {  	[tilespmem:v58+s21+$0x0] =	vst.idx.msk $0xffff, v57;
	v35 =	vbroadcast v39, $0x0;
	v49 =	vadd.s32 v30, v41;
	v39 =	vld [tilespmem:s24+$0xD0]  }
0x91: {  	[tilespmem:v60+s21+$0x0] =	vst.idx.msk $0xffff, v59;
	v59 =	vld [tilespmem:s24+$0xFFFFFF50];
	v60 =	vadd.s32 v6, v47  }
0x92: {  	v57 =	vld [tilespmem:s24+$0x80];
	[tilespmem:v62+s21+$0x0] =	vst.idx.msk $0xffff, v61;
	v58 =	vadd.s32 v25, v35  }
0x93: {  	v61 =	vld [tilespmem:s24+$0xFFFFFF90];
	v62 =	vadd.s32 v10, v40;
	[tilespmem:v63+s21+$0x0] =	vst.idx.msk $0xffff, v33  }
0x94: {  	v33 =	vld [tilespmem:s24+$0xFFFFFFD0];
	v63 =	vadd.s32 v14, v42;
	[tilespmem:v56+s21+$0x0] =	vst.idx.msk $0xffff, v34  }
0x95: {  	v56 =	vadd.s32 v18, v44;
	[tilespmem:v49+s21+$0x0] =	vst.idx.msk $0xffff, v39;
	v49 =	vld [tilespmem:s24+$0x10]  }
0x96: {  	[tilespmem:v60+s21+$0x0] =	vst.idx.msk $0xffff, v59;
	v39 =	vadd.s32 v31, v41;
	v34 =	vld [tilespmem:s24+$0xE0]  }
0x97: {  	[tilespmem:v58+s21+$0x0] =	vst.idx.msk $0xffff, v57;
	v57 =	vld [tilespmem:s24+$0x50];
	v58 =	vadd.s32 v22, v38  }
0x98: {  	[tilespmem:v62+s21+$0x0] =	vst.idx.msk $0xffff, v61;
	v61 =	vld [tilespmem:s24+$0xFFFFFF10];
	v62 =	vadd.s32 v2, v45  }
0x99: {  	v60 =	vadd.s32 v26, v35;
	v59 =	vld [tilespmem:s24+$0x90];
	[tilespmem:v63+s21+$0x0] =	vst.idx.msk $0xffff, v33  }
0x9a: {  	v55 =	vadd.s32 v11, v40;
	v54 =	vadd.s32 v32, v41;
	v41 =	vld [tilespmem:s24+$0xFFFFFFA0];
	[tilespmem:v56+s21+$0x0] =	vst.idx.msk $0xffff, v49  }
0x9b: {  	v53 =	vadd.s32 v7, v47;
	v63 =	vld [tilespmem:s24+$0xFFFFFF60];
	[tilespmem:v39+s21+$0x0] =	vst.idx.msk $0xffff, v34  }
0x9c: {  	v56 =	vld [tilespmem:s24+$0xFFFFFFE0];
	[tilespmem:v58+s21+$0x0] =	vst.idx.msk $0xffff, v57;
	v57 =	vadd.s32 v15, v42  }
0x9d: {  	[tilespmem:v62+s21+$0x0] =	vst.idx.msk $0xffff, v61;
	v34 =	vld [tilespmem:s24+$0xF0]  }
0x9e: {  	v58 =	vld [tilespmem:s24+$0x20];
	[tilespmem:v60+s21+$0x0] =	vst.idx.msk $0xffff, v59;
	v59 =	vadd.s32 v19, v44  }
0x9f: {  	v61 =	vadd.s32 v23, v38;
	[tilespmem:v55+s21+$0x0] =	vst.idx.msk $0xffff, v41;
	v60 =	vld [tilespmem:s24+$0x60]  }
0xa0: {  	[tilespmem:v53+s21+$0x0] =	vst.idx.msk $0xffff, v63;
	v63 =	vadd.s32 v27, v35;
	v62 =	vld [tilespmem:s24+$0xA0]  }
0xa1: {  	v47 =	vadd.s32 v8, v47;
	v55 =	vld [tilespmem:s24+$0xFFFFFF70];
	[tilespmem:v57+s21+$0x0] =	vst.idx.msk $0xffff, v56  }
0xa2: {  	s7 =	sshll.u32 s19, $0x7;
	v53 =	vld [tilespmem:s24+$0xFFFFFF20];
	[tilespmem:v54+s21+$0x0] =	vst.idx.msk $0xffff, v34;
	v54 =	vadd.s32 v3, v45  }
0xa3: {  	s1 =	sor.u32 s3, s7;
	v40 =	vadd.s32 v12, v40;
	v56 =	vld [tilespmem:s24+$0xFFFFFFB0];
	[tilespmem:v59+s21+$0x0] =	vst.idx.msk $0xffff, v58  }
0xa4: {  	p1 =	seq.s32 s1, $0x0;
	v42 =	vadd.s32 v16, v42;
	v57 =	vld [tilespmem:s24+$0xFFFFFFF0];
	[tilespmem:v61+s21+$0x0] =	vst.idx.msk $0xffff, v60  }
0xa5: {  	p1 =	por !p0, !p1;
	v59 =	vadd.s32 v20, v44;
	v58 =	vld [tilespmem:s24+$0x30];
	[tilespmem:v63+s21+$0x0] =	vst.idx.msk $0xffff, v62  }
0xa6: {  	s10 =	simm.s32 $0x1;
	p1 =	por !p1, !p1;
	v38 =	vadd.s32 v24, v38;
	v60 =	vld [tilespmem:s24+$0x70];
	[tilespmem:v47+s21+$0x0] =	vst.idx.msk $0xffff, v55  }
0xa7: {  	s1 =	sshrl.u32 s1, $0x4;
	s10 =	simm.s32 @!p1 $0x0;
	v35 =	vadd.s32 v28, v35;
	v61 =	vld [tilespmem:s24+$0xB0];
	[tilespmem:v54+s21+$0x0] =	vst.idx.msk $0xffff, v53  }
0xa8: {  	s26 =	ssub.s32 s1, s10;
	v63 =	vadd.s32 v4, v45;
	[tilespmem:v40+s21+$0x0] =	vst.idx.msk $0xffff, v56;
	v62 =	vld [tilespmem:s24+$0xFFFFFF30]  }
0xa9: {  	s0 =	sshll.u32 s26, $0xF;
	[tilespmem:v42+s21+$0x0] =	vst.idx.msk $0xffff, v57  }
0xaa: {  	s0 =	sand.u32 $0x1FFF8000, s0;
	[tilespmem:v59+s21+$0x0] =	vst.idx.msk $0xffff, v58  }
0xab: {  	s0 =	sadd.s32 s6, s0;
	[tilespmem:v38+s21+$0x0] =	vst.idx.msk $0xffff, v60  }
0xac: {  	s29 =	simm.s32 $0x200;
	s0 =	sadd.s32 s4, s0;
	[tilespmem:v35+s21+$0x0] =	vst.idx.msk $0xffff, v61  }
0xad: {  	s10 =	simm.s32 $0x10508;
	s1 =	sadd.s32 $0x0, s0;
	s24 =	simm.s32 $0x10400;
	[tilespmem:v63+s21+$0x0] =	vst.idx.msk $0xffff, v62  }
.LBB2_8:
0xae: {  	[hbm4b:s1+s2] =	stream.linear.scatter [tilespmem:s24], [sflag:$0x9], $0x100, $0x38;
	[tilespmem:$0x18800] =	vst v63  }
0xaf: {  	s1 =	smov.u32 s29;
	s24 =	smov.u32 s10;
	p1 =	sne.s32 s29, $0x7E00  }
.Ltmp3:
0xb0: {  	s29 =	sadd.s32 $0x200, s29;
	(pc) =	sbr.rel @p1 .LBB2_8-.Ltmp3, $2  }
0xb1: {  	_ =	sdelay $0x2  }
0xb2: {  	s10 =	sadd.s32 $0x108, s10;
	s1 =	sadd.s32 s1, s0  }
0xb3: {  	[hbm4b:s1+s2] =	stream.linear.scatter [tilespmem:s24], [sflag:$0x9], $0x100, $0x38;
	[tilespmem:$0x18800] =	vst v63  }
0xb4: {  	p1 =	sne.s32 s19, $0x18  }
0xb5: {  	s0 =	simm.s32 @p1 $0x1  }
0xb6: {  	_ =	swait.ge @p1 [sflag:s0], $0x100  }
0xb7: {  	s1 =	simm.s32 @p1 $0x0;
	[sflag:s0] =	ssyncset.done @p1 $0x0  }
0xb8: {  	s10 =	simm.s32 @p1 $0x400;
	[sflag:s0] =	ssyncadd.s32 @p1 $0xFFFFFF00;
	s0 =	simm.s32 @p1 $0x80  }
0xb9: {  	[tilespmem:s10], [sflag:$0x5] =	stream.indirect.gather @p1 [hbm4b:s5+s0], $0x40, s1, s0, $0xb8;
	[tilespmem:$0x18800] =	vst v63  }
0xba: {  	s10 =	simm.s32 @p1 $0x2400  }
0xbb: {  	[tilespmem:s10], [sflag:$0x5] =	stream.indirect.gather @p1 [hbm4b:s5+s0], $0x40, s0, s0, $0xb8;
	[tilespmem:$0x18800] =	vst v63  }
0xbc: {  	s26 =	simm.s32 $0x0;
	s0 =	simm.s32 @p1 $0x6;
	s10 =	sadd.s32 @p1 s11, s7  }
0xbd: {  	s24 =	simm.s32 $0x2;
	_ =	swait.ge @p1 [sflag:s0], $0x4000;
	s10 =	sshll.u32 @p1 s10, $0x5  }
0xbe: {  	v33 =	vmov s26;
	s26 =	simm.s32 $0x3;
	[sflag:s0] =	ssyncset.done @p1 $0x0;
	s10 =	sand.u32 @p1 $0x3F600, s10  }
0xbf: {  	[sflag:s0] =	ssyncadd.s32 @p1 $0xFFFFC000;
	s0 =	sadd.s32 @p1 s10, s14;
	s10 =	simm.s32 @p1 $0x100  }
0xc0: {  	[tilespmem:s10], [sflag:$0x2] =	stream.linear.gather @p1 [hbm4b:s0+s1], $0x100, $0x38;
	[tilespmem:$0x18800] =	vst v63  }
0xc1: {  	v35 =	vmov s24;
	s24 =	simm.s32 $0x7;
	v36 =	vmov s26;
	s0 =	simm.s32 @!p1 $0x6  }
0xc2: {  	v33 =	vshrl.u32 v33, $0x3;
	s26 =	simm.s32 $0x5;
	v38 =	vmov s24;
	v35 =	vshrl.u32 v35, $0x3;
	_ =	swait.ge @!p1 [sflag:s0], $0x4000  }
0xc3: {  	s24 =	simm.s32 $0x6;
	v39 =	vmov s26;
	v33 =	vshll.u32 v33, v1;
	v38 =	vshrl.u32 v38, $0x3;
	[sflag:s0] =	ssyncset.done @!p1 $0x0  }
0xc4: {  	v40 =	vmov s24;
	v36 =	vshrl.u32 v36, $0x3;
	v52 =	vshll.u32 v35, v1;
	s10 =	simm.s32 $0x1;
	[sflag:s0] =	ssyncadd.s32 @!p1 $0xFFFFC000;
	s0 =	simm.s32 @!p2 $0xA  }
0xc5: {  	v38 =	vshll.u32 v38, v1;
	v33 =	vbroadcast v33, $0x0;
	v34 =	vmov s10;
	_ =	swait.ge @!p2 [sflag:s0], $0x4000  }
0xc6: {  	v52 =	vbroadcast v52, $0x0;
	v38 =	vbroadcast v38, $0x0;
	v34 =	vshrl.u32 v34, $0x3;
	[sflag:s0] =	ssyncset.done @!p2 $0x0  }
0xc7: {  	s24 =	simm.s32 $0x45F0;
	v53 =	vshll.u32 v36, v1;
	v55 =	vshrl.u32 v39, $0x3;
	s10 =	simm.s32 $0x4;
	v34 =	vshll.u32 v34, v1;
	[sflag:s0] =	ssyncadd.s32 @!p2 $0xFFFFC000  }
0xc8: {  	v42 =	vadd.s32 v29, v38;
	v37 =	vmov s10;
	v45 =	vbroadcast v34, $0x0;
	v41 =	vld [tilespmem:s24+$0xFFFFFFD0]  }
0xc9: {  	v40 =	vshrl.u32 v40, $0x3;
	v44 =	vadd.s32 v0, v33;
	v37 =	vshrl.u32 v37, $0x3;
	v43 =	vld [tilespmem:s24+$0xFFFFFE10]  }
0xca: {  	v35 =	vbroadcast v53, $0x0;
	v54 =	vshll.u32 v37, v1;
	v47 =	vadd.s32 v5, v45;
	v46 =	vld [tilespmem:s24+$0xFFFFFE50]  }
0xcb: {  	v36 =	vshll.u32 v55, v1;
	v49 =	vadd.s32 v9, v52;
	v34 =	vbroadcast v54, $0x0;
	v48 =	vld [tilespmem:s24+$0xFFFFFE90]  }
0xcc: {  	v56 =	vshll.u32 v40, v1;
	v50 =	vadd.s32 v13, v35;
	v37 =	vbroadcast v36, $0x0;
	v39 =	vld [tilespmem:s24+$0xFFFFFED0]  }
0xcd: {  	v36 =	vbroadcast v56, $0x0;
	v51 =	vld [tilespmem:s24+$0xFFFFFF10];
	v53 =	vadd.s32 v17, v34;
	[tilespmem:v42+s22+$0x0] =	vst.idx.msk $0xffff, v41  }
0xce: {  	v60 =	vadd.s32 v21, v37;
	v59 =	vld [tilespmem:s24+$0xFFFFFF50];
	[tilespmem:v44+s22+$0x0] =	vst.idx.msk $0xffff, v43  }
0xcf: {  	v62 =	vadd.s32 v25, v36;
	v61 =	vld [tilespmem:s24+$0xFFFFFF90];
	[tilespmem:v47+s22+$0x0] =	vst.idx.msk $0xffff, v46  }
0xd0: {  	v58 =	vadd.s32 v30, v38;
	[tilespmem:v49+s22+$0x0] =	vst.idx.msk $0xffff, v48;
	v57 =	vld [tilespmem:s24+$0xFFFFFFE0]  }
0xd1: {  	v63 =	vadd.s32 v6, v45;
	[tilespmem:v50+s22+$0x0] =	vst.idx.msk $0xffff, v39;
	v47 =	vld [tilespmem:s24+$0xFFFFFE60]  }
0xd2: {  	v55 =	vadd.s32 v10, v52;
	[tilespmem:v53+s22+$0x0] =	vst.idx.msk $0xffff, v51;
	v54 =	vld [tilespmem:s24+$0xFFFFFEA0]  }
0xd3: {  	v56 =	vadd.s32 v14, v35;
	[tilespmem:v60+s22+$0x0] =	vst.idx.msk $0xffff, v59;
	v50 =	vld [tilespmem:s24+$0xFFFFFEE0]  }
0xd4: {  	[tilespmem:v62+s22+$0x0] =	vst.idx.msk $0xffff, v61;
	v46 =	vadd.s32 v22, v37;
	v44 =	vld [tilespmem:s24+$0xFFFFFF60]  }
0xd5: {  	v59 =	vadd.s32 v18, v34;
	[tilespmem:v58+s22+$0x0] =	vst.idx.msk $0xffff, v57;
	v58 =	vld [tilespmem:s24+$0xFFFFFF20]  }
0xd6: {  	v57 =	vadd.s32 v31, v38;
	[tilespmem:v63+s22+$0x0] =	vst.idx.msk $0xffff, v47;
	v40 =	vld [tilespmem:s24+$0xFFFFFFF0]  }
0xd7: {  	v62 =	vadd.s32 v2, v33;
	v61 =	vld [tilespmem:s24+$0xFFFFFE20];
	[tilespmem:v55+s22+$0x0] =	vst.idx.msk $0xffff, v54  }
0xd8: {  	v60 =	vadd.s32 v26, v36;
	v63 =	vld [tilespmem:s24+$0xFFFFFFA0];
	[tilespmem:v56+s22+$0x0] =	vst.idx.msk $0xffff, v50  }
0xd9: {  	v51 =	vadd.s32 v7, v45;
	[tilespmem:v46+s22+$0x0] =	vst.idx.msk $0xffff, v44;
	v50 =	vld [tilespmem:s24+$0xFFFFFE70]  }
0xda: {  	v56 =	vadd.s32 v11, v52;
	v55 =	vld [tilespmem:s24+$0xFFFFFEB0];
	[tilespmem:v59+s22+$0x0] =	vst.idx.msk $0xffff, v58  }
0xdb: {  	v58 =	vadd.s32 v15, v35;
	[tilespmem:v57+s22+$0x0] =	vst.idx.msk $0xffff, v40;
	v57 =	vld [tilespmem:s24+$0xFFFFFEF0]  }
0xdc: {  	v38 =	vadd.s32 v32, v38;
	[tilespmem:v62+s22+$0x0] =	vst.idx.msk $0xffff, v61;
	v54 =	vld [tilespmem:s24+$0x0]  }
0xdd: {  	s1 =	simm.s32 $0x9;
	[tilespmem:v60+s22+$0x0] =	vst.idx.msk $0xffff, v63;
	v60 =	vadd.s32 v19, v34;
	v59 =	vld [tilespmem:s24+$0xFFFFFF30]  }
0xde: {  	s26 =	simm.s32 $0x8;
	v41 =	vadd.s32 v23, v37;
	v53 =	vmov s1;
	[tilespmem:v51+s22+$0x0] =	vst.idx.msk $0xffff, v50;
	v40 =	vld [tilespmem:s24+$0xFFFFFF70]  }
0xdf: {  	v43 =	vadd.s32 v27, v36;
	s1 =	simm.s32 $0xC;
	v48 =	vadd.s32 v3, v33;
	v63 =	vmov s26;
	v42 =	vld [tilespmem:s24+$0xFFFFFFB0];
	[tilespmem:v56+s22+$0x0] =	vst.idx.msk $0xffff, v55  }
0xe0: {  	s10 =	simm.s32 $0xA;
	v47 =	vmov s1;
	v52 =	vadd.s32 v12, v52;
	v46 =	vld [tilespmem:s24+$0xFFFFFE30];
	s26 =	simm.s32 $0xB;
	v39 =	vshrl.u32 v63, $0x3;
	[tilespmem:v58+s22+$0x0] =	vst.idx.msk $0xffff, v57  }
0xe1: {  	v44 =	vmov s26;
	s26 =	simm.s32 $0xE;
	v51 =	vadd.s32 v8, v45;
	v49 =	vld [tilespmem:s24+$0xFFFFFE80];
	[tilespmem:v38+s22+$0x0] =	vst.idx.msk $0xffff, v54;
	v54 =	vmov s10;
	s10 =	simm.s32 $0xD  }
0xe2: {  	s29 =	simm.s32 $0x10;
	s0 =	simm.s32 $0xF;
	v45 =	vshll.u32 v39, v1;
	v39 =	vmov s26;
	v50 =	vld [tilespmem:s24+$0xFFFFFEC0];
	[tilespmem:v60+s22+$0x0] =	vst.idx.msk $0xffff, v59;
	v38 =	vmov s10  }
.LBB2_10:
0xe3: {  	p2 =	slt.u32 s29, $0xF8;
	v53 =	vshrl.u32 v53, $0x3;
	v55 =	vmov s0;
	v56 =	vld [tilespmem:s24+$0xFFFFFF00];
	v35 =	vadd.s32 v16, v35;
	[tilespmem:v41+s22+$0x0] =	vst.idx.msk $0xffff, v40  }
0xe4: {  	v40 =	vshrl.u32 v54, $0x3;
	v34 =	vadd.s32 v20, v34;
	v41 =	vshrl.u32 v55, $0x3;
	v54 =	vld [tilespmem:s24+$0xFFFFFF40];
	[tilespmem:v43+s22+$0x0] =	vst.idx.msk $0xffff, v42  }
0xe5: {  	v37 =	vadd.s32 v24, v37;
	v42 =	vshrl.u32 v44, $0x3;
	v41 =	vshll.u32 v41, v1;
	[tilespmem:v48+s22+$0x0] =	vst.idx.msk $0xffff, v46;
	v43 =	vld [tilespmem:s24+$0xFFFFFF80]  }
0xe6: {  	v36 =	vadd.s32 v28, v36;
	v44 =	vshrl.u32 v47, $0x3;
	v41 =	vbroadcast v41, $0x0;
	[tilespmem:v51+s22+$0x0] =	vst.idx.msk $0xffff, v49;
	v46 =	vld [tilespmem:s24+$0xFFFFFFC0]  }
0xe7: {  	v47 =	vshll.u32 v53, v1;
	v49 =	vadd.s32 v4, v33;
	v33 =	vbroadcast v45, $0x0;
	v48 =	vld [tilespmem:s24+$0xFFFFFE40];
	[tilespmem:v52+s22+$0x0] =	vst.idx.msk $0xffff, v50;
	s24 =	sadd.s32 $0x200, s24  }
0xe8: {  	v40 =	vshll.u32 v40, v1;
	v45 =	vbroadcast v47, $0x0;
	v47 =	vld [tilespmem:s24+$0xFFFFFFD0];
	v50 =	vadd.s32 v29, v41;
	[tilespmem:v35+s22+$0x0] =	vst.idx.msk $0xffff, v56  }
0xe9: {  	v55 =	vbroadcast v40, $0x0;
	v52 =	vadd.s32 v0, v33;
	v35 =	vshll.u32 v42, v1;
	v51 =	vld [tilespmem:s24+$0xFFFFFE10];
	[tilespmem:v34+s22+$0x0] =	vst.idx.msk $0xffff, v54  }
0xea: {  	v42 =	vadd.s32 v5, v45;
	v35 =	vbroadcast v35, $0x0;
	v34 =	vshll.u32 v44, v1;
	v40 =	vld [tilespmem:s24+$0xFFFFFE50];
	[tilespmem:v37+s22+$0x0] =	vst.idx.msk $0xffff, v43  }
0xeb: {  	v44 =	vadd.s32 v9, v55;
	v34 =	vbroadcast v34, $0x0;
	v37 =	vshrl.u32 v38, $0x3;
	v43 =	vld [tilespmem:s24+$0xFFFFFE90];
	[tilespmem:v36+s22+$0x0] =	vst.idx.msk $0xffff, v46  }
0xec: {  	v39 =	vshrl.u32 v39, $0x3;
	v46 =	vadd.s32 v13, v35;
	v36 =	vshll.u32 v37, v1;
	v38 =	vld [tilespmem:s24+$0xFFFFFED0];
	[tilespmem:v49+s22+$0x0] =	vst.idx.msk $0xffff, v48  }
0xed: {  	v49 =	vadd.s32 v17, v34;
	v37 =	vbroadcast v36, $0x0;
	v36 =	vshll.u32 v39, v1;
	v48 =	vld [tilespmem:s24+$0xFFFFFF10];
	[tilespmem:v50+s22+$0x0] =	vst.idx.msk $0xffff, v47  }
0xee: {  	v36 =	vbroadcast v36, $0x0;
	v47 =	vadd.s32 v30, v41;
	[tilespmem:v52+s22+$0x0] =	vst.idx.msk $0xffff, v51;
	v39 =	vld [tilespmem:s24+$0xFFFFFFE0]  }
0xef: {  	[tilespmem:v42+s22+$0x0] =	vst.idx.msk $0xffff, v40;
	v40 =	vld [tilespmem:s24+$0xFFFFFF50];
	v42 =	vadd.s32 v21, v37  }
0xf0: {  	[tilespmem:v44+s22+$0x0] =	vst.idx.msk $0xffff, v43;
	v43 =	vld [tilespmem:s24+$0xFFFFFF90];
	v44 =	vadd.s32 v25, v36  }
0xf1: {  	v51 =	vadd.s32 v6, v45;
	v50 =	vld [tilespmem:s24+$0xFFFFFE60];
	[tilespmem:v46+s22+$0x0] =	vst.idx.msk $0xffff, v38  }
0xf2: {  	v46 =	vadd.s32 v10, v55;
	v38 =	vld [tilespmem:s24+$0xFFFFFEA0];
	[tilespmem:v49+s22+$0x0] =	vst.idx.msk $0xffff, v48  }
0xf3: {  	v49 =	vadd.s32 v14, v35;
	v48 =	vld [tilespmem:s24+$0xFFFFFEE0];
	[tilespmem:v47+s22+$0x0] =	vst.idx.msk $0xffff, v39  }
0xf4: {  	[tilespmem:v42+s22+$0x0] =	vst.idx.msk $0xffff, v40;
	v39 =	vld [tilespmem:s24+$0xFFFFFFF0];
	v40 =	vadd.s32 v31, v41  }
0xf5: {  	v47 =	vadd.s32 v18, v34;
	v42 =	vld [tilespmem:s24+$0xFFFFFF20];
	[tilespmem:v44+s22+$0x0] =	vst.idx.msk $0xffff, v43  }
0xf6: {  	v44 =	vadd.s32 v22, v37;
	[tilespmem:v51+s22+$0x0] =	vst.idx.msk $0xffff, v50;
	v43 =	vld [tilespmem:s24+$0xFFFFFF60]  }
0xf7: {  	[tilespmem:v46+s22+$0x0] =	vst.idx.msk $0xffff, v38;
	v38 =	vld [tilespmem:s24+$0xFFFFFFA0];
	v46 =	vadd.s32 v26, v36  }
0xf8: {  	v51 =	vadd.s32 v2, v33;
	v50 =	vld [tilespmem:s24+$0xFFFFFE20];
	[tilespmem:v49+s22+$0x0] =	vst.idx.msk $0xffff, v48  }
0xf9: {  	v49 =	vadd.s32 v7, v45;
	v48 =	vld [tilespmem:s24+$0xFFFFFE70];
	[tilespmem:v40+s22+$0x0] =	vst.idx.msk $0xffff, v39  }
0xfa: {  	[tilespmem:v47+s22+$0x0] =	vst.idx.msk $0xffff, v42;
	v39 =	vld [tilespmem:s24+$0x0];
	v47 =	vadd.s32 v32, v41  }
0xfb: {  	v56 =	vadd.s32 v11, v55;
	v52 =	vld [tilespmem:s24+$0xFFFFFEB0];
	[tilespmem:v44+s22+$0x0] =	vst.idx.msk $0xffff, v43  }
0xfc: {  	v58 =	vadd.s32 v15, v35;
	v57 =	vld [tilespmem:s24+$0xFFFFFEF0];
	[tilespmem:v46+s22+$0x0] =	vst.idx.msk $0xffff, v38  }
0xfd: {  	v60 =	vadd.s32 v19, v34;
	[tilespmem:v51+s22+$0x0] =	vst.idx.msk $0xffff, v50;
	v59 =	vld [tilespmem:s24+$0xFFFFFF30]  }
.Ltmp4:
0xfe: {  	s0 =	sadd.s32 $0x1, s29;
	v41 =	vadd.s32 v23, v37;
	v38 =	vmov s29;
	[tilespmem:v49+s22+$0x0] =	vst.idx.msk $0xffff, v48;
	v40 =	vld [tilespmem:s24+$0xFFFFFF70];
	(pc) =	sbr.rel @p2 .LBB2_10-.Ltmp4, $4  }
0xff: {  	s1 =	sadd.s32 $0x3, s29;
	v53 =	vmov s0;
	s0 =	sadd.s32 $0x2, s29;
	v43 =	vadd.s32 v27, v36;
	v50 =	vshrl.u32 v38, $0x3;
	v42 =	vld [tilespmem:s24+$0xFFFFFFB0];
	[tilespmem:v47+s22+$0x0] =	vst.idx.msk $0xffff, v39  }
0x100: {  	v54 =	vmov s0;
	s0 =	sadd.s32 $0x4, s29;
	v44 =	vmov s1;
	s1 =	sadd.s32 $0x5, s29;
	v48 =	vadd.s32 v3, v33;
	v46 =	vld [tilespmem:s24+$0xFFFFFE30];
	[tilespmem:v56+s22+$0x0] =	vst.idx.msk $0xffff, v52  }
0x101: {  	v38 =	vmov s1;
	v51 =	vadd.s32 v8, v45;
	v47 =	vmov s0;
	s0 =	sadd.s32 $0x6, s29;
	v49 =	vld [tilespmem:s24+$0xFFFFFE80];
	[tilespmem:v58+s22+$0x0] =	vst.idx.msk $0xffff, v57  }
0x102: {  	v45 =	vshll.u32 v50, v1;
	v39 =	vmov s0;
	s0 =	sadd.s32 $0x7, s29;
	s29 =	sadd.s32 $0x8, s29;
	v52 =	vadd.s32 v12, v55;
	v50 =	vld [tilespmem:s24+$0xFFFFFEC0];
	[tilespmem:v60+s22+$0x0] =	vst.idx.msk $0xffff, v59  }
0x103: {  	_ =	sdelay $0x2  }
0x104: {  	v53 =	vshrl.u32 v53, $0x3  }
0x105: {  	v55 =	vmov s0;
	v56 =	vld [tilespmem:s24+$0xFFFFFF00];
	v35 =	vadd.s32 v16, v35;
	[tilespmem:v41+s22+$0x0] =	vst.idx.msk $0xffff, v40;
	v57 =	vshrl.u32 v54, $0x3  }
0x106: {  	v59 =	vld [tilespmem:s24+$0xFFFFFF40];
	v34 =	vadd.s32 v20, v34;
	v60 =	vshrl.u32 v44, $0x3;
	v58 =	vshrl.u32 v55, $0x3;
	[tilespmem:v43+s22+$0x0] =	vst.idx.msk $0xffff, v42  }
0x107: {  	v37 =	vadd.s32 v24, v37;
	v62 =	vshrl.u32 v47, $0x3;
	v61 =	vld [tilespmem:s24+$0xFFFFFF80];
	v41 =	vshll.u32 v58, v1;
	[tilespmem:v48+s22+$0x0] =	vst.idx.msk $0xffff, v46  }
0x108: {  	v36 =	vadd.s32 v28, v36;
	v45 =	vbroadcast v45, $0x0;
	v63 =	vld [tilespmem:s24+$0xFFFFFFC0];
	v41 =	vbroadcast v41, $0x0;
	[tilespmem:v51+s22+$0x0] =	vst.idx.msk $0xffff, v49  }
0x109: {  	v33 =	vadd.s32 v4, v33;
	v38 =	vshrl.u32 v38, $0x3;
	v55 =	vshll.u32 v53, v1;
	v48 =	vld [tilespmem:s24+$0xFFFFFE40];
	s24 =	sadd.s32 $0x200, s24;
	[tilespmem:v52+s22+$0x0] =	vst.idx.msk $0xffff, v50  }
0x10a: {  	v40 =	vshll.u32 v57, v1;
	v47 =	vbroadcast v55, $0x0;
	v49 =	vld [tilespmem:s24+$0xFFFFFFD0];
	v50 =	vadd.s32 v29, v41;
	[tilespmem:v35+s22+$0x0] =	vst.idx.msk $0xffff, v56  }
0x10b: {  	v42 =	vshll.u32 v60, v1;
	v40 =	vbroadcast v40, $0x0;
	v35 =	vld [tilespmem:s24+$0xFFFFFE10];
	v56 =	vadd.s32 v0, v45;
	[tilespmem:v34+s22+$0x0] =	vst.idx.msk $0xffff, v59  }
0x10c: {  	v44 =	vshll.u32 v62, v1;
	v42 =	vbroadcast v42, $0x0;
	v57 =	vld [tilespmem:s24+$0xFFFFFE50];
	v58 =	vadd.s32 v5, v47;
	[tilespmem:v37+s22+$0x0] =	vst.idx.msk $0xffff, v61  }
0x10d: {  	v38 =	vshll.u32 v38, v1;
	v44 =	vbroadcast v44, $0x0;
	v60 =	vadd.s32 v9, v40;
	v59 =	vld [tilespmem:s24+$0xFFFFFE90];
	[tilespmem:v36+s22+$0x0] =	vst.idx.msk $0xffff, v63  }
0x10e: {  	v38 =	vbroadcast v38, $0x0;
	v62 =	vadd.s32 v13, v42;
	v61 =	vld [tilespmem:s24+$0xFFFFFED0];
	[tilespmem:v33+s22+$0x0] =	vst.idx.msk $0xffff, v48  }
0x10f: {  	v39 =	vshrl.u32 v39, $0x3;
	v63 =	vadd.s32 v17, v44;
	v33 =	vld [tilespmem:s24+$0xFFFFFF10];
	[tilespmem:v50+s22+$0x0] =	vst.idx.msk $0xffff, v49  }
0x110: {  	v39 =	vshll.u32 v39, v1;
	v34 =	vld [tilespmem:s24+$0xFFFFFF50];
	[tilespmem:v56+s22+$0x0] =	vst.idx.msk $0xffff, v35;
	v56 =	vadd.s32 v21, v38  }
0x111: {  	[tilespmem:v58+s22+$0x0] =	vst.idx.msk $0xffff, v57;
	v35 =	vbroadcast v39, $0x0;
	v49 =	vadd.s32 v30, v41;
	v39 =	vld [tilespmem:s24+$0xFFFFFFE0]  }
0x112: {  	[tilespmem:v60+s22+$0x0] =	vst.idx.msk $0xffff, v59;
	v59 =	vld [tilespmem:s24+$0xFFFFFE60];
	v60 =	vadd.s32 v6, v47  }
0x113: {  	v57 =	vld [tilespmem:s24+$0xFFFFFF90];
	[tilespmem:v62+s22+$0x0] =	vst.idx.msk $0xffff, v61;
	v58 =	vadd.s32 v25, v35  }
0x114: {  	v61 =	vld [tilespmem:s24+$0xFFFFFEA0];
	v62 =	vadd.s32 v10, v40;
	[tilespmem:v63+s22+$0x0] =	vst.idx.msk $0xffff, v33  }
0x115: {  	v33 =	vld [tilespmem:s24+$0xFFFFFEE0];
	v63 =	vadd.s32 v14, v42;
	[tilespmem:v56+s22+$0x0] =	vst.idx.msk $0xffff, v34  }
0x116: {  	v56 =	vadd.s32 v18, v44;
	[tilespmem:v49+s22+$0x0] =	vst.idx.msk $0xffff, v39;
	v49 =	vld [tilespmem:s24+$0xFFFFFF20]  }
0x117: {  	[tilespmem:v60+s22+$0x0] =	vst.idx.msk $0xffff, v59;
	v39 =	vadd.s32 v31, v41;
	v34 =	vld [tilespmem:s24+$0xFFFFFFF0]  }
0x118: {  	[tilespmem:v58+s22+$0x0] =	vst.idx.msk $0xffff, v57;
	v57 =	vld [tilespmem:s24+$0xFFFFFF60];
	v58 =	vadd.s32 v22, v38  }
0x119: {  	[tilespmem:v62+s22+$0x0] =	vst.idx.msk $0xffff, v61;
	v61 =	vld [tilespmem:s24+$0xFFFFFE20];
	v62 =	vadd.s32 v2, v45  }
0x11a: {  	v60 =	vadd.s32 v26, v35;
	v59 =	vld [tilespmem:s24+$0xFFFFFFA0];
	[tilespmem:v63+s22+$0x0] =	vst.idx.msk $0xffff, v33  }
0x11b: {  	v55 =	vadd.s32 v11, v40;
	v54 =	vadd.s32 v32, v41;
	v41 =	vld [tilespmem:s24+$0xFFFFFEB0];
	[tilespmem:v56+s22+$0x0] =	vst.idx.msk $0xffff, v49  }
0x11c: {  	v53 =	vadd.s32 v7, v47;
	v63 =	vld [tilespmem:s24+$0xFFFFFE70];
	[tilespmem:v39+s22+$0x0] =	vst.idx.msk $0xffff, v34  }
0x11d: {  	v56 =	vld [tilespmem:s24+$0xFFFFFEF0];
	[tilespmem:v58+s22+$0x0] =	vst.idx.msk $0xffff, v57;
	v57 =	vadd.s32 v15, v42  }
0x11e: {  	[tilespmem:v62+s22+$0x0] =	vst.idx.msk $0xffff, v61;
	v34 =	vld [tilespmem:s24+$0x0]  }
0x11f: {  	v58 =	vld [tilespmem:s24+$0xFFFFFF30];
	[tilespmem:v60+s22+$0x0] =	vst.idx.msk $0xffff, v59;
	v59 =	vadd.s32 v19, v44  }
0x120: {  	v61 =	vadd.s32 v23, v38;
	[tilespmem:v55+s22+$0x0] =	vst.idx.msk $0xffff, v41;
	v60 =	vld [tilespmem:s24+$0xFFFFFF70]  }
0x121: {  	[tilespmem:v53+s22+$0x0] =	vst.idx.msk $0xffff, v63;
	v63 =	vadd.s32 v27, v35;
	v62 =	vld [tilespmem:s24+$0xFFFFFFB0]  }
0x122: {  	v47 =	vadd.s32 v8, v47;
	v55 =	vld [tilespmem:s24+$0xFFFFFE80];
	[tilespmem:v57+s22+$0x0] =	vst.idx.msk $0xffff, v56  }
0x123: {  	v53 =	vld [tilespmem:s24+$0xFFFFFE30];
	[tilespmem:v54+s22+$0x0] =	vst.idx.msk $0xffff, v34;
	v54 =	vadd.s32 v3, v45  }
0x124: {  	v40 =	vadd.s32 v12, v40;
	v56 =	vld [tilespmem:s24+$0xFFFFFEC0];
	[tilespmem:v59+s22+$0x0] =	vst.idx.msk $0xffff, v58  }
0x125: {  	v42 =	vadd.s32 v16, v42;
	v57 =	vld [tilespmem:s24+$0xFFFFFF00];
	[tilespmem:v61+s22+$0x0] =	vst.idx.msk $0xffff, v60  }
0x126: {  	v59 =	vadd.s32 v20, v44;
	v58 =	vld [tilespmem:s24+$0xFFFFFF40];
	[tilespmem:v63+s22+$0x0] =	vst.idx.msk $0xffff, v62  }
0x127: {  	v38 =	vadd.s32 v24, v38;
	v60 =	vld [tilespmem:s24+$0xFFFFFF80];
	[tilespmem:v47+s22+$0x0] =	vst.idx.msk $0xffff, v55  }
0x128: {  	v35 =	vadd.s32 v28, v35;
	v61 =	vld [tilespmem:s24+$0xFFFFFFC0];
	[tilespmem:v54+s22+$0x0] =	vst.idx.msk $0xffff, v53  }
0x129: {  	v63 =	vadd.s32 v4, v45;
	[tilespmem:v40+s22+$0x0] =	vst.idx.msk $0xffff, v56;
	v62 =	vld [tilespmem:s24+$0xFFFFFE40]  }
0x12a: {  	s26 =	sshll.u32 s19, $0x12;
	[tilespmem:v42+s22+$0x0] =	vst.idx.msk $0xffff, v57  }
0x12b: {  	[tilespmem:v59+s22+$0x0] =	vst.idx.msk $0xffff, v58;
	s24 =	sor.u32 s15, s26  }
0x12c: {  	[tilespmem:v38+s22+$0x0] =	vst.idx.msk $0xffff, v60;
	s0 =	sadd.s32 s24, s16  }
0x12d: {  	s29 =	simm.s32 $0x14600;
	[tilespmem:v35+s22+$0x0] =	vst.idx.msk $0xffff, v61;
	s0 =	sadd.s32 s4, s0  }
0x12e: {  	s10 =	simm.s32 $0x200;
	s1 =	simm.s32 $0x14708;
	s26 =	sadd.s32 $0x0, s0;
	[tilespmem:v63+s22+$0x0] =	vst.idx.msk $0xffff, v62  }
.LBB2_12:
0x12f: {  	[hbm4b:s26+s2] =	stream.linear.scatter [tilespmem:s29], [sflag:$0xA], $0x100, $0x38;
	[tilespmem:$0x18800] =	vst v63  }
0x130: {  	s26 =	smov.u32 s10;
	s29 =	smov.u32 s1;
	p2 =	sne.s32 s10, $0x7E00  }
.Ltmp5:
0x131: {  	s10 =	sadd.s32 $0x200, s10;
	(pc) =	sbr.rel @p2 .LBB2_12-.Ltmp5, $2  }
0x132: {  	_ =	sdelay $0x2  }
0x133: {  	s1 =	sadd.s32 $0x108, s1;
	s26 =	sadd.s32 s26, s0  }
0x134: {  	[hbm4b:s26+s2] =	stream.linear.scatter [tilespmem:s29], [sflag:$0xA], $0x100, $0x38;
	[tilespmem:$0x18800] =	vst v63  }
0x135: {  	s0 =	simm.s32 @p1 $0x2  }
0x136: {  	_ =	swait.ge @p1 [sflag:s0], $0x100  }
0x137: {  	s1 =	simm.s32 @p1 $0x100;
	[sflag:s0] =	ssyncset.done @p1 $0x0  }
0x138: {  	s10 =	simm.s32 @p1 $0x4400;
	[sflag:s0] =	ssyncadd.s32 @p1 $0xFFFFFF00;
	s0 =	simm.s32 @p1 $0x80  }
0x139: {  	[tilespmem:s10], [sflag:$0x6] =	stream.indirect.gather @p1 [hbm4b:s5+s0], $0x40, s1, s0, $0xb8;
	[tilespmem:$0x18800] =	vst v63  }
0x13a: {  	s1 =	simm.s32 @p1 $0x180;
	s10 =	simm.s32 @p1 $0x6400  }
0x13b: {  	[tilespmem:s10], [sflag:$0x6] =	stream.indirect.gather @p1 [hbm4b:s5+s0], $0x40, s1, s0, $0xb8;
	[tilespmem:$0x18800] =	vst v63  }
0x13c: {  	s0 =	simm.s32 @p1 $0x7  }
0x13d: {  	s1 =	sadd.s32 @p1 s12, s7;
	_ =	swait.ge @p1 [sflag:s0], $0x4000  }
0x13e: {  	s26 =	simm.s32 $0x3;
	s1 =	sshll.u32 @p1 s1, $0x5;
	[sflag:s0] =	ssyncset.done @p1 $0x0  }
0x13f: {  	v36 =	vmov s26;
	s26 =	simm.s32 $0x4;
	[sflag:s0] =	ssyncadd.s32 @p1 $0xFFFFC000;
	s0 =	sand.u32 @p1 $0x3FA00, s1  }
0x140: {  	s10 =	simm.s32 @p1 $0x200;
	s1 =	simm.s32 @p1 $0x0;
	s0 =	sadd.s32 @p1 s0, s14  }
0x141: {  	[tilespmem:s10], [sflag:$0x3] =	stream.linear.gather @p1 [hbm4b:s0+s1], $0x100, $0x38;
	[tilespmem:$0x18800] =	vst v63  }
0x142: {  	v37 =	vmov s26;
	s26 =	simm.s32 $0x5;
	v36 =	vshrl.u32 v36, $0x3;
	s0 =	simm.s32 @!p1 $0x7  }
0x143: {  	v39 =	vmov s26;
	v37 =	vshrl.u32 v37, $0x3;
	v53 =	vshll.u32 v36, v1;
	s10 =	simm.s32 $0x0;
	_ =	swait.ge @!p1 [sflag:s0], $0x4000  }
0x144: {  	v54 =	vshll.u32 v37, v1;
	v55 =	vshrl.u32 v39, $0x3;
	s1 =	simm.s32 $0x1;
	v33 =	vmov s10;
	s10 =	simm.s32 $0x2;
	[sflag:s0] =	ssyncset.done @!p1 $0x0  }
0x145: {  	v34 =	vmov s1;
	v35 =	vmov s10;
	s10 =	simm.s32 $0x7;
	v33 =	vshrl.u32 v33, $0x3;
	[sflag:s0] =	ssyncadd.s32 @!p1 $0xFFFFC000  }
0x146: {  	v34 =	vshrl.u32 v34, $0x3;
	v38 =	vmov s10;
	v33 =	vshll.u32 v33, v1;
	_ =	swait.ge [sflag:s8], $0x4000  }
0x147: {  	v34 =	vshll.u32 v34, v1;
	v38 =	vshrl.u32 v38, $0x3;
	v33 =	vbroadcast v33, $0x0;
	[sflag:s8] =	ssyncset.done $0x0  }
0x148: {  	s29 =	simm.s32 $0x85F0;
	v35 =	vshrl.u32 v35, $0x3;
	v45 =	vbroadcast v34, $0x0;
	v38 =	vshll.u32 v38, v1;
	[sflag:s8] =	ssyncadd.s32 $0xFFFFC000  }
0x149: {  	v52 =	vshll.u32 v35, v1;
	v38 =	vbroadcast v38, $0x0;
	v44 =	vadd.s32 v0, v33;
	v43 =	vld [tilespmem:s29+$0xFFFFFE10]  }
0x14a: {  	v36 =	vshll.u32 v55, v1;
	s10 =	simm.s32 $0x6;
	v52 =	vbroadcast v52, $0x0;
	v47 =	vadd.s32 v5, v45;
	v46 =	vld [tilespmem:s29+$0xFFFFFE50]  }
0x14b: {  	v40 =	vmov s10;
	v35 =	vbroadcast v53, $0x0;
	v41 =	vld [tilespmem:s29+$0xFFFFFFD0];
	v42 =	vadd.s32 v29, v38  }
0x14c: {  	v34 =	vbroadcast v54, $0x0;
	v40 =	vshrl.u32 v40, $0x3;
	v48 =	vld [tilespmem:s29+$0xFFFFFE90];
	v49 =	vadd.s32 v9, v52  }
0x14d: {  	v37 =	vbroadcast v36, $0x0;
	v50 =	vadd.s32 v13, v35;
	v56 =	vshll.u32 v40, v1;
	v39 =	vld [tilespmem:s29+$0xFFFFFED0]  }
0x14e: {  	v53 =	vadd.s32 v17, v34;
	v51 =	vld [tilespmem:s29+$0xFFFFFF10];
	v36 =	vbroadcast v56, $0x0;
	[tilespmem:v44+s21+$0x0] =	vst.idx.msk $0xffff, v43  }
0x14f: {  	v60 =	vadd.s32 v21, v37;
	v59 =	vld [tilespmem:s29+$0xFFFFFF50];
	[tilespmem:v47+s21+$0x0] =	vst.idx.msk $0xffff, v46  }
0x150: {  	v61 =	vld [tilespmem:s29+$0xFFFFFF90];
	v62 =	vadd.s32 v25, v36;
	[tilespmem:v42+s21+$0x0] =	vst.idx.msk $0xffff, v41  }
0x151: {  	v58 =	vadd.s32 v30, v38;
	[tilespmem:v49+s21+$0x0] =	vst.idx.msk $0xffff, v48;
	v57 =	vld [tilespmem:s29+$0xFFFFFFE0]  }
0x152: {  	v63 =	vadd.s32 v6, v45;
	[tilespmem:v50+s21+$0x0] =	vst.idx.msk $0xffff, v39;
	v47 =	vld [tilespmem:s29+$0xFFFFFE60]  }
0x153: {  	v55 =	vadd.s32 v10, v52;
	[tilespmem:v53+s21+$0x0] =	vst.idx.msk $0xffff, v51;
	v54 =	vld [tilespmem:s29+$0xFFFFFEA0]  }
0x154: {  	v56 =	vadd.s32 v14, v35;
	[tilespmem:v60+s21+$0x0] =	vst.idx.msk $0xffff, v59;
	v50 =	vld [tilespmem:s29+$0xFFFFFEE0]  }
0x155: {  	v46 =	vadd.s32 v22, v37;
	v44 =	vld [tilespmem:s29+$0xFFFFFF60];
	[tilespmem:v62+s21+$0x0] =	vst.idx.msk $0xffff, v61  }
0x156: {  	v59 =	vadd.s32 v18, v34;
	[tilespmem:v58+s21+$0x0] =	vst.idx.msk $0xffff, v57;
	v58 =	vld [tilespmem:s29+$0xFFFFFF20]  }
0x157: {  	[tilespmem:v63+s21+$0x0] =	vst.idx.msk $0xffff, v47;
	v57 =	vadd.s32 v31, v38;
	v40 =	vld [tilespmem:s29+$0xFFFFFFF0]  }
0x158: {  	v61 =	vld [tilespmem:s29+$0xFFFFFE20];
	v62 =	vadd.s32 v2, v33;
	[tilespmem:v55+s21+$0x0] =	vst.idx.msk $0xffff, v54  }
0x159: {  	v60 =	vadd.s32 v26, v36;
	v63 =	vld [tilespmem:s29+$0xFFFFFFA0];
	[tilespmem:v56+s21+$0x0] =	vst.idx.msk $0xffff, v50  }
0x15a: {  	v51 =	vadd.s32 v7, v45;
	[tilespmem:v46+s21+$0x0] =	vst.idx.msk $0xffff, v44;
	v50 =	vld [tilespmem:s29+$0xFFFFFE70]  }
0x15b: {  	v56 =	vadd.s32 v11, v52;
	v55 =	vld [tilespmem:s29+$0xFFFFFEB0];
	[tilespmem:v59+s21+$0x0] =	vst.idx.msk $0xffff, v58  }
0x15c: {  	v58 =	vadd.s32 v15, v35;
	[tilespmem:v57+s21+$0x0] =	vst.idx.msk $0xffff, v40;
	v57 =	vld [tilespmem:s29+$0xFFFFFEF0]  }
0x15d: {  	v38 =	vadd.s32 v32, v38;
	[tilespmem:v62+s21+$0x0] =	vst.idx.msk $0xffff, v61;
	v54 =	vld [tilespmem:s29+$0x0]  }
0x15e: {  	s1 =	simm.s32 $0x9;
	[tilespmem:v60+s21+$0x0] =	vst.idx.msk $0xffff, v63;
	v60 =	vadd.s32 v19, v34;
	v59 =	vld [tilespmem:s29+$0xFFFFFF30]  }
0x15f: {  	s26 =	simm.s32 $0x8;
	v53 =	vmov s1;
	v41 =	vadd.s32 v23, v37;
	[tilespmem:v51+s21+$0x0] =	vst.idx.msk $0xffff, v50;
	v40 =	vld [tilespmem:s29+$0xFFFFFF70]  }
0x160: {  	v43 =	vadd.s32 v27, v36;
	s1 =	simm.s32 $0xC;
	v48 =	vadd.s32 v3, v33;
	v63 =	vmov s26;
	v42 =	vld [tilespmem:s29+$0xFFFFFFB0];
	[tilespmem:v56+s21+$0x0] =	vst.idx.msk $0xffff, v55  }
0x161: {  	s10 =	simm.s32 $0xA;
	v47 =	vmov s1;
	v52 =	vadd.s32 v12, v52;
	v46 =	vld [tilespmem:s29+$0xFFFFFE30];
	s26 =	simm.s32 $0xB;
	v39 =	vshrl.u32 v63, $0x3;
	[tilespmem:v58+s21+$0x0] =	vst.idx.msk $0xffff, v57  }
0x162: {  	v44 =	vmov s26;
	s26 =	simm.s32 $0xE;
	v51 =	vadd.s32 v8, v45;
	v49 =	vld [tilespmem:s29+$0xFFFFFE80];
	[tilespmem:v38+s21+$0x0] =	vst.idx.msk $0xffff, v54;
	v54 =	vmov s10;
	s10 =	simm.s32 $0xD  }
0x163: {  	s0 =	simm.s32 $0x10;
	v45 =	vshll.u32 v39, v1;
	v39 =	vmov s26;
	v50 =	vld [tilespmem:s29+$0xFFFFFEC0];
	[tilespmem:v60+s21+$0x0] =	vst.idx.msk $0xffff, v59;
	v38 =	vmov s10;
	s10 =	simm.s32 $0xF  }
.LBB2_14:
0x164: {  	p2 =	slt.u32 s0, $0xF8;
	v53 =	vshrl.u32 v53, $0x3;
	v55 =	vmov s10;
	v56 =	vld [tilespmem:s29+$0xFFFFFF00];
	v35 =	vadd.s32 v16, v35;
	[tilespmem:v41+s21+$0x0] =	vst.idx.msk $0xffff, v40  }
0x165: {  	v40 =	vshrl.u32 v54, $0x3;
	v34 =	vadd.s32 v20, v34;
	v41 =	vshrl.u32 v55, $0x3;
	v54 =	vld [tilespmem:s29+$0xFFFFFF40];
	[tilespmem:v43+s21+$0x0] =	vst.idx.msk $0xffff, v42  }
0x166: {  	v37 =	vadd.s32 v24, v37;
	v42 =	vshrl.u32 v44, $0x3;
	v41 =	vshll.u32 v41, v1;
	[tilespmem:v48+s21+$0x0] =	vst.idx.msk $0xffff, v46;
	v43 =	vld [tilespmem:s29+$0xFFFFFF80]  }
0x167: {  	v36 =	vadd.s32 v28, v36;
	v44 =	vshrl.u32 v47, $0x3;
	v41 =	vbroadcast v41, $0x0;
	[tilespmem:v51+s21+$0x0] =	vst.idx.msk $0xffff, v49;
	v46 =	vld [tilespmem:s29+$0xFFFFFFC0]  }
0x168: {  	v47 =	vshll.u32 v53, v1;
	v49 =	vadd.s32 v4, v33;
	v33 =	vbroadcast v45, $0x0;
	v48 =	vld [tilespmem:s29+$0xFFFFFE40];
	[tilespmem:v52+s21+$0x0] =	vst.idx.msk $0xffff, v50;
	s29 =	sadd.s32 $0x200, s29  }
0x169: {  	v40 =	vshll.u32 v40, v1;
	v45 =	vbroadcast v47, $0x0;
	v47 =	vld [tilespmem:s29+$0xFFFFFFD0];
	v50 =	vadd.s32 v29, v41;
	[tilespmem:v35+s21+$0x0] =	vst.idx.msk $0xffff, v56  }
0x16a: {  	v55 =	vbroadcast v40, $0x0;
	v52 =	vadd.s32 v0, v33;
	v35 =	vshll.u32 v42, v1;
	v51 =	vld [tilespmem:s29+$0xFFFFFE10];
	[tilespmem:v34+s21+$0x0] =	vst.idx.msk $0xffff, v54  }
0x16b: {  	v42 =	vadd.s32 v5, v45;
	v35 =	vbroadcast v35, $0x0;
	v34 =	vshll.u32 v44, v1;
	v40 =	vld [tilespmem:s29+$0xFFFFFE50];
	[tilespmem:v37+s21+$0x0] =	vst.idx.msk $0xffff, v43  }
0x16c: {  	v44 =	vadd.s32 v9, v55;
	v34 =	vbroadcast v34, $0x0;
	v37 =	vshrl.u32 v38, $0x3;
	v43 =	vld [tilespmem:s29+$0xFFFFFE90];
	[tilespmem:v36+s21+$0x0] =	vst.idx.msk $0xffff, v46  }
0x16d: {  	v39 =	vshrl.u32 v39, $0x3;
	v46 =	vadd.s32 v13, v35;
	v36 =	vshll.u32 v37, v1;
	v38 =	vld [tilespmem:s29+$0xFFFFFED0];
	[tilespmem:v49+s21+$0x0] =	vst.idx.msk $0xffff, v48  }
0x16e: {  	v49 =	vadd.s32 v17, v34;
	v37 =	vbroadcast v36, $0x0;
	v36 =	vshll.u32 v39, v1;
	v48 =	vld [tilespmem:s29+$0xFFFFFF10];
	[tilespmem:v50+s21+$0x0] =	vst.idx.msk $0xffff, v47  }
0x16f: {  	v36 =	vbroadcast v36, $0x0;
	v47 =	vadd.s32 v30, v41;
	[tilespmem:v52+s21+$0x0] =	vst.idx.msk $0xffff, v51;
	v39 =	vld [tilespmem:s29+$0xFFFFFFE0]  }
0x170: {  	[tilespmem:v42+s21+$0x0] =	vst.idx.msk $0xffff, v40;
	v40 =	vld [tilespmem:s29+$0xFFFFFF50];
	v42 =	vadd.s32 v21, v37  }
0x171: {  	[tilespmem:v44+s21+$0x0] =	vst.idx.msk $0xffff, v43;
	v43 =	vld [tilespmem:s29+$0xFFFFFF90];
	v44 =	vadd.s32 v25, v36  }
0x172: {  	v51 =	vadd.s32 v6, v45;
	v50 =	vld [tilespmem:s29+$0xFFFFFE60];
	[tilespmem:v46+s21+$0x0] =	vst.idx.msk $0xffff, v38  }
0x173: {  	v46 =	vadd.s32 v10, v55;
	v38 =	vld [tilespmem:s29+$0xFFFFFEA0];
	[tilespmem:v49+s21+$0x0] =	vst.idx.msk $0xffff, v48  }
0x174: {  	v49 =	vadd.s32 v14, v35;
	v48 =	vld [tilespmem:s29+$0xFFFFFEE0];
	[tilespmem:v47+s21+$0x0] =	vst.idx.msk $0xffff, v39  }
0x175: {  	[tilespmem:v42+s21+$0x0] =	vst.idx.msk $0xffff, v40;
	v39 =	vld [tilespmem:s29+$0xFFFFFFF0];
	v40 =	vadd.s32 v31, v41  }
0x176: {  	v47 =	vadd.s32 v18, v34;
	v42 =	vld [tilespmem:s29+$0xFFFFFF20];
	[tilespmem:v44+s21+$0x0] =	vst.idx.msk $0xffff, v43  }
0x177: {  	v44 =	vadd.s32 v22, v37;
	[tilespmem:v51+s21+$0x0] =	vst.idx.msk $0xffff, v50;
	v43 =	vld [tilespmem:s29+$0xFFFFFF60]  }
0x178: {  	[tilespmem:v46+s21+$0x0] =	vst.idx.msk $0xffff, v38;
	v38 =	vld [tilespmem:s29+$0xFFFFFFA0];
	v46 =	vadd.s32 v26, v36  }
0x179: {  	v51 =	vadd.s32 v2, v33;
	v50 =	vld [tilespmem:s29+$0xFFFFFE20];
	[tilespmem:v49+s21+$0x0] =	vst.idx.msk $0xffff, v48  }
0x17a: {  	v49 =	vadd.s32 v7, v45;
	v48 =	vld [tilespmem:s29+$0xFFFFFE70];
	[tilespmem:v40+s21+$0x0] =	vst.idx.msk $0xffff, v39  }
0x17b: {  	[tilespmem:v47+s21+$0x0] =	vst.idx.msk $0xffff, v42;
	v39 =	vld [tilespmem:s29+$0x0];
	v47 =	vadd.s32 v32, v41  }
0x17c: {  	v56 =	vadd.s32 v11, v55;
	v52 =	vld [tilespmem:s29+$0xFFFFFEB0];
	[tilespmem:v44+s21+$0x0] =	vst.idx.msk $0xffff, v43  }
0x17d: {  	v58 =	vadd.s32 v15, v35;
	v57 =	vld [tilespmem:s29+$0xFFFFFEF0];
	[tilespmem:v46+s21+$0x0] =	vst.idx.msk $0xffff, v38  }
0x17e: {  	v60 =	vadd.s32 v19, v34;
	[tilespmem:v51+s21+$0x0] =	vst.idx.msk $0xffff, v50;
	v59 =	vld [tilespmem:s29+$0xFFFFFF30]  }
.Ltmp6:
0x17f: {  	s1 =	sadd.s32 $0x1, s0;
	v41 =	vadd.s32 v23, v37;
	v38 =	vmov s0;
	[tilespmem:v49+s21+$0x0] =	vst.idx.msk $0xffff, v48;
	v40 =	vld [tilespmem:s29+$0xFFFFFF70];
	(pc) =	sbr.rel @p2 .LBB2_14-.Ltmp6, $4  }
0x180: {  	s10 =	sadd.s32 $0x3, s0;
	v53 =	vmov s1;
	s1 =	sadd.s32 $0x2, s0;
	v43 =	vadd.s32 v27, v36;
	v50 =	vshrl.u32 v38, $0x3;
	v42 =	vld [tilespmem:s29+$0xFFFFFFB0];
	[tilespmem:v47+s21+$0x0] =	vst.idx.msk $0xffff, v39  }
0x181: {  	v54 =	vmov s1;
	s1 =	sadd.s32 $0x4, s0;
	v44 =	vmov s10;
	s10 =	sadd.s32 $0x5, s0;
	v48 =	vadd.s32 v3, v33;
	v46 =	vld [tilespmem:s29+$0xFFFFFE30];
	[tilespmem:v56+s21+$0x0] =	vst.idx.msk $0xffff, v52  }
0x182: {  	v38 =	vmov s10;
	v51 =	vadd.s32 v8, v45;
	v47 =	vmov s1;
	s1 =	sadd.s32 $0x6, s0;
	v49 =	vld [tilespmem:s29+$0xFFFFFE80];
	[tilespmem:v58+s21+$0x0] =	vst.idx.msk $0xffff, v57  }
0x183: {  	s10 =	sadd.s32 $0x7, s0;
	v45 =	vshll.u32 v50, v1;
	s0 =	sadd.s32 $0x8, s0;
	v39 =	vmov s1;
	v52 =	vadd.s32 v12, v55;
	v50 =	vld [tilespmem:s29+$0xFFFFFEC0];
	[tilespmem:v60+s21+$0x0] =	vst.idx.msk $0xffff, v59  }
0x184: {  	_ =	sdelay $0x2  }
0x185: {  	v53 =	vshrl.u32 v53, $0x3  }
0x186: {  	v55 =	vmov s10;
	v56 =	vld [tilespmem:s29+$0xFFFFFF00];
	v35 =	vadd.s32 v16, v35;
	[tilespmem:v41+s21+$0x0] =	vst.idx.msk $0xffff, v40;
	v57 =	vshrl.u32 v54, $0x3  }
0x187: {  	v59 =	vld [tilespmem:s29+$0xFFFFFF40];
	v34 =	vadd.s32 v20, v34;
	v60 =	vshrl.u32 v44, $0x3;
	v58 =	vshrl.u32 v55, $0x3;
	[tilespmem:v43+s21+$0x0] =	vst.idx.msk $0xffff, v42  }
0x188: {  	v37 =	vadd.s32 v24, v37;
	v62 =	vshrl.u32 v47, $0x3;
	v61 =	vld [tilespmem:s29+$0xFFFFFF80];
	v41 =	vshll.u32 v58, v1;
	[tilespmem:v48+s21+$0x0] =	vst.idx.msk $0xffff, v46  }
0x189: {  	v36 =	vadd.s32 v28, v36;
	v45 =	vbroadcast v45, $0x0;
	v63 =	vld [tilespmem:s29+$0xFFFFFFC0];
	v41 =	vbroadcast v41, $0x0;
	[tilespmem:v51+s21+$0x0] =	vst.idx.msk $0xffff, v49  }
0x18a: {  	v33 =	vadd.s32 v4, v33;
	s0 =	sadd.s32 $0x200, s29;
	v38 =	vshrl.u32 v38, $0x3;
	v55 =	vshll.u32 v53, v1;
	v48 =	vld [tilespmem:s29+$0xFFFFFE40];
	[tilespmem:v52+s21+$0x0] =	vst.idx.msk $0xffff, v50  }
0x18b: {  	v40 =	vshll.u32 v57, v1;
	v47 =	vbroadcast v55, $0x0;
	v49 =	vld [tilespmem:s0+$0xFFFFFFD0];
	v50 =	vadd.s32 v29, v41;
	[tilespmem:v35+s21+$0x0] =	vst.idx.msk $0xffff, v56  }
0x18c: {  	v42 =	vshll.u32 v60, v1;
	v40 =	vbroadcast v40, $0x0;
	v35 =	vld [tilespmem:s0+$0xFFFFFE10];
	v56 =	vadd.s32 v0, v45;
	[tilespmem:v34+s21+$0x0] =	vst.idx.msk $0xffff, v59  }
0x18d: {  	v57 =	vld [tilespmem:s0+$0xFFFFFE50];
	v44 =	vshll.u32 v62, v1;
	v42 =	vbroadcast v42, $0x0;
	v58 =	vadd.s32 v5, v47;
	[tilespmem:v37+s21+$0x0] =	vst.idx.msk $0xffff, v61  }
0x18e: {  	v38 =	vshll.u32 v38, v1;
	v44 =	vbroadcast v44, $0x0;
	v60 =	vadd.s32 v9, v40;
	v59 =	vld [tilespmem:s0+$0xFFFFFE90];
	[tilespmem:v36+s21+$0x0] =	vst.idx.msk $0xffff, v63  }
0x18f: {  	v38 =	vbroadcast v38, $0x0;
	v62 =	vadd.s32 v13, v42;
	v61 =	vld [tilespmem:s0+$0xFFFFFED0];
	[tilespmem:v33+s21+$0x0] =	vst.idx.msk $0xffff, v48  }
0x190: {  	v39 =	vshrl.u32 v39, $0x3;
	v63 =	vadd.s32 v17, v44;
	v33 =	vld [tilespmem:s0+$0xFFFFFF10];
	[tilespmem:v50+s21+$0x0] =	vst.idx.msk $0xffff, v49  }
0x191: {  	v39 =	vshll.u32 v39, v1;
	v34 =	vld [tilespmem:s0+$0xFFFFFF50];
	[tilespmem:v56+s21+$0x0] =	vst.idx.msk $0xffff, v35;
	v56 =	vadd.s32 v21, v38  }
0x192: {  	[tilespmem:v58+s21+$0x0] =	vst.idx.msk $0xffff, v57;
	v35 =	vbroadcast v39, $0x0;
	v49 =	vadd.s32 v30, v41;
	v39 =	vld [tilespmem:s0+$0xFFFFFFE0]  }
0x193: {  	[tilespmem:v60+s21+$0x0] =	vst.idx.msk $0xffff, v59;
	v59 =	vld [tilespmem:s0+$0xFFFFFE60];
	v60 =	vadd.s32 v6, v47  }
0x194: {  	v57 =	vld [tilespmem:s0+$0xFFFFFF90];
	[tilespmem:v62+s21+$0x0] =	vst.idx.msk $0xffff, v61;
	v58 =	vadd.s32 v25, v35  }
0x195: {  	v61 =	vld [tilespmem:s0+$0xFFFFFEA0];
	v62 =	vadd.s32 v10, v40;
	[tilespmem:v63+s21+$0x0] =	vst.idx.msk $0xffff, v33  }
0x196: {  	v33 =	vld [tilespmem:s0+$0xFFFFFEE0];
	v63 =	vadd.s32 v14, v42;
	[tilespmem:v56+s21+$0x0] =	vst.idx.msk $0xffff, v34  }
0x197: {  	v56 =	vadd.s32 v18, v44;
	[tilespmem:v49+s21+$0x0] =	vst.idx.msk $0xffff, v39;
	v49 =	vld [tilespmem:s0+$0xFFFFFF20]  }
0x198: {  	[tilespmem:v60+s21+$0x0] =	vst.idx.msk $0xffff, v59;
	v39 =	vadd.s32 v31, v41;
	v34 =	vld [tilespmem:s0+$0xFFFFFFF0]  }
0x199: {  	[tilespmem:v58+s21+$0x0] =	vst.idx.msk $0xffff, v57;
	v57 =	vld [tilespmem:s0+$0xFFFFFF60];
	v58 =	vadd.s32 v22, v38  }
0x19a: {  	[tilespmem:v62+s21+$0x0] =	vst.idx.msk $0xffff, v61;
	v61 =	vld [tilespmem:s0+$0xFFFFFE20];
	v62 =	vadd.s32 v2, v45  }
0x19b: {  	v60 =	vadd.s32 v26, v35;
	v59 =	vld [tilespmem:s0+$0xFFFFFFA0];
	[tilespmem:v63+s21+$0x0] =	vst.idx.msk $0xffff, v33  }
0x19c: {  	v55 =	vadd.s32 v11, v40;
	v54 =	vadd.s32 v32, v41;
	v41 =	vld [tilespmem:s0+$0xFFFFFEB0];
	[tilespmem:v56+s21+$0x0] =	vst.idx.msk $0xffff, v49  }
0x19d: {  	v53 =	vadd.s32 v7, v47;
	v63 =	vld [tilespmem:s0+$0xFFFFFE70];
	[tilespmem:v39+s21+$0x0] =	vst.idx.msk $0xffff, v34  }
0x19e: {  	v56 =	vld [tilespmem:s0+$0xFFFFFEF0];
	[tilespmem:v58+s21+$0x0] =	vst.idx.msk $0xffff, v57;
	v57 =	vadd.s32 v15, v42  }
0x19f: {  	[tilespmem:v62+s21+$0x0] =	vst.idx.msk $0xffff, v61;
	v34 =	vld [tilespmem:s0+$0x0]  }
0x1a0: {  	v58 =	vld [tilespmem:s0+$0xFFFFFF30];
	[tilespmem:v60+s21+$0x0] =	vst.idx.msk $0xffff, v59;
	v59 =	vadd.s32 v19, v44  }
0x1a1: {  	v61 =	vadd.s32 v23, v38;
	[tilespmem:v55+s21+$0x0] =	vst.idx.msk $0xffff, v41;
	v60 =	vld [tilespmem:s0+$0xFFFFFF70]  }
0x1a2: {  	[tilespmem:v53+s21+$0x0] =	vst.idx.msk $0xffff, v63;
	v63 =	vadd.s32 v27, v35;
	v62 =	vld [tilespmem:s0+$0xFFFFFFB0]  }
0x1a3: {  	v47 =	vadd.s32 v8, v47;
	v55 =	vld [tilespmem:s0+$0xFFFFFE80];
	[tilespmem:v57+s21+$0x0] =	vst.idx.msk $0xffff, v56  }
0x1a4: {  	v53 =	vld [tilespmem:s0+$0xFFFFFE30];
	[tilespmem:v54+s21+$0x0] =	vst.idx.msk $0xffff, v34;
	v54 =	vadd.s32 v3, v45  }
0x1a5: {  	v40 =	vadd.s32 v12, v40;
	v56 =	vld [tilespmem:s0+$0xFFFFFEC0];
	[tilespmem:v59+s21+$0x0] =	vst.idx.msk $0xffff, v58  }
0x1a6: {  	v42 =	vadd.s32 v16, v42;
	v57 =	vld [tilespmem:s0+$0xFFFFFF00];
	[tilespmem:v61+s21+$0x0] =	vst.idx.msk $0xffff, v60  }
0x1a7: {  	v59 =	vadd.s32 v20, v44;
	v58 =	vld [tilespmem:s0+$0xFFFFFF40];
	[tilespmem:v63+s21+$0x0] =	vst.idx.msk $0xffff, v62  }
0x1a8: {  	v38 =	vadd.s32 v24, v38;
	v60 =	vld [tilespmem:s0+$0xFFFFFF80];
	[tilespmem:v47+s21+$0x0] =	vst.idx.msk $0xffff, v55  }
0x1a9: {  	v35 =	vadd.s32 v28, v35;
	v61 =	vld [tilespmem:s0+$0xFFFFFFC0];
	[tilespmem:v54+s21+$0x0] =	vst.idx.msk $0xffff, v53  }
0x1aa: {  	v63 =	vadd.s32 v4, v45;
	[tilespmem:v40+s21+$0x0] =	vst.idx.msk $0xffff, v56;
	v62 =	vld [tilespmem:s0+$0xFFFFFE40]  }
0x1ab: {  	[tilespmem:v42+s21+$0x0] =	vst.idx.msk $0xffff, v57  }
0x1ac: {  	[tilespmem:v59+s21+$0x0] =	vst.idx.msk $0xffff, v58  }
0x1ad: {  	s26 =	sadd.s32 s24, s17;
	[tilespmem:v38+s21+$0x0] =	vst.idx.msk $0xffff, v60  }
0x1ae: {  	s10 =	simm.s32 $0x200;
	s0 =	sadd.s32 s4, s26;
	[tilespmem:v35+s21+$0x0] =	vst.idx.msk $0xffff, v61  }
0x1af: {  	s1 =	simm.s32 $0x10508;
	s29 =	simm.s32 $0x10400;
	s26 =	sadd.s32 $0x0, s0;
	[tilespmem:v63+s21+$0x0] =	vst.idx.msk $0xffff, v62  }
.LBB2_16:
0x1b0: {  	[hbm4b:s26+s2] =	stream.linear.scatter [tilespmem:s29], [sflag:$0x9], $0x100, $0x38;
	[tilespmem:$0x18800] =	vst v63  }
0x1b1: {  	s26 =	smov.u32 s10;
	s29 =	smov.u32 s1;
	p2 =	sne.s32 s10, $0x7E00  }
.Ltmp7:
0x1b2: {  	s10 =	sadd.s32 $0x200, s10;
	(pc) =	sbr.rel @p2 .LBB2_16-.Ltmp7, $2  }
0x1b3: {  	_ =	sdelay $0x2  }
0x1b4: {  	s1 =	sadd.s32 $0x108, s1;
	s26 =	sadd.s32 s26, s0  }
0x1b5: {  	[hbm4b:s26+s2] =	stream.linear.scatter [tilespmem:s29], [sflag:$0x9], $0x100, $0x38;
	[tilespmem:$0x18800] =	vst v63  }
0x1b6: {  	s0 =	simm.s32 @p1 $0x3  }
0x1b7: {  	_ =	swait.ge @p1 [sflag:s0], $0x100  }
0x1b8: {  	s1 =	simm.s32 @p1 $0x200;
	[sflag:s0] =	ssyncset.done @p1 $0x0  }
0x1b9: {  	s10 =	simm.s32 @p1 $0x8400;
	[sflag:s0] =	ssyncadd.s32 @p1 $0xFFFFFF00;
	s0 =	simm.s32 @p1 $0x80  }
0x1ba: {  	[tilespmem:s10], [sflag:$0x7] =	stream.indirect.gather @p1 [hbm4b:s5+s0], $0x40, s1, s0, $0xb8;
	[tilespmem:$0x18800] =	vst v63  }
0x1bb: {  	s1 =	simm.s32 @p1 $0x280;
	s10 =	simm.s32 @p1 $0xA400  }
0x1bc: {  	[tilespmem:s10], [sflag:$0x7] =	stream.indirect.gather @p1 [hbm4b:s5+s0], $0x40, s1, s0, $0xb8;
	[tilespmem:$0x18800] =	vst v63  }
0x1bd: {  	s0 =	simm.s32 @p1 $0x8  }
0x1be: {  	s1 =	sadd.s32 @p1 s13, s7;
	_ =	swait.ge @p1 [sflag:s0], $0x4000  }
0x1bf: {  	s29 =	simm.s32 $0x0;
	s1 =	sshll.u32 @p1 s1, $0x5;
	[sflag:s0] =	ssyncset.done @p1 $0x0  }
0x1c0: {  	s26 =	simm.s32 $0x3;
	[sflag:s0] =	ssyncadd.s32 @p1 $0xFFFFC000;
	s0 =	sand.u32 @p1 $0x3FE00, s1  }
0x1c1: {  	s7 =	simm.s32 @p1 $0x300;
	s1 =	simm.s32 @p1 $0x0;
	s0 =	sadd.s32 @p1 s0, s14  }
0x1c2: {  	v33 =	vmov s29;
	[tilespmem:s7], [sflag:$0x4] =	stream.linear.gather @p1 [hbm4b:s0+s1], $0x100, $0x38;
	[tilespmem:$0x18800] =	vst v63  }
0x1c3: {  	s29 =	simm.s32 $0x7;
	v36 =	vmov s26;
	s26 =	simm.s32 $0x5;
	v33 =	vshrl.u32 v33, $0x3;
	s0 =	simm.s32 @!p1 $0x8  }
0x1c4: {  	v38 =	vmov s29;
	v39 =	vmov s26;
	s29 =	simm.s32 $0x6;
	v36 =	vshrl.u32 v36, $0x3;
	_ =	swait.ge @!p1 [sflag:s0], $0x4000  }
0x1c5: {  	v33 =	vshll.u32 v33, v1;
	v38 =	vshrl.u32 v38, $0x3;
	v40 =	vmov s29;
	[sflag:s0] =	ssyncset.done @!p1 $0x0  }
0x1c6: {  	v53 =	vshll.u32 v36, v1;
	v55 =	vshrl.u32 v39, $0x3;
	v38 =	vshll.u32 v38, v1;
	s7 =	simm.s32 $0x1;
	[sflag:s0] =	ssyncadd.s32 @!p1 $0xFFFFC000  }
0x1c7: {  	v33 =	vbroadcast v33, $0x0;
	v38 =	vbroadcast v38, $0x0;
	s10 =	simm.s32 $0x2;
	v34 =	vmov s7;
	_ =	swait.ge [sflag:s9], $0x4000  }
0x1c8: {  	v36 =	vshll.u32 v55, v1;
	v35 =	vmov s10;
	v34 =	vshrl.u32 v34, $0x3;
	[sflag:s9] =	ssyncset.done $0x0  }
0x1c9: {  	s10 =	simm.s32 $0x4;
	v42 =	vadd.s32 v29, v38;
	v35 =	vshrl.u32 v35, $0x3;
	s7 =	simm.s32 $0xC5F0;
	v34 =	vshll.u32 v34, v1;
	[sflag:s9] =	ssyncadd.s32 $0xFFFFC000  }
0x1ca: {  	v37 =	vmov s10;
	v52 =	vshll.u32 v35, v1;
	v45 =	vbroadcast v34, $0x0;
	v41 =	vld [tilespmem:s7+$0xFFFFFFD0]  }
0x1cb: {  	v44 =	vadd.s32 v0, v33;
	v37 =	vshrl.u32 v37, $0x3;
	v52 =	vbroadcast v52, $0x0;
	v43 =	vld [tilespmem:s7+$0xFFFFFE10]  }
0x1cc: {  	v35 =	vbroadcast v53, $0x0;
	v54 =	vshll.u32 v37, v1;
	v47 =	vadd.s32 v5, v45;
	v46 =	vld [tilespmem:s7+$0xFFFFFE50]  }
0x1cd: {  	v40 =	vshrl.u32 v40, $0x3;
	v49 =	vadd.s32 v9, v52;
	v34 =	vbroadcast v54, $0x0;
	v48 =	vld [tilespmem:s7+$0xFFFFFE90]  }
0x1ce: {  	v56 =	vshll.u32 v40, v1;
	v37 =	vbroadcast v36, $0x0;
	v50 =	vadd.s32 v13, v35;
	v39 =	vld [tilespmem:s7+$0xFFFFFED0]  }
0x1cf: {  	v36 =	vbroadcast v56, $0x0;
	v53 =	vadd.s32 v17, v34;
	v51 =	vld [tilespmem:s7+$0xFFFFFF10];
	[tilespmem:v42+s22+$0x0] =	vst.idx.msk $0xffff, v41  }
0x1d0: {  	v60 =	vadd.s32 v21, v37;
	v59 =	vld [tilespmem:s7+$0xFFFFFF50];
	[tilespmem:v44+s22+$0x0] =	vst.idx.msk $0xffff, v43  }
0x1d1: {  	v62 =	vadd.s32 v25, v36;
	v61 =	vld [tilespmem:s7+$0xFFFFFF90];
	[tilespmem:v47+s22+$0x0] =	vst.idx.msk $0xffff, v46  }
0x1d2: {  	v58 =	vadd.s32 v30, v38;
	[tilespmem:v49+s22+$0x0] =	vst.idx.msk $0xffff, v48;
	v57 =	vld [tilespmem:s7+$0xFFFFFFE0]  }
0x1d3: {  	v63 =	vadd.s32 v6, v45;
	[tilespmem:v50+s22+$0x0] =	vst.idx.msk $0xffff, v39;
	v47 =	vld [tilespmem:s7+$0xFFFFFE60]  }
0x1d4: {  	v55 =	vadd.s32 v10, v52;
	[tilespmem:v53+s22+$0x0] =	vst.idx.msk $0xffff, v51;
	v54 =	vld [tilespmem:s7+$0xFFFFFEA0]  }
0x1d5: {  	v56 =	vadd.s32 v14, v35;
	[tilespmem:v60+s22+$0x0] =	vst.idx.msk $0xffff, v59;
	v50 =	vld [tilespmem:s7+$0xFFFFFEE0]  }
0x1d6: {  	[tilespmem:v62+s22+$0x0] =	vst.idx.msk $0xffff, v61;
	v46 =	vadd.s32 v22, v37;
	v44 =	vld [tilespmem:s7+$0xFFFFFF60]  }
0x1d7: {  	v59 =	vadd.s32 v18, v34;
	[tilespmem:v58+s22+$0x0] =	vst.idx.msk $0xffff, v57;
	v58 =	vld [tilespmem:s7+$0xFFFFFF20]  }
0x1d8: {  	v57 =	vadd.s32 v31, v38;
	[tilespmem:v63+s22+$0x0] =	vst.idx.msk $0xffff, v47;
	v40 =	vld [tilespmem:s7+$0xFFFFFFF0]  }
0x1d9: {  	v62 =	vadd.s32 v2, v33;
	v61 =	vld [tilespmem:s7+$0xFFFFFE20];
	[tilespmem:v55+s22+$0x0] =	vst.idx.msk $0xffff, v54  }
0x1da: {  	v60 =	vadd.s32 v26, v36;
	v63 =	vld [tilespmem:s7+$0xFFFFFFA0];
	[tilespmem:v56+s22+$0x0] =	vst.idx.msk $0xffff, v50  }
0x1db: {  	v51 =	vadd.s32 v7, v45;
	[tilespmem:v46+s22+$0x0] =	vst.idx.msk $0xffff, v44;
	v50 =	vld [tilespmem:s7+$0xFFFFFE70]  }
0x1dc: {  	v56 =	vadd.s32 v11, v52;
	v55 =	vld [tilespmem:s7+$0xFFFFFEB0];
	[tilespmem:v59+s22+$0x0] =	vst.idx.msk $0xffff, v58  }
0x1dd: {  	v58 =	vadd.s32 v15, v35;
	[tilespmem:v57+s22+$0x0] =	vst.idx.msk $0xffff, v40;
	v57 =	vld [tilespmem:s7+$0xFFFFFEF0]  }
0x1de: {  	v38 =	vadd.s32 v32, v38;
	[tilespmem:v62+s22+$0x0] =	vst.idx.msk $0xffff, v61;
	v54 =	vld [tilespmem:s7+$0x0]  }
0x1df: {  	s10 =	simm.s32 $0x9;
	[tilespmem:v60+s22+$0x0] =	vst.idx.msk $0xffff, v63;
	v60 =	vadd.s32 v19, v34;
	v59 =	vld [tilespmem:s7+$0xFFFFFF30]  }
0x1e0: {  	s29 =	simm.s32 $0xB;
	v41 =	vadd.s32 v23, v37;
	v53 =	vmov s10;
	[tilespmem:v51+s22+$0x0] =	vst.idx.msk $0xffff, v50;
	v40 =	vld [tilespmem:s7+$0xFFFFFF70]  }
0x1e1: {  	s1 =	simm.s32 $0x8;
	v43 =	vadd.s32 v27, v36;
	s10 =	simm.s32 $0xC;
	v48 =	vadd.s32 v3, v33;
	v44 =	vmov s29;
	v42 =	vld [tilespmem:s7+$0xFFFFFFB0];
	[tilespmem:v56+s22+$0x0] =	vst.idx.msk $0xffff, v55  }
0x1e2: {  	s26 =	simm.s32 $0xA;
	v47 =	vmov s10;
	v52 =	vadd.s32 v12, v52;
	v46 =	vld [tilespmem:s7+$0xFFFFFE30];
	v63 =	vmov s1;
	[tilespmem:v58+s22+$0x0] =	vst.idx.msk $0xffff, v57  }
0x1e3: {  	s29 =	simm.s32 $0xE;
	v39 =	vshrl.u32 v63, $0x3;
	v51 =	vadd.s32 v8, v45;
	v49 =	vld [tilespmem:s7+$0xFFFFFE80];
	[tilespmem:v38+s22+$0x0] =	vst.idx.msk $0xffff, v54;
	v54 =	vmov s26;
	s26 =	simm.s32 $0xD  }
0x1e4: {  	s0 =	simm.s32 $0x10;
	s10 =	simm.s32 $0xF;
	v45 =	vshll.u32 v39, v1;
	v39 =	vmov s29;
	v50 =	vld [tilespmem:s7+$0xFFFFFEC0];
	[tilespmem:v60+s22+$0x0] =	vst.idx.msk $0xffff, v59;
	v38 =	vmov s26  }
.LBB2_18:
0x1e5: {  	p1 =	slt.u32 s0, $0xF8;
	v53 =	vshrl.u32 v53, $0x3;
	v55 =	vmov s10;
	v56 =	vld [tilespmem:s7+$0xFFFFFF00];
	v35 =	vadd.s32 v16, v35;
	[tilespmem:v41+s22+$0x0] =	vst.idx.msk $0xffff, v40  }
0x1e6: {  	v40 =	vshrl.u32 v54, $0x3;
	v34 =	vadd.s32 v20, v34;
	v41 =	vshrl.u32 v55, $0x3;
	v54 =	vld [tilespmem:s7+$0xFFFFFF40];
	[tilespmem:v43+s22+$0x0] =	vst.idx.msk $0xffff, v42  }
0x1e7: {  	v37 =	vadd.s32 v24, v37;
	v42 =	vshrl.u32 v44, $0x3;
	v41 =	vshll.u32 v41, v1;
	[tilespmem:v48+s22+$0x0] =	vst.idx.msk $0xffff, v46;
	v43 =	vld [tilespmem:s7+$0xFFFFFF80]  }
0x1e8: {  	v36 =	vadd.s32 v28, v36;
	v44 =	vshrl.u32 v47, $0x3;
	v41 =	vbroadcast v41, $0x0;
	[tilespmem:v51+s22+$0x0] =	vst.idx.msk $0xffff, v49;
	v46 =	vld [tilespmem:s7+$0xFFFFFFC0]  }
0x1e9: {  	v47 =	vshll.u32 v53, v1;
	v49 =	vadd.s32 v4, v33;
	v33 =	vbroadcast v45, $0x0;
	v48 =	vld [tilespmem:s7+$0xFFFFFE40];
	[tilespmem:v52+s22+$0x0] =	vst.idx.msk $0xffff, v50;
	s7 =	sadd.s32 $0x200, s7  }
0x1ea: {  	v40 =	vshll.u32 v40, v1;
	v45 =	vbroadcast v47, $0x0;
	v47 =	vld [tilespmem:s7+$0xFFFFFFD0];
	v50 =	vadd.s32 v29, v41;
	[tilespmem:v35+s22+$0x0] =	vst.idx.msk $0xffff, v56  }
0x1eb: {  	v55 =	vbroadcast v40, $0x0;
	v52 =	vadd.s32 v0, v33;
	v35 =	vshll.u32 v42, v1;
	v51 =	vld [tilespmem:s7+$0xFFFFFE10];
	[tilespmem:v34+s22+$0x0] =	vst.idx.msk $0xffff, v54  }
0x1ec: {  	v42 =	vadd.s32 v5, v45;
	v35 =	vbroadcast v35, $0x0;
	v34 =	vshll.u32 v44, v1;
	v40 =	vld [tilespmem:s7+$0xFFFFFE50];
	[tilespmem:v37+s22+$0x0] =	vst.idx.msk $0xffff, v43  }
0x1ed: {  	v44 =	vadd.s32 v9, v55;
	v34 =	vbroadcast v34, $0x0;
	v37 =	vshrl.u32 v38, $0x3;
	v43 =	vld [tilespmem:s7+$0xFFFFFE90];
	[tilespmem:v36+s22+$0x0] =	vst.idx.msk $0xffff, v46  }
0x1ee: {  	v39 =	vshrl.u32 v39, $0x3;
	v46 =	vadd.s32 v13, v35;
	v36 =	vshll.u32 v37, v1;
	v38 =	vld [tilespmem:s7+$0xFFFFFED0];
	[tilespmem:v49+s22+$0x0] =	vst.idx.msk $0xffff, v48  }
0x1ef: {  	v49 =	vadd.s32 v17, v34;
	v37 =	vbroadcast v36, $0x0;
	v36 =	vshll.u32 v39, v1;
	v48 =	vld [tilespmem:s7+$0xFFFFFF10];
	[tilespmem:v50+s22+$0x0] =	vst.idx.msk $0xffff, v47  }
0x1f0: {  	v36 =	vbroadcast v36, $0x0;
	v47 =	vadd.s32 v30, v41;
	[tilespmem:v52+s22+$0x0] =	vst.idx.msk $0xffff, v51;
	v39 =	vld [tilespmem:s7+$0xFFFFFFE0]  }
0x1f1: {  	[tilespmem:v42+s22+$0x0] =	vst.idx.msk $0xffff, v40;
	v40 =	vld [tilespmem:s7+$0xFFFFFF50];
	v42 =	vadd.s32 v21, v37  }
0x1f2: {  	[tilespmem:v44+s22+$0x0] =	vst.idx.msk $0xffff, v43;
	v43 =	vld [tilespmem:s7+$0xFFFFFF90];
	v44 =	vadd.s32 v25, v36  }
0x1f3: {  	v51 =	vadd.s32 v6, v45;
	v50 =	vld [tilespmem:s7+$0xFFFFFE60];
	[tilespmem:v46+s22+$0x0] =	vst.idx.msk $0xffff, v38  }
0x1f4: {  	v46 =	vadd.s32 v10, v55;
	v38 =	vld [tilespmem:s7+$0xFFFFFEA0];
	[tilespmem:v49+s22+$0x0] =	vst.idx.msk $0xffff, v48  }
0x1f5: {  	v49 =	vadd.s32 v14, v35;
	v48 =	vld [tilespmem:s7+$0xFFFFFEE0];
	[tilespmem:v47+s22+$0x0] =	vst.idx.msk $0xffff, v39  }
0x1f6: {  	[tilespmem:v42+s22+$0x0] =	vst.idx.msk $0xffff, v40;
	v39 =	vld [tilespmem:s7+$0xFFFFFFF0];
	v40 =	vadd.s32 v31, v41  }
0x1f7: {  	v47 =	vadd.s32 v18, v34;
	v42 =	vld [tilespmem:s7+$0xFFFFFF20];
	[tilespmem:v44+s22+$0x0] =	vst.idx.msk $0xffff, v43  }
0x1f8: {  	v44 =	vadd.s32 v22, v37;
	[tilespmem:v51+s22+$0x0] =	vst.idx.msk $0xffff, v50;
	v43 =	vld [tilespmem:s7+$0xFFFFFF60]  }
0x1f9: {  	[tilespmem:v46+s22+$0x0] =	vst.idx.msk $0xffff, v38;
	v38 =	vld [tilespmem:s7+$0xFFFFFFA0];
	v46 =	vadd.s32 v26, v36  }
0x1fa: {  	v51 =	vadd.s32 v2, v33;
	v50 =	vld [tilespmem:s7+$0xFFFFFE20];
	[tilespmem:v49+s22+$0x0] =	vst.idx.msk $0xffff, v48  }
0x1fb: {  	v49 =	vadd.s32 v7, v45;
	v48 =	vld [tilespmem:s7+$0xFFFFFE70];
	[tilespmem:v40+s22+$0x0] =	vst.idx.msk $0xffff, v39  }
0x1fc: {  	[tilespmem:v47+s22+$0x0] =	vst.idx.msk $0xffff, v42;
	v39 =	vld [tilespmem:s7+$0x0];
	v47 =	vadd.s32 v32, v41  }
0x1fd: {  	v56 =	vadd.s32 v11, v55;
	v52 =	vld [tilespmem:s7+$0xFFFFFEB0];
	[tilespmem:v44+s22+$0x0] =	vst.idx.msk $0xffff, v43  }
0x1fe: {  	v58 =	vadd.s32 v15, v35;
	v57 =	vld [tilespmem:s7+$0xFFFFFEF0];
	[tilespmem:v46+s22+$0x0] =	vst.idx.msk $0xffff, v38  }
0x1ff: {  	v60 =	vadd.s32 v19, v34;
	[tilespmem:v51+s22+$0x0] =	vst.idx.msk $0xffff, v50;
	v59 =	vld [tilespmem:s7+$0xFFFFFF30]  }
.Ltmp8:
0x200: {  	s1 =	sadd.s32 $0x1, s0;
	v41 =	vadd.s32 v23, v37;
	v38 =	vmov s0;
	[tilespmem:v49+s22+$0x0] =	vst.idx.msk $0xffff, v48;
	v40 =	vld [tilespmem:s7+$0xFFFFFF70];
	(pc) =	sbr.rel @p1 .LBB2_18-.Ltmp8, $4  }
0x201: {  	s10 =	sadd.s32 $0x3, s0;
	v53 =	vmov s1;
	s1 =	sadd.s32 $0x2, s0;
	v43 =	vadd.s32 v27, v36;
	v50 =	vshrl.u32 v38, $0x3;
	v42 =	vld [tilespmem:s7+$0xFFFFFFB0];
	[tilespmem:v47+s22+$0x0] =	vst.idx.msk $0xffff, v39  }
0x202: {  	v54 =	vmov s1;
	s1 =	sadd.s32 $0x4, s0;
	v44 =	vmov s10;
	s10 =	sadd.s32 $0x5, s0;
	v48 =	vadd.s32 v3, v33;
	v46 =	vld [tilespmem:s7+$0xFFFFFE30];
	[tilespmem:v56+s22+$0x0] =	vst.idx.msk $0xffff, v52  }
0x203: {  	v38 =	vmov s10;
	v51 =	vadd.s32 v8, v45;
	v47 =	vmov s1;
	s1 =	sadd.s32 $0x6, s0;
	v49 =	vld [tilespmem:s7+$0xFFFFFE80];
	[tilespmem:v58+s22+$0x0] =	vst.idx.msk $0xffff, v57  }
0x204: {  	s10 =	sadd.s32 $0x7, s0;
	v45 =	vshll.u32 v50, v1;
	s0 =	sadd.s32 $0x8, s0;
	v39 =	vmov s1;
	v52 =	vadd.s32 v12, v55;
	v50 =	vld [tilespmem:s7+$0xFFFFFEC0];
	[tilespmem:v60+s22+$0x0] =	vst.idx.msk $0xffff, v59  }
0x205: {  	_ =	sdelay $0x2  }
0x206: {  	v53 =	vshrl.u32 v53, $0x3  }
0x207: {  	v55 =	vmov s10;
	v56 =	vld [tilespmem:s7+$0xFFFFFF00];
	v35 =	vadd.s32 v16, v35;
	[tilespmem:v41+s22+$0x0] =	vst.idx.msk $0xffff, v40;
	v57 =	vshrl.u32 v54, $0x3  }
0x208: {  	v59 =	vld [tilespmem:s7+$0xFFFFFF40];
	v34 =	vadd.s32 v20, v34;
	v60 =	vshrl.u32 v44, $0x3;
	v58 =	vshrl.u32 v55, $0x3;
	[tilespmem:v43+s22+$0x0] =	vst.idx.msk $0xffff, v42  }
0x209: {  	v37 =	vadd.s32 v24, v37;
	v62 =	vshrl.u32 v47, $0x3;
	v61 =	vld [tilespmem:s7+$0xFFFFFF80];
	v41 =	vshll.u32 v58, v1;
	[tilespmem:v48+s22+$0x0] =	vst.idx.msk $0xffff, v46  }
0x20a: {  	v36 =	vadd.s32 v28, v36;
	v45 =	vbroadcast v45, $0x0;
	v63 =	vld [tilespmem:s7+$0xFFFFFFC0];
	v41 =	vbroadcast v41, $0x0;
	[tilespmem:v51+s22+$0x0] =	vst.idx.msk $0xffff, v49  }
0x20b: {  	v33 =	vadd.s32 v4, v33;
	s0 =	sadd.s32 $0x200, s7;
	v38 =	vshrl.u32 v38, $0x3;
	v55 =	vshll.u32 v53, v1;
	v48 =	vld [tilespmem:s7+$0xFFFFFE40];
	[tilespmem:v52+s22+$0x0] =	vst.idx.msk $0xffff, v50  }
0x20c: {  	v40 =	vshll.u32 v57, v1;
	v47 =	vbroadcast v55, $0x0;
	v49 =	vld [tilespmem:s0+$0xFFFFFFD0];
	v50 =	vadd.s32 v29, v41;
	[tilespmem:v35+s22+$0x0] =	vst.idx.msk $0xffff, v56  }
0x20d: {  	v42 =	vshll.u32 v60, v1;
	v40 =	vbroadcast v40, $0x0;
	v35 =	vld [tilespmem:s0+$0xFFFFFE10];
	v56 =	vadd.s32 v0, v45;
	[tilespmem:v34+s22+$0x0] =	vst.idx.msk $0xffff, v59  }
0x20e: {  	v57 =	vld [tilespmem:s0+$0xFFFFFE50];
	v44 =	vshll.u32 v62, v1;
	v42 =	vbroadcast v42, $0x0;
	v58 =	vadd.s32 v5, v47;
	[tilespmem:v37+s22+$0x0] =	vst.idx.msk $0xffff, v61  }
0x20f: {  	v38 =	vshll.u32 v38, v1;
	v44 =	vbroadcast v44, $0x0;
	v60 =	vadd.s32 v9, v40;
	v59 =	vld [tilespmem:s0+$0xFFFFFE90];
	[tilespmem:v36+s22+$0x0] =	vst.idx.msk $0xffff, v63  }
0x210: {  	v38 =	vbroadcast v38, $0x0;
	v62 =	vadd.s32 v13, v42;
	v61 =	vld [tilespmem:s0+$0xFFFFFED0];
	[tilespmem:v33+s22+$0x0] =	vst.idx.msk $0xffff, v48  }
0x211: {  	v39 =	vshrl.u32 v39, $0x3;
	v63 =	vadd.s32 v17, v44;
	v33 =	vld [tilespmem:s0+$0xFFFFFF10];
	[tilespmem:v50+s22+$0x0] =	vst.idx.msk $0xffff, v49  }
0x212: {  	v39 =	vshll.u32 v39, v1;
	v34 =	vld [tilespmem:s0+$0xFFFFFF50];
	[tilespmem:v56+s22+$0x0] =	vst.idx.msk $0xffff, v35;
	v56 =	vadd.s32 v21, v38  }
0x213: {  	[tilespmem:v58+s22+$0x0] =	vst.idx.msk $0xffff, v57;
	v35 =	vbroadcast v39, $0x0;
	v49 =	vadd.s32 v30, v41;
	v39 =	vld [tilespmem:s0+$0xFFFFFFE0]  }
0x214: {  	[tilespmem:v60+s22+$0x0] =	vst.idx.msk $0xffff, v59;
	v59 =	vld [tilespmem:s0+$0xFFFFFE60];
	v60 =	vadd.s32 v6, v47  }
0x215: {  	v57 =	vld [tilespmem:s0+$0xFFFFFF90];
	[tilespmem:v62+s22+$0x0] =	vst.idx.msk $0xffff, v61;
	v58 =	vadd.s32 v25, v35  }
0x216: {  	v61 =	vld [tilespmem:s0+$0xFFFFFEA0];
	v62 =	vadd.s32 v10, v40;
	[tilespmem:v63+s22+$0x0] =	vst.idx.msk $0xffff, v33  }
0x217: {  	v33 =	vld [tilespmem:s0+$0xFFFFFEE0];
	v63 =	vadd.s32 v14, v42;
	[tilespmem:v56+s22+$0x0] =	vst.idx.msk $0xffff, v34  }
0x218: {  	v56 =	vadd.s32 v18, v44;
	[tilespmem:v49+s22+$0x0] =	vst.idx.msk $0xffff, v39;
	v49 =	vld [tilespmem:s0+$0xFFFFFF20]  }
0x219: {  	[tilespmem:v60+s22+$0x0] =	vst.idx.msk $0xffff, v59;
	v39 =	vadd.s32 v31, v41;
	v34 =	vld [tilespmem:s0+$0xFFFFFFF0]  }
0x21a: {  	[tilespmem:v58+s22+$0x0] =	vst.idx.msk $0xffff, v57;
	v57 =	vld [tilespmem:s0+$0xFFFFFF60];
	v58 =	vadd.s32 v22, v38  }
0x21b: {  	[tilespmem:v62+s22+$0x0] =	vst.idx.msk $0xffff, v61;
	v61 =	vld [tilespmem:s0+$0xFFFFFE20];
	v62 =	vadd.s32 v2, v45  }
0x21c: {  	v60 =	vadd.s32 v26, v35;
	v59 =	vld [tilespmem:s0+$0xFFFFFFA0];
	[tilespmem:v63+s22+$0x0] =	vst.idx.msk $0xffff, v33  }
0x21d: {  	v55 =	vadd.s32 v11, v40;
	v54 =	vadd.s32 v32, v41;
	v41 =	vld [tilespmem:s0+$0xFFFFFEB0];
	[tilespmem:v56+s22+$0x0] =	vst.idx.msk $0xffff, v49  }
0x21e: {  	v53 =	vadd.s32 v7, v47;
	v63 =	vld [tilespmem:s0+$0xFFFFFE70];
	[tilespmem:v39+s22+$0x0] =	vst.idx.msk $0xffff, v34  }
0x21f: {  	v56 =	vld [tilespmem:s0+$0xFFFFFEF0];
	[tilespmem:v58+s22+$0x0] =	vst.idx.msk $0xffff, v57;
	v57 =	vadd.s32 v15, v42  }
0x220: {  	[tilespmem:v62+s22+$0x0] =	vst.idx.msk $0xffff, v61;
	v34 =	vld [tilespmem:s0+$0x0]  }
0x221: {  	v58 =	vld [tilespmem:s0+$0xFFFFFF30];
	[tilespmem:v60+s22+$0x0] =	vst.idx.msk $0xffff, v59;
	v59 =	vadd.s32 v19, v44  }
0x222: {  	v61 =	vadd.s32 v23, v38;
	[tilespmem:v55+s22+$0x0] =	vst.idx.msk $0xffff, v41;
	v60 =	vld [tilespmem:s0+$0xFFFFFF70]  }
0x223: {  	[tilespmem:v53+s22+$0x0] =	vst.idx.msk $0xffff, v63;
	v63 =	vadd.s32 v27, v35;
	v62 =	vld [tilespmem:s0+$0xFFFFFFB0]  }
0x224: {  	v47 =	vadd.s32 v8, v47;
	v55 =	vld [tilespmem:s0+$0xFFFFFE80];
	[tilespmem:v57+s22+$0x0] =	vst.idx.msk $0xffff, v56  }
0x225: {  	v53 =	vld [tilespmem:s0+$0xFFFFFE30];
	[tilespmem:v54+s22+$0x0] =	vst.idx.msk $0xffff, v34;
	v54 =	vadd.s32 v3, v45  }
0x226: {  	v40 =	vadd.s32 v12, v40;
	v56 =	vld [tilespmem:s0+$0xFFFFFEC0];
	[tilespmem:v59+s22+$0x0] =	vst.idx.msk $0xffff, v58  }
0x227: {  	v42 =	vadd.s32 v16, v42;
	v57 =	vld [tilespmem:s0+$0xFFFFFF00];
	[tilespmem:v61+s22+$0x0] =	vst.idx.msk $0xffff, v60  }
0x228: {  	v59 =	vadd.s32 v20, v44;
	v58 =	vld [tilespmem:s0+$0xFFFFFF40];
	[tilespmem:v63+s22+$0x0] =	vst.idx.msk $0xffff, v62  }
0x229: {  	v38 =	vadd.s32 v24, v38;
	v60 =	vld [tilespmem:s0+$0xFFFFFF80];
	[tilespmem:v47+s22+$0x0] =	vst.idx.msk $0xffff, v55  }
0x22a: {  	v35 =	vadd.s32 v28, v35;
	v61 =	vld [tilespmem:s0+$0xFFFFFFC0];
	[tilespmem:v54+s22+$0x0] =	vst.idx.msk $0xffff, v53  }
0x22b: {  	v63 =	vadd.s32 v4, v45;
	[tilespmem:v40+s22+$0x0] =	vst.idx.msk $0xffff, v56;
	v62 =	vld [tilespmem:s0+$0xFFFFFE40]  }
0x22c: {  	[tilespmem:v42+s22+$0x0] =	vst.idx.msk $0xffff, v57  }
0x22d: {  	[tilespmem:v59+s22+$0x0] =	vst.idx.msk $0xffff, v58  }
0x22e: {  	s29 =	sadd.s32 s24, s18;
	[tilespmem:v38+s22+$0x0] =	vst.idx.msk $0xffff, v60  }
0x22f: {  	s10 =	simm.s32 $0x200;
	s0 =	sadd.s32 s4, s29;
	[tilespmem:v35+s22+$0x0] =	vst.idx.msk $0xffff, v61  }
0x230: {  	s1 =	simm.s32 $0x14708;
	s7 =	simm.s32 $0x14600;
	s24 =	sadd.s32 $0x0, s0;
	[tilespmem:v63+s22+$0x0] =	vst.idx.msk $0xffff, v62  }
.LBB2_20:
0x231: {  	[hbm4b:s24+s2] =	stream.linear.scatter [tilespmem:s7], [sflag:$0xA], $0x100, $0x38;
	[tilespmem:$0x18800] =	vst v63  }
0x232: {  	s24 =	smov.u32 s10;
	s7 =	smov.u32 s1;
	p1 =	sne.s32 s10, $0x7E00  }
.Ltmp9:
0x233: {  	s10 =	sadd.s32 $0x200, s10;
	(pc) =	sbr.rel @p1 .LBB2_20-.Ltmp9, $2  }
0x234: {  	_ =	sdelay $0x2  }
0x235: {  	s1 =	sadd.s32 $0x108, s1;
	s24 =	sadd.s32 s24, s0  }
0x236: {  	s19 =	sadd.s32 $0x1, s19  }
0x237: {  	p1 =	sne.s32 s19, $0x19  }
.Ltmp10:
0x238: {  	_ = 	snop;
	(pc) =	sbr.rel @p1 .LBB2_2-.Ltmp10, $2  }
0x239: {  	_ =	sdelay $0x2  }
0x23a: {  	[hbm4b:s24+s2] =	stream.linear.scatter [tilespmem:s7], [sflag:$0xA], $0x100, $0x38;
	[tilespmem:$0x18800] =	vst v63  }
0x23b: {  	_ =	swait.ge [sflag:s8], $0x4000  }
0x23c: {  	[sflag:s8] =	ssyncset.done $0x0  }
0x23d: {  	[sflag:s8] =	ssyncadd.s32 $0xFFFFC000  }
0x23e: {  	_ =	swait.ge [sflag:s9], $0x4000  }
0x23f: {  	s1 =	rddreg [dreg:$0x8]  }
0x240: {  	s0 =	rddreg [dreg:$0x7];
	s1 =	sadd.s32 $0x1, s1  }
0x241: {  	p1 =	sne.s32 s1, s0  }
.Ltmp11:
0x242: {  	_ = 	snop;
	(pc) =	sbr.rel @p1 .LBB2_1-.Ltmp11, $3  }
0x243: {  	_ =	sdelay $0x1  }
0x244: {  	[sflag:s9] =	ssyncset.done $0x0  }
0x245: {  	[sflag:s9] =	ssyncadd.s32 $0xFFFFC000  }
0x246: {  	_ =	sfence.sel $0x180000  }
0x247: {  	[bflag:$0x0] =	sbarrier.arrive $0xFFFF  }
0x248: {  	_ =	strace $0x90000047  }
0x249: {  	s0 =	stileid.u32;
	[bflag:$0x2] =	sbarrier.arrive $0xFFFF  }
0x24a: {  	p0 =	sne.s32 s0, $0x0;
	s0 =	rddreg [dreg:$0x2]  }
0x24b: {  	s0 =	sadd.s32 @!p0 $0x100000, s0  }
0x24c: {  	[sflag:s0] =	ssyncadd.tile.s32 @!p0 $0x1;
	_ =	shalt  }
.Lfunc_end2:
_tile_overlayer_lowered:
.L_overlay_start_2:
0x24d: {  	(tag) =	ssettag $0x2  }
0x24e: {  	s0 =	rddreg [dreg:$0x0];
	s2 =	stileid.u32  }
0x24f: {  	s1 =	rddreg [dreg:$0x1];
	p0 =	sne.s32 s2, $0x0  }
0x250: {  	s3 =	rddreg [dreg:$0x2];
	[bflag:$0x3] =	sbarrier.arrive $0xFFFF;
	s2 =	simm.s32 @!p0 $0x1C0B  }
0x251: {  	[timem:s3], [sflag:s2] =	dma.local @!p0 [hbm:s0], s1  }
0x252: {  	s0 =	simm.s32 @!p0 $0xB  }
0x253: {  	_ =	swait.ge @!p0 [sflag:s0], s1  }
0x254: {  	s1 =	ssub.s32 @!p0 $0x0, s1;
	[sflag:s0] =	ssyncset.done @!p0 $0x0  }
0x255: {  	[sflag:s0] =	ssyncadd.s32 @!p0 s1  }
0x256: {  	[bflag:$0x3] =	sbarrier.arrive $0xFFFF  }
0x257: {  	_ =	shalt  }

</sc_bundles>
